<compile_context>
chip_gen: v7x
topology: tpu7x:2x2x1
jax: 0.10.2.dev20260603
libtpu: 0.0.44.dev20260713+nightly
codegen_flags: <defaults>
</compile_context>

<pallas_src>
import functools
import math

import jax
import jax.numpy as jnp
from jax import lax
from jax.experimental import pallas as pl
from jax.experimental.pallas import tpu as pltpu
from jax.experimental.pallas import tpu_sc as plsc

_C = 256
_HF = 50
_WF = 50
_N = 2000
_P = 7
_D = 1024
_NCLS = 81
_IMG = 800
_SCORE_THR = 0.01
_MIN_SIZE = 16.0
_NMS_THR = 0.5
_TOPK = 100
_PRE_NMS_K = 500
_KPAD = 512

_NPAD = 2048
_MBLK = 256
_KBLK = 1792


def _fc1_body(x_ref, w_ref, b_ref, o_ref):
    k = pl.program_id(1)
    nk = pl.num_programs(1)

    @pl.when(k == 0)
    def _():
        o_ref[...] = jnp.zeros_like(o_ref)

    o_ref[...] += jax.lax.dot_general(
        x_ref[...], w_ref[...], (((1,), (1,)), ((), ())),
        preferred_element_type=jnp.float32)

    @pl.when(k == nk - 1)
    def _():
        o_ref[...] = jnp.maximum(o_ref[...] + b_ref[...], 0.0)


def _head_body(x1_ref, w2_ref, b2_ref, clsw_ref, clsb_ref,
               dxw_ref, dyw_ref, dww_ref, dhw_ref,
               dxb_ref, dyb_ref, dwb_ref, dhb_ref,
               prop_ref, imghw_ref,
               sc_ref, bx1_ref, by1_ref, bx2_ref, by2_ref):
    def mm(x, w):
        return jax.lax.dot_general(
            x, w, (((1,), (1,)), ((), ())), preferred_element_type=jnp.float32)

    x2 = jnp.maximum(mm(x1_ref[...], w2_ref[...]) + b2_ref[...], 0.0)
    logits = mm(x2, clsw_ref[...]) + clsb_ref[...]
    dx = mm(x2, dxw_ref[...]) + dxb_ref[...]
    dy = mm(x2, dyw_ref[...]) + dyb_ref[...]
    dw = mm(x2, dww_ref[...]) + dwb_ref[...]
    dh = mm(x2, dhw_ref[...]) + dhb_ref[...]

    lmax = jnp.max(logits, axis=-1, keepdims=True)
    unn = jnp.exp(logits - lmax)
    scores = unn / jnp.sum(unn, axis=-1, keepdims=True)
    scores = scores[:, 1:]

    h_img = imghw_ref[0, 0]
    w_img = imghw_ref[0, 1]

    px1 = prop_ref[:, 0:1]
    py1 = prop_ref[:, 1:2]
    px2 = prop_ref[:, 2:3]
    py2 = prop_ref[:, 3:4]
    pw = px2 - px1
    ph_ = py2 - py1
    pcx = px1 + 0.5 * pw
    pcy = py1 + 0.5 * ph_

    dmax = math.log(1000.0 / 16.0)
    dw = jnp.minimum(dw, dmax)
    dh = jnp.minimum(dh, dmax)
    cx = dx * pw + pcx
    cy = dy * ph_ + pcy
    bw = jnp.exp(dw) * pw
    bh = jnp.exp(dh) * ph_
    bx1 = jnp.clip(cx - 0.5 * bw, 0.0, w_img)
    by1 = jnp.clip(cy - 0.5 * bh, 0.0, h_img)
    bx2 = jnp.clip(cx + 0.5 * bw, 0.0, w_img)
    by2 = jnp.clip(cy + 0.5 * bh, 0.0, h_img)

    ws = bx2 - bx1
    hs = by2 - by1
    valid = (scores > _SCORE_THR) & (ws >= _MIN_SIZE) & (hs >= _MIN_SIZE)
    sc = jnp.where(valid, scores, -1.0)

    row = jax.lax.broadcasted_iota(jnp.int32, sc.shape, 0)
    sc = jnp.where(row < _N, sc, -2.0)

    sc_ref[...] = sc
    bx1_ref[...] = bx1
    by1_ref[...] = by1
    bx2_ref[...] = bx2
    by2_ref[...] = by2


_NW = 32
_GB = _NPAD * _P * _P
_BPW = _GB // _NW
_GCH = 8
_CHROWS = _BPW // _GCH


def _sc_gather(table, idx):
    mesh = plsc.VectorSubcoreMesh(core_axis_name="c", subcore_axis_name="s")

    @functools.partial(
        pl.kernel, mesh=mesh,
        out_type=jax.ShapeDtypeStruct((_GB, _C), jnp.float32),
        scratch_types=[
            pltpu.VMEM((_BPW,), jnp.int32),
            pltpu.VMEM((_CHROWS, _C), jnp.float32),
            pltpu.SemaphoreType.DMA,
        ],
    )
    def k(table_hbm, idx_hbm, out_hbm, idx_v, rows_v, sem):
        wid = lax.axis_index("s") * 2 + lax.axis_index("c")
        base = wid * _BPW
        pltpu.sync_copy(idx_hbm.at[pl.ds(base, _BPW)], idx_v)
        for ch in range(_GCH):
            pltpu.async_copy(
                table_hbm.at[idx_v.at[pl.ds(ch * _CHROWS, _CHROWS)]],
                rows_v, sem).wait()
            pltpu.sync_copy(rows_v,
                            out_hbm.at[pl.ds(base + ch * _CHROWS, _CHROWS)])

    return k(table, idx)


def _nms_body(bx1_ref, by1_ref, bx2_ref, by2_ref,
              cx1_ref, cy1_ref, cx2_ref, cy2_ref,
              ts_ref, kept_ref, sup_ref):
    ox1 = bx1_ref[...]
    oy1 = by1_ref[...]
    ox2 = bx2_ref[...]
    oy2 = by2_ref[...]
    ts = ts_ref[...]
    idx = jax.lax.broadcasted_iota(jnp.int32, ox1.shape, 1)

    sup_ref[...] = jnp.where(ts <= 0.0, 1.0, 0.0)

    def body(i, _):
        px1 = cx1_ref[i, 0]
        py1 = cy1_ref[i, 0]
        px2 = cx2_ref[i, 0]
        py2 = cy2_ref[i, 0]
        sup = sup_ref[...]
        sup_i = jnp.max(jnp.where(idx == i, sup, 0.0))
        ix1 = jnp.maximum(px1, ox1)
        iy1 = jnp.maximum(py1, oy1)
        ix2 = jnp.minimum(px2, ox2)
        iy2 = jnp.minimum(py2, oy2)
        inter = jnp.maximum(ix2 - ix1, 0.0) * jnp.maximum(iy2 - iy1, 0.0)
        a1 = (jnp.maximum(px2 - px1, 0.0) * jnp.maximum(py2 - py1, 0.0))
        a2 = (jnp.maximum(ox2 - ox1, 0.0) * jnp.maximum(oy2 - oy1, 0.0))
        iou = inter / (a1 + a2 - inter + 1e-9)
        cond = (sup_i == 0.0) & (iou > _NMS_THR) & (idx > i)
        sup_ref[...] = jnp.where(cond, 1.0, sup)
        return 0

    jax.lax.fori_loop(0, _PRE_NMS_K, body, 0)
    kept_ref[...] = jnp.where(sup_ref[...] > 0.0, -1.0, ts)


def kernel(feat, proposals, image_shape, target, fc1_w, fc1_b, fc2_w, fc2_b,
           cls_w, cls_b, reg_w, reg_b):
    h_img = image_shape[0].astype(jnp.float32)
    w_img = image_shape[1].astype(jnp.float32)
    scale = feat.shape[-1] / w_img
    fmap = feat[0]
    rois = proposals * scale
    rx1, ry1 = rois[:, 0], rois[:, 1]
    rw = jnp.maximum(rois[:, 2] - rx1, 1.0)
    rh = jnp.maximum(rois[:, 3] - ry1, 1.0)
    px = rx1[:, None] + (jnp.arange(_P, dtype=jnp.float32) + 0.5) * (rw / _P)[:, None]
    py = ry1[:, None] + (jnp.arange(_P, dtype=jnp.float32) + 0.5) * (rh / _P)[:, None]
    xi = jnp.clip(jnp.floor(px), 0, _WF - 1).astype(jnp.int32)
    yi = jnp.clip(jnp.floor(py), 0, _HF - 1).astype(jnp.int32)

    table = fmap.reshape(_C, _HF * _WF).T
    s_idx = (yi[:, :, None] * _WF + xi[:, None, :]).reshape(_N, _P * _P)
    s_idx = jnp.pad(s_idx, ((0, _NPAD - _N), (0, 0))).reshape(-1)
    x = _sc_gather(table, s_idx.astype(jnp.int32))
    x = x.reshape(_NPAD, _P * _P * _C)

    w1p = fc1_w.reshape(_D, _C, _P * _P).transpose(0, 2, 1).reshape(_D, -1)

    fin = _C * _P * _P
    x1 = pl.pallas_call(
        _fc1_body,
        grid=(_NPAD // _MBLK, fin // _KBLK),
        in_specs=[
            pl.BlockSpec((_MBLK, _KBLK), lambda m, k: (m, k)),
            pl.BlockSpec((_D, _KBLK), lambda m, k: (0, k)),
            pl.BlockSpec((1, _D), lambda m, k: (0, 0)),
        ],
        out_specs=pl.BlockSpec((_MBLK, _D), lambda m, k: (m, 0)),
        out_shape=jax.ShapeDtypeStruct((_NPAD, _D), jnp.float32),
    )(x, w1p, fc1_b.reshape(1, _D))

    prop_pad = jnp.pad(proposals, ((0, _NPAD - _N), (0, 0)))
    imghw = jnp.stack([h_img, w_img]).reshape(1, 2)

    reg_w4 = reg_w.reshape(_NCLS, 4, _D)
    reg_b4 = reg_b.reshape(_NCLS, 4)
    dxw, dyw, dww, dhw = (reg_w4[1:, 0], reg_w4[1:, 1],
                          reg_w4[1:, 2], reg_w4[1:, 3])
    dxb, dyb, dwb, dhb = (reg_b4[1:, 0].reshape(1, -1),
                          reg_b4[1:, 1].reshape(1, -1),
                          reg_b4[1:, 2].reshape(1, -1),
                          reg_b4[1:, 3].reshape(1, -1))

    full = lambda shape: pl.BlockSpec(shape, lambda: tuple(0 for _ in shape))
    outs = pl.pallas_call(
        _head_body,
        grid=(),
        in_specs=[
            full((_NPAD, _D)),
            full((_D, _D)),
            full((1, _D)),
            full((_NCLS, _D)),
            full((1, _NCLS)),
            full((_NCLS - 1, _D)),
            full((_NCLS - 1, _D)),
            full((_NCLS - 1, _D)),
            full((_NCLS - 1, _D)),
            full((1, _NCLS - 1)),
            full((1, _NCLS - 1)),
            full((1, _NCLS - 1)),
            full((1, _NCLS - 1)),
            full((_NPAD, 4)),
            full((1, 2)),
        ],
        out_specs=[full((_NPAD, _NCLS - 1))] * 5,
        out_shape=[jax.ShapeDtypeStruct((_NPAD, _NCLS - 1), jnp.float32)] * 5,
    )(x1, fc2_w, fc2_b.reshape(1, _D), cls_w, cls_b.reshape(1, _NCLS),
      dxw, dyw, dww, dhw, dxb, dyb, dwb, dhb, prop_pad, imghw)
    sc, bx1, by1, bx2, by2 = outs

    scores_f = sc[:_N].reshape(-1)
    top_s, top_i = jax.lax.top_k(scores_f, _PRE_NMS_K)

    labels_f = (top_i % (_NCLS - 1) + 1).astype(jnp.float32)
    offset = labels_f * (jnp.maximum(w_img, h_img) + 1.0)
    fx1 = bx1[:_N].reshape(-1)
    fy1 = by1[:_N].reshape(-1)
    fx2 = bx2[:_N].reshape(-1)
    fy2 = by2[:_N].reshape(-1)
    cand_x1 = fx1[top_i] + offset
    cand_y1 = fy1[top_i] + offset
    cand_x2 = fx2[top_i] + offset
    cand_y2 = fy2[top_i] + offset

    padv = jnp.full((_KPAD - _PRE_NMS_K,), 0.0, jnp.float32)
    row = lambda v: jnp.concatenate([v, padv]).reshape(1, _KPAD)
    col = lambda v: jnp.concatenate([v, padv]).reshape(_KPAD, 1)
    ts_row = jnp.concatenate(
        [top_s, jnp.full((_KPAD - _PRE_NMS_K,), -2.0, jnp.float32)]
    ).reshape(1, _KPAD)

    kept = pl.pallas_call(
        _nms_body,
        grid=(),
        in_specs=[full((1, _KPAD))] * 4 + [full((_KPAD, 1))] * 4
                 + [full((1, _KPAD))],
        out_specs=full((1, _KPAD)),
        out_shape=jax.ShapeDtypeStruct((1, _KPAD), jnp.float32),
        scratch_shapes=[pltpu.VMEM((1, _KPAD), jnp.float32)],
    )(row(cand_x1), row(cand_y1), row(cand_x2), row(cand_y2),
      col(cand_x1), col(cand_y1), col(cand_x2), col(cand_y2), ts_row)

    kept = kept[0, :_PRE_NMS_K]
    fin_s, fi = jax.lax.top_k(kept, _TOPK)
    sel = top_i[fi]
    out_boxes = jnp.stack([fx1[sel], fy1[sel], fx2[sel], fy2[sel]], axis=-1)
    out_labels = (sel % (_NCLS - 1) + 1)
    return out_boxes, fin_s, out_labels

# --- scband reference (transcript-rebuilt; emitter-appended) ---
"""Pipeline reference for scband-roihead-66065186947204 (READ-ONLY COPY).

The authoritative reference and input builder live on the scoring server;
editing this copy changes nothing except your own understanding.
"""

import jax, jax.numpy as jnp
import numpy as np
import math

C = 256; HF = 50; WF = 50; N = 2000; P = 7; D = 1024; NC = 81
IMG = 800
SCORE_THR = 0.01; MIN_SIZE = 16.0; NMS_THR = 0.5; TOPK = 100; PRE_NMS_K = 500


def _iou_one_vs_all(box, boxes):
    ix1 = jnp.maximum(box[0], boxes[:, 0])
    iy1 = jnp.maximum(box[1], boxes[:, 1])
    ix2 = jnp.minimum(box[2], boxes[:, 2])
    iy2 = jnp.minimum(box[3], boxes[:, 3])
    inter = jnp.maximum(ix2 - ix1, 0.0) * jnp.maximum(iy2 - iy1, 0.0)
    a1 = jnp.maximum(box[2] - box[0], 0.0) * jnp.maximum(box[3] - box[1], 0.0)
    a2 = jnp.maximum(boxes[:, 2] - boxes[:, 0], 0.0) * jnp.maximum(boxes[:, 3] - boxes[:, 1], 0.0)
    return inter / (a1 + a2 - inter + 1e-9)


def _nms_mask(boxes, scores, thr):
    K = boxes.shape[0]
    idx = jnp.arange(K)
    sup0 = scores <= 0.0

    def body(i, sup):
        ious = _iou_one_vs_all(boxes[i], boxes)
        return sup | ((~sup[i]) & (ious > thr) & (idx > i))

    return jax.lax.fori_loop(0, K, body, sup0)


def setup_inputs(seed: int = 0):
    key = jax.random.key(seed)
    ks = jax.random.split(key, 10)
    feat = jax.random.normal(ks[0], (1, C, HF, WF), dtype=jnp.float32)
    ctr = jax.random.uniform(ks[1], (N, 2), minval=100.0, maxval=700.0)
    wh = jax.random.uniform(ks[2], (N, 2), minval=32.0, maxval=256.0)
    x1y1 = jnp.clip(ctr - wh / 2.0, 0.0, IMG - 1.0)
    x2y2 = jnp.clip(ctr + wh / 2.0, 0.0, IMG - 1.0)
    proposals = jnp.concatenate([x1y1, x2y2], axis=1).astype(jnp.float32)
    image_shape = jnp.array([IMG, IMG], dtype=jnp.int32)
    target = jnp.zeros((1, 4), dtype=jnp.float32)
    fin = C * P * P
    fc1_w = jax.random.normal(ks[3], (D, fin), dtype=jnp.float32) * (1.0 / math.sqrt(fin))
    fc1_b = jnp.zeros((D,), dtype=jnp.float32)
    fc2_w = jax.random.normal(ks[4], (D, D), dtype=jnp.float32) * (1.0 / math.sqrt(D))
    fc2_b = jnp.zeros((D,), dtype=jnp.float32)
    cls_w = jax.random.normal(ks[5], (NC, D), dtype=jnp.float32) * 0.01
    cls_b = jnp.zeros((NC,), dtype=jnp.float32)
    reg_w = jax.random.normal(ks[6], (4 * NC, D), dtype=jnp.float32) * 0.001
    reg_b = jnp.zeros((4 * NC,), dtype=jnp.float32)
    return {"feat": feat, "proposals": proposals, "image_shape": image_shape, "target": target,
            "fc1_w": fc1_w, "fc1_b": fc1_b, "fc2_w": fc2_w, "fc2_b": fc2_b,
            "cls_w": cls_w, "cls_b": cls_b, "reg_w": reg_w, "reg_b": reg_b}


def _forward_pre_nms(feat, proposals, image_shape, fc1_w, fc1_b, fc2_w, fc2_b, cls_w, cls_b, reg_w, reg_b):
    h_img = image_shape[0].astype(jnp.float32)
    w_img = image_shape[1].astype(jnp.float32)
    scale = feat.shape[-1] / w_img  # feature/image spatial scale (intended roi_pool semantics)
    fmap = feat[0]
    rois = proposals * scale
    rx1, ry1 = rois[:, 0], rois[:, 1]
    rw = jnp.maximum(rois[:, 2] - rx1, 1.0)
    rh = jnp.maximum(rois[:, 3] - ry1, 1.0)
    px = rx1[:, None] + (jnp.arange(P, dtype=jnp.float32) + 0.5) * (rw / P)[:, None]
    py = ry1[:, None] + (jnp.arange(P, dtype=jnp.float32) + 0.5) * (rh / P)[:, None]
    xi = jnp.clip(jnp.floor(px), 0, WF - 1).astype(jnp.int32)
    yi = jnp.clip(jnp.floor(py), 0, HF - 1).astype(jnp.int32)
    pooled = fmap[:, yi[:, :, None], xi[:, None, :]]  # [C, N, P, P] gather
    x = jnp.transpose(pooled, (1, 0, 2, 3)).reshape(N, -1)
    x = jax.nn.relu(x @ fc1_w.T + fc1_b)
    x = jax.nn.relu(x @ fc2_w.T + fc2_b)
    cls_scores = x @ cls_w.T + cls_b
    reg = (x @ reg_w.T + reg_b).reshape(N, NC, 4)
    pw = proposals[:, 2] - proposals[:, 0]
    ph_ = proposals[:, 3] - proposals[:, 1]
    pcx = proposals[:, 0] + 0.5 * pw
    pcy = proposals[:, 1] + 0.5 * ph_
    dx, dy = reg[..., 0], reg[..., 1]
    dmax = math.log(1000.0 / 16.0)
    dw = jnp.minimum(reg[..., 2], dmax)
    dh = jnp.minimum(reg[..., 3], dmax)
    cx = dx * pw[:, None] + pcx[:, None]
    cy = dy * ph_[:, None] + pcy[:, None]
    bw = jnp.exp(dw) * pw[:, None]
    bh = jnp.exp(dh) * ph_[:, None]
    boxes = jnp.stack([jnp.clip(cx - 0.5 * bw, 0.0, w_img), jnp.clip(cy - 0.5 * bh, 0.0, h_img),
                       jnp.clip(cx + 0.5 * bw, 0.0, w_img), jnp.clip(cy + 0.5 * bh, 0.0, h_img)], axis=-1)
    scores = jax.nn.softmax(cls_scores, axis=-1)
    labels = jnp.broadcast_to(jnp.arange(NC), (N, NC))
    boxes = boxes[:, 1:, :].reshape(-1, 4)
    scores = scores[:, 1:].reshape(-1)
    labels = labels[:, 1:].reshape(-1)
    ws = boxes[:, 2] - boxes[:, 0]
    hs = boxes[:, 3] - boxes[:, 1]
    valid = (scores > SCORE_THR) & (ws >= MIN_SIZE) & (hs >= MIN_SIZE)
    scores_f = jnp.where(valid, scores, -1.0)
    offset = labels.astype(jnp.float32) * (jnp.maximum(w_img, h_img) + 1.0)
    boxes_off = boxes + offset[:, None]  # per-class NMS via coordinate offset trick
    return boxes, scores_f, labels, boxes_off


def reference(feat, proposals, image_shape, target, fc1_w, fc1_b, fc2_w, fc2_b, cls_w, cls_b, reg_w, reg_b):
    # eval-mode ROIHead: roi_pool -> fc1 -> fc2 -> heads -> decode -> clamp -> softmax -> filter + per-class NMS + topk
    boxes, scores_f, labels, boxes_off = _forward_pre_nms(feat, proposals, image_shape, fc1_w, fc1_b, fc2_w, fc2_b, cls_w, cls_b, reg_w, reg_b)
    top_s, top_i = jax.lax.top_k(scores_f, PRE_NMS_K)
    cand = boxes_off[top_i]
    sup = _nms_mask(cand, top_s, NMS_THR)
    kept = jnp.where(sup, -1.0, top_s)
    fin_s, fi = jax.lax.top_k(kept, TOPK)
    sel = top_i[fi]
    out_boxes = boxes[sel]
    out_labels = labels[sel]
    return out_boxes, fin_s, out_labels

if __name__ == "__main__":
    import jax
    _d = setup_inputs()
    print(jax.jit(kernel)(*tuple(_d.values())))

</pallas_src>

<mosaic_0001>
#map = affine_map<(d0, d1) -> (0, 0)>
#map1 = affine_map<(d0, d1) -> (0)>
module attributes {stable_mosaic.version = 14 : i64} {
  func.func @k(%arg0: i32, %arg1: i32, %arg2: memref<2500x256xf32, #tpu.memory_space<hbm>>, %arg3: memref<100352xi32, #tpu.memory_space<hbm>>, %arg4: memref<100352x256xf32, #tpu.memory_space<hbm>>, %arg5: memref<3136xi32, #tpu.memory_space<vmem>>, %arg6: memref<392x256xf32, #tpu.memory_space<vmem>>, %arg7: memref<!tpu.dma_semaphore, #tpu.memory_space<semaphore_mem>>) attributes {dimension_semantics = [#tpu.dimension_semantics<core_parallel>, #tpu.dimension_semantics<subcore_parallel>], iteration_bounds = array<i64: 2, 16>, scalar_prefetch = 0 : i64, scratch_operands = 3 : i64, tpu.core_type = #tpu.core_type<sc_vector_subcore>, window_params = [{transform_indices = #map}, {transform_indices = #map1}, {transform_indices = #map}]} {
    %mul3A = arith.constant 2 : i32
    %mul3A_0 = arith.muli %arg1, %mul3A : i32
    %add3A = arith.addi %mul3A_0, %arg0 : i32
    %mul3A_1 = arith.constant 3136 : i32
    %mul3A_2 = arith.muli %add3A, %mul3A_1 : i32
    "tpu.region"() ({
      %run_scoped3A = tpu.sem_alloc : memref<!tpu.dma_semaphore, #tpu.memory_space<semaphore_mem>>
      %dma_start3A_97 = tpu.memref_slice %arg3[%mul3A_2] : memref<100352xi32, #tpu.memory_space<hbm>> -> memref<3136xi32, #tpu.memory_space<hbm>>
      %dma_start3A_98 = tpu.memref_slice %arg3[%mul3A_2] : memref<100352xi32, #tpu.memory_space<hbm>> -> memref<3136xi32, #tpu.memory_space<hbm>>
      tpu.enqueue_dma source(%dma_start3A_98 : memref<3136xi32, #tpu.memory_space<hbm>>) target(%arg5 : memref<3136xi32, #tpu.memory_space<vmem>>) target_semaphore(%run_scoped3A : memref<!tpu.dma_semaphore, #tpu.memory_space<semaphore_mem>>)
      %dma_wait3A_99 = tpu.memref_slice %arg3[%mul3A_2] : memref<100352xi32, #tpu.memory_space<hbm>> -> memref<3136xi32, #tpu.memory_space<hbm>>
      %dma_wait3A_100 = tpu.memref_slice %arg3[%mul3A_2] : memref<100352xi32, #tpu.memory_space<hbm>> -> memref<3136xi32, #tpu.memory_space<hbm>>
      tpu.wait_dma2 semaphore(%run_scoped3A : memref<!tpu.dma_semaphore, #tpu.memory_space<semaphore_mem>>) src(%dma_wait3A_100 : memref<3136xi32, #tpu.memory_space<hbm>>) dst(%arg5 : memref<3136xi32, #tpu.memory_space<vmem>>)
      tpu.yield
    }) : () -> ()
    %dma_start3A = arith.constant 0 : i32
    %dma_start3A_3 = tpu.memref_slice %arg5[%dma_start3A] : memref<3136xi32, #tpu.memory_space<vmem>> -> memref<392xi32, #tpu.memory_space<vmem>>
    %dma_start3A_4 = arith.constant 0 : i32
    %dma_start3A_5 = arith.constant 0 : i32
    %dma_start3A_6 = tpu.memref_slice %arg2[%dma_start3A_4, %dma_start3A_5] : memref<2500x256xf32, #tpu.memory_space<hbm>> -> memref<2500x256xf32, #tpu.memory_space<hbm>>
    tpu.enqueue_indirect_dma source(%dma_start3A_6 : memref<2500x256xf32, #tpu.memory_space<hbm>>) target(%arg6 : memref<392x256xf32, #tpu.memory_space<vmem>>) offsets(%dma_start3A_3 : memref<392xi32, #tpu.memory_space<vmem>>) semaphore(%arg7 : memref<!tpu.dma_semaphore, #tpu.memory_space<semaphore_mem>>)
    %dma_wait3A = arith.constant 0 : i32
    %dma_wait3A_7 = tpu.memref_slice %arg5[%dma_wait3A] : memref<3136xi32, #tpu.memory_space<vmem>> -> memref<392xi32, #tpu.memory_space<vmem>>
    %dma_wait3A_8 = arith.constant 0 : i32
    %dma_wait3A_9 = arith.constant 0 : i32
    %dma_wait3A_10 = tpu.memref_slice %arg2[%dma_wait3A_8, %dma_wait3A_9] : memref<2500x256xf32, #tpu.memory_space<hbm>> -> memref<2500x256xf32, #tpu.memory_space<hbm>>
    tpu.wait_indirect_dma semaphore(%arg7 : memref<!tpu.dma_semaphore, #tpu.memory_space<semaphore_mem>>) src(%dma_wait3A_10 : memref<2500x256xf32, #tpu.memory_space<hbm>>) dst(%arg6 : memref<392x256xf32, #tpu.memory_space<vmem>>)
    %add3A_11 = arith.constant 0 : i32
    %add3A_12 = arith.addi %mul3A_2, %add3A_11 : i32
    "tpu.region"() ({
      %run_scoped3A = tpu.sem_alloc : memref<!tpu.dma_semaphore, #tpu.memory_space<semaphore_mem>>
      %dma_start3A_97 = arith.constant 0 : i32
      %dma_start3A_98 = tpu.memref_slice %arg4[%add3A_12, %dma_start3A_97] : memref<100352x256xf32, #tpu.memory_space<hbm>> -> memref<392x256xf32, #tpu.memory_space<hbm>>
      %dma_start3A_99 = arith.constant 0 : i32
      %dma_start3A_100 = tpu.memref_slice %arg4[%add3A_12, %dma_start3A_99] : memref<100352x256xf32, #tpu.memory_space<hbm>> -> memref<392x256xf32, #tpu.memory_space<hbm>>
      tpu.enqueue_dma source(%arg6 : memref<392x256xf32, #tpu.memory_space<vmem>>) target(%dma_start3A_100 : memref<392x256xf32, #tpu.memory_space<hbm>>) target_semaphore(%run_scoped3A : memref<!tpu.dma_semaphore, #tpu.memory_space<semaphore_mem>>)
      %dma_wait3A_101 = arith.constant 0 : i32
      %dma_wait3A_102 = tpu.memref_slice %arg4[%add3A_12, %dma_wait3A_101] : memref<100352x256xf32, #tpu.memory_space<hbm>> -> memref<392x256xf32, #tpu.memory_space<hbm>>
      %dma_wait3A_103 = arith.constant 0 : i32
      %dma_wait3A_104 = tpu.memref_slice %arg4[%add3A_12, %dma_wait3A_103] : memref<100352x256xf32, #tpu.memory_space<hbm>> -> memref<392x256xf32, #tpu.memory_space<hbm>>
      tpu.wait_dma2 semaphore(%run_scoped3A : memref<!tpu.dma_semaphore, #tpu.memory_space<semaphore_mem>>) src(%arg6 : memref<392x256xf32, #tpu.memory_space<vmem>>) dst(%dma_wait3A_104 : memref<392x256xf32, #tpu.memory_space<hbm>>)
      tpu.yield
    }) : () -> ()
    %dma_start3A_13 = arith.constant 392 : i32
    %dma_start3A_14 = tpu.memref_slice %arg5[%dma_start3A_13] : memref<3136xi32, #tpu.memory_space<vmem>> -> memref<392xi32, #tpu.memory_space<vmem>>
    %dma_start3A_15 = arith.constant 0 : i32
    %dma_start3A_16 = arith.constant 0 : i32
    %dma_start3A_17 = tpu.memref_slice %arg2[%dma_start3A_15, %dma_start3A_16] : memref<2500x256xf32, #tpu.memory_space<hbm>> -> memref<2500x256xf32, #tpu.memory_space<hbm>>
    tpu.enqueue_indirect_dma source(%dma_start3A_17 : memref<2500x256xf32, #tpu.memory_space<hbm>>) target(%arg6 : memref<392x256xf32, #tpu.memory_space<vmem>>) offsets(%dma_start3A_14 : memref<392xi32, #tpu.memory_space<vmem>>) semaphore(%arg7 : memref<!tpu.dma_semaphore, #tpu.memory_space<semaphore_mem>>)
    %dma_wait3A_18 = arith.constant 392 : i32
    %dma_wait3A_19 = tpu.memref_slice %arg5[%dma_wait3A_18] : memref<3136xi32, #tpu.memory_space<vmem>> -> memref<392xi32, #tpu.memory_space<vmem>>
    %dma_wait3A_20 = arith.constant 0 : i32
    %dma_wait3A_21 = arith.constant 0 : i32
    %dma_wait3A_22 = tpu.memref_slice %arg2[%dma_wait3A_20, %dma_wait3A_21] : memref<2500x256xf32, #tpu.memory_space<hbm>> -> memref<2500x256xf32, #tpu.memory_space<hbm>>
    tpu.wait_indirect_dma semaphore(%arg7 : memref<!tpu.dma_semaphore, #tpu.memory_space<semaphore_mem>>) src(%dma_wait3A_22 : memref<2500x256xf32, #tpu.memory_space<hbm>>) dst(%arg6 : memref<392x256xf32, #tpu.memory_space<vmem>>)
    %add3A_23 = arith.constant 392 : i32
    %add3A_24 = arith.addi %mul3A_2, %add3A_23 : i32
    "tpu.region"() ({
      %run_scoped3A = tpu.sem_alloc : memref<!tpu.dma_semaphore, #tpu.memory_space<semaphore_mem>>
      %dma_start3A_97 = arith.constant 0 : i32
      %dma_start3A_98 = tpu.memref_slice %arg4[%add3A_24, %dma_start3A_97] : memref<100352x256xf32, #tpu.memory_space<hbm>> -> memref<392x256xf32, #tpu.memory_space<hbm>>
      %dma_start3A_99 = arith.constant 0 : i32
      %dma_start3A_100 = tpu.memref_slice %arg4[%add3A_24, %dma_start3A_99] : memref<100352x256xf32, #tpu.memory_space<hbm>> -> memref<392x256xf32, #tpu.memory_space<hbm>>
      tpu.enqueue_dma source(%arg6 : memref<392x256xf32, #tpu.memory_space<vmem>>) target(%dma_start3A_100 : memref<392x256xf32, #tpu.memory_space<hbm>>) target_semaphore(%run_scoped3A : memref<!tpu.dma_semaphore, #tpu.memory_space<semaphore_mem>>)
      %dma_wait3A_101 = arith.constant 0 : i32
      %dma_wait3A_102 = tpu.memref_slice %arg4[%add3A_24, %dma_wait3A_101] : memref<100352x256xf32, #tpu.memory_space<hbm>> -> memref<392x256xf32, #tpu.memory_space<hbm>>
      %dma_wait3A_103 = arith.constant 0 : i32
      %dma_wait3A_104 = tpu.memref_slice %arg4[%add3A_24, %dma_wait3A_103] : memref<100352x256xf32, #tpu.memory_space<hbm>> -> memref<392x256xf32, #tpu.memory_space<hbm>>
      tpu.wait_dma2 semaphore(%run_scoped3A : memref<!tpu.dma_semaphore, #tpu.memory_space<semaphore_mem>>) src(%arg6 : memref<392x256xf32, #tpu.memory_space<vmem>>) dst(%dma_wait3A_104 : memref<392x256xf32, #tpu.memory_space<hbm>>)
      tpu.yield
    }) : () -> ()
    %dma_start3A_25 = arith.constant 784 : i32
    %dma_start3A_26 = tpu.memref_slice %arg5[%dma_start3A_25] : memref<3136xi32, #tpu.memory_space<vmem>> -> memref<392xi32, #tpu.memory_space<vmem>>
    %dma_start3A_27 = arith.constant 0 : i32
    %dma_start3A_28 = arith.constant 0 : i32
    %dma_start3A_29 = tpu.memref_slice %arg2[%dma_start3A_27, %dma_start3A_28] : memref<2500x256xf32, #tpu.memory_space<hbm>> -> memref<2500x256xf32, #tpu.memory_space<hbm>>
    tpu.enqueue_indirect_dma source(%dma_start3A_29 : memref<2500x256xf32, #tpu.memory_space<hbm>>) target(%arg6 : memref<392x256xf32, #tpu.memory_space<vmem>>) offsets(%dma_start3A_26 : memref<392xi32, #tpu.memory_space<vmem>>) semaphore(%arg7 : memref<!tpu.dma_semaphore, #tpu.memory_space<semaphore_mem>>)
    %dma_wait3A_30 = arith.constant 784 : i32
    %dma_wait3A_31 = tpu.memref_slice %arg5[%dma_wait3A_30] : memref<3136xi32, #tpu.memory_space<vmem>> -> memref<392xi32, #tpu.memory_space<vmem>>
    %dma_wait3A_32 = arith.constant 0 : i32
    %dma_wait3A_33 = arith.constant 0 : i32
    %dma_wait3A_34 = tpu.memref_slice %arg2[%dma_wait3A_32, %dma_wait3A_33] : memref<2500x256xf32, #tpu.memory_space<hbm>> -> memref<2500x256xf32, #tpu.memory_space<hbm>>
    tpu.wait_indirect_dma semaphore(%arg7 : memref<!tpu.dma_semaphore, #tpu.memory_space<semaphore_mem>>) src(%dma_wait3A_34 : memref<2500x256xf32, #tpu.memory_space<hbm>>) dst(%arg6 : memref<392x256xf32, #tpu.memory_space<vmem>>)
    %add3A_35 = arith.constant 784 : i32
    %add3A_36 = arith.addi %mul3A_2, %add3A_35 : i32
    "tpu.region"() ({
      %run_scoped3A = tpu.sem_alloc : memref<!tpu.dma_semaphore, #tpu.memory_space<semaphore_mem>>
      %dma_start3A_97 = arith.constant 0 : i32
      %dma_start3A_98 = tpu.memref_slice %arg4[%add3A_36, %dma_start3A_97] : memref<100352x256xf32, #tpu.memory_space<hbm>> -> memref<392x256xf32, #tpu.memory_space<hbm>>
      %dma_start3A_99 = arith.constant 0 : i32
      %dma_start3A_100 = tpu.memref_slice %arg4[%add3A_36, %dma_start3A_99] : memref<100352x256xf32, #tpu.memory_space<hbm>> -> memref<392x256xf32, #tpu.memory_space<hbm>>
      tpu.enqueue_dma source(%arg6 : memref<392x256xf32, #tpu.memory_space<vmem>>) target(%dma_start3A_100 : memref<392x256xf32, #tpu.memory_space<hbm>>) target_semaphore(%run_scoped3A : memref<!tpu.dma_semaphore, #tpu.memory_space<semaphore_mem>>)
      %dma_wait3A_101 = arith.constant 0 : i32
      %dma_wait3A_102 = tpu.memref_slice %arg4[%add3A_36, %dma_wait3A_101] : memref<100352x256xf32, #tpu.memory_space<hbm>> -> memref<392x256xf32, #tpu.memory_space<hbm>>
      %dma_wait3A_103 = arith.constant 0 : i32
      %dma_wait3A_104 = tpu.memref_slice %arg4[%add3A_36, %dma_wait3A_103] : memref<100352x256xf32, #tpu.memory_space<hbm>> -> memref<392x256xf32, #tpu.memory_space<hbm>>
      tpu.wait_dma2 semaphore(%run_scoped3A : memref<!tpu.dma_semaphore, #tpu.memory_space<semaphore_mem>>) src(%arg6 : memref<392x256xf32, #tpu.memory_space<vmem>>) dst(%dma_wait3A_104 : memref<392x256xf32, #tpu.memory_space<hbm>>)
      tpu.yield
    }) : () -> ()
    %dma_start3A_37 = arith.constant 1176 : i32
    %dma_start3A_38 = tpu.memref_slice %arg5[%dma_start3A_37] : memref<3136xi32, #tpu.memory_space<vmem>> -> memref<392xi32, #tpu.memory_space<vmem>>
    %dma_start3A_39 = arith.constant 0 : i32
    %dma_start3A_40 = arith.constant 0 : i32
    %dma_start3A_41 = tpu.memref_slice %arg2[%dma_start3A_39, %dma_start3A_40] : memref<2500x256xf32, #tpu.memory_space<hbm>> -> memref<2500x256xf32, #tpu.memory_space<hbm>>
    tpu.enqueue_indirect_dma source(%dma_start3A_41 : memref<2500x256xf32, #tpu.memory_space<hbm>>) target(%arg6 : memref<392x256xf32, #tpu.memory_space<vmem>>) offsets(%dma_start3A_38 : memref<392xi32, #tpu.memory_space<vmem>>) semaphore(%arg7 : memref<!tpu.dma_semaphore, #tpu.memory_space<semaphore_mem>>)
    %dma_wait3A_42 = arith.constant 1176 : i32
    %dma_wait3A_43 = tpu.memref_slice %arg5[%dma_wait3A_42] : memref<3136xi32, #tpu.memory_space<vmem>> -> memref<392xi32, #tpu.memory_space<vmem>>
    %dma_wait3A_44 = arith.constant 0 : i32
    %dma_wait3A_45 = arith.constant 0 : i32
    %dma_wait3A_46 = tpu.memref_slice %arg2[%dma_wait3A_44, %dma_wait3A_45] : memref<2500x256xf32, #tpu.memory_space<hbm>> -> memref<2500x256xf32, #tpu.memory_space<hbm>>
    tpu.wait_indirect_dma semaphore(%arg7 : memref<!tpu.dma_semaphore, #tpu.memory_space<semaphore_mem>>) src(%dma_wait3A_46 : memref<2500x256xf32, #tpu.memory_space<hbm>>) dst(%arg6 : memref<392x256xf32, #tpu.memory_space<vmem>>)
    %add3A_47 = arith.constant 1176 : i32
    %add3A_48 = arith.addi %mul3A_2, %add3A_47 : i32
    "tpu.region"() ({
      %run_scoped3A = tpu.sem_alloc : memref<!tpu.dma_semaphore, #tpu.memory_space<semaphore_mem>>
      %dma_start3A_97 = arith.constant 0 : i32
      %dma_start3A_98 = tpu.memref_slice %arg4[%add3A_48, %dma_start3A_97] : memref<100352x256xf32, #tpu.memory_space<hbm>> -> memref<392x256xf32, #tpu.memory_space<hbm>>
      %dma_start3A_99 = arith.constant 0 : i32
      %dma_start3A_100 = tpu.memref_slice %arg4[%add3A_48, %dma_start3A_99] : memref<100352x256xf32, #tpu.memory_space<hbm>> -> memref<392x256xf32, #tpu.memory_space<hbm>>
      tpu.enqueue_dma source(%arg6 : memref<392x256xf32, #tpu.memory_space<vmem>>) target(%dma_start3A_100 : memref<392x256xf32, #tpu.memory_space<hbm>>) target_semaphore(%run_scoped3A : memref<!tpu.dma_semaphore, #tpu.memory_space<semaphore_mem>>)
      %dma_wait3A_101 = arith.constant 0 : i32
      %dma_wait3A_102 = tpu.memref_slice %arg4[%add3A_48, %dma_wait3A_101] : memref<100352x256xf32, #tpu.memory_space<hbm>> -> memref<392x256xf32, #tpu.memory_space<hbm>>
      %dma_wait3A_103 = arith.constant 0 : i32
      %dma_wait3A_104 = tpu.memref_slice %arg4[%add3A_48, %dma_wait3A_103] : memref<100352x256xf32, #tpu.memory_space<hbm>> -> memref<392x256xf32, #tpu.memory_space<hbm>>
      tpu.wait_dma2 semaphore(%run_scoped3A : memref<!tpu.dma_semaphore, #tpu.memory_space<semaphore_mem>>) src(%arg6 : memref<392x256xf32, #tpu.memory_space<vmem>>) dst(%dma_wait3A_104 : memref<392x256xf32, #tpu.memory_space<hbm>>)
      tpu.yield
    }) : () -> ()
    %dma_start3A_49 = arith.constant 1568 : i32
    %dma_start3A_50 = tpu.memref_slice %arg5[%dma_start3A_49] : memref<3136xi32, #tpu.memory_space<vmem>> -> memref<392xi32, #tpu.memory_space<vmem>>
    %dma_start3A_51 = arith.constant 0 : i32
    %dma_start3A_52 = arith.constant 0 : i32
    %dma_start3A_53 = tpu.memref_slice %arg2[%dma_start3A_51, %dma_start3A_52] : memref<2500x256xf32, #tpu.memory_space<hbm>> -> memref<2500x256xf32, #tpu.memory_space<hbm>>
    tpu.enqueue_indirect_dma source(%dma_start3A_53 : memref<2500x256xf32, #tpu.memory_space<hbm>>) target(%arg6 : memref<392x256xf32, #tpu.memory_space<vmem>>) offsets(%dma_start3A_50 : memref<392xi32, #tpu.memory_space<vmem>>) semaphore(%arg7 : memref<!tpu.dma_semaphore, #tpu.memory_space<semaphore_mem>>)
    %dma_wait3A_54 = arith.constant 1568 : i32
    %dma_wait3A_55 = tpu.memref_slice %arg5[%dma_wait3A_54] : memref<3136xi32, #tpu.memory_space<vmem>> -> memref<392xi32, #tpu.memory_space<vmem>>
    %dma_wait3A_56 = arith.constant 0 : i32
    %dma_wait3A_57 = arith.constant 0 : i32
    %dma_wait3A_58 = tpu.memref_slice %arg2[%dma_wait3A_56, %dma_wait3A_57] : memref<2500x256xf32, #tpu.memory_space<hbm>> -> memref<2500x256xf32, #tpu.memory_space<hbm>>
    tpu.wait_indirect_dma semaphore(%arg7 : memref<!tpu.dma_semaphore, #tpu.memory_space<semaphore_mem>>) src(%dma_wait3A_58 : memref<2500x256xf32, #tpu.memory_space<hbm>>) dst(%arg6 : memref<392x256xf32, #tpu.memory_space<vmem>>)
    %add3A_59 = arith.constant 1568 : i32
    %add3A_60 = arith.addi %mul3A_2, %add3A_59 : i32
    "tpu.region"() ({
      %run_scoped3A = tpu.sem_alloc : memref<!tpu.dma_semaphore, #tpu.memory_space<semaphore_mem>>
      %dma_start3A_97 = arith.constant 0 : i32
      %dma_start3A_98 = tpu.memref_slice %arg4[%add3A_60, %dma_start3A_97] : memref<100352x256xf32, #tpu.memory_space<hbm>> -> memref<392x256xf32, #tpu.memory_space<hbm>>
      %dma_start3A_99 = arith.constant 0 : i32
      %dma_start3A_100 = tpu.memref_slice %arg4[%add3A_60, %dma_start3A_99] : memref<100352x256xf32, #tpu.memory_space<hbm>> -> memref<392x256xf32, #tpu.memory_space<hbm>>
      tpu.enqueue_dma source(%arg6 : memref<392x256xf32, #tpu.memory_space<vmem>>) target(%dma_start3A_100 : memref<392x256xf32, #tpu.memory_space<hbm>>) target_semaphore(%run_scoped3A : memref<!tpu.dma_semaphore, #tpu.memory_space<semaphore_mem>>)
      %dma_wait3A_101 = arith.constant 0 : i32
      %dma_wait3A_102 = tpu.memref_slice %arg4[%add3A_60, %dma_wait3A_101] : memref<100352x256xf32, #tpu.memory_space<hbm>> -> memref<392x256xf32, #tpu.memory_space<hbm>>
      %dma_wait3A_103 = arith.constant 0 : i32
      %dma_wait3A_104 = tpu.memref_slice %arg4[%add3A_60, %dma_wait3A_103] : memref<100352x256xf32, #tpu.memory_space<hbm>> -> memref<392x256xf32, #tpu.memory_space<hbm>>
      tpu.wait_dma2 semaphore(%run_scoped3A : memref<!tpu.dma_semaphore, #tpu.memory_space<semaphore_mem>>) src(%arg6 : memref<392x256xf32, #tpu.memory_space<vmem>>) dst(%dma_wait3A_104 : memref<392x256xf32, #tpu.memory_space<hbm>>)
      tpu.yield
    }) : () -> ()
    %dma_start3A_61 = arith.constant 1960 : i32
    %dma_start3A_62 = tpu.memref_slice %arg5[%dma_start3A_61] : memref<3136xi32, #tpu.memory_space<vmem>> -> memref<392xi32, #tpu.memory_space<vmem>>
    %dma_start3A_63 = arith.constant 0 : i32
    %dma_start3A_64 = arith.constant 0 : i32
    %dma_start3A_65 = tpu.memref_slice %arg2[%dma_start3A_63, %dma_start3A_64] : memref<2500x256xf32, #tpu.memory_space<hbm>> -> memref<2500x256xf32, #tpu.memory_space<hbm>>
    tpu.enqueue_indirect_dma source(%dma_start3A_65 : memref<2500x256xf32, #tpu.memory_space<hbm>>) target(%arg6 : memref<392x256xf32, #tpu.memory_space<vmem>>) offsets(%dma_start3A_62 : memref<392xi32, #tpu.memory_space<vmem>>) semaphore(%arg7 : memref<!tpu.dma_semaphore, #tpu.memory_space<semaphore_mem>>)
    %dma_wait3A_66 = arith.constant 1960 : i32
    %dma_wait3A_67 = tpu.memref_slice %arg5[%dma_wait3A_66] : memref<3136xi32, #tpu.memory_space<vmem>> -> memref<392xi32, #tpu.memory_space<vmem>>
    %dma_wait3A_68 = arith.constant 0 : i32
    %dma_wait3A_69 = arith.constant 0 : i32
    %dma_wait3A_70 = tpu.memref_slice %arg2[%dma_wait3A_68, %dma_wait3A_69] : memref<2500x256xf32, #tpu.memory_space<hbm>> -> memref<2500x256xf32, #tpu.memory_space<hbm>>
    tpu.wait_indirect_dma semaphore(%arg7 : memref<!tpu.dma_semaphore, #tpu.memory_space<semaphore_mem>>) src(%dma_wait3A_70 : memref<2500x256xf32, #tpu.memory_space<hbm>>) dst(%arg6 : memref<392x256xf32, #tpu.memory_space<vmem>>)
    %add3A_71 = arith.constant 1960 : i32
    %add3A_72 = arith.addi %mul3A_2, %add3A_71 : i32
    "tpu.region"() ({
      %run_scoped3A = tpu.sem_alloc : memref<!tpu.dma_semaphore, #tpu.memory_space<semaphore_mem>>
      %dma_start3A_97 = arith.constant 0 : i32
      %dma_start3A_98 = tpu.memref_slice %arg4[%add3A_72, %dma_start3A_97] : memref<100352x256xf32, #tpu.memory_space<hbm>> -> memref<392x256xf32, #tpu.memory_space<hbm>>
      %dma_start3A_99 = arith.constant 0 : i32
      %dma_start3A_100 = tpu.memref_slice %arg4[%add3A_72, %dma_start3A_99] : memref<100352x256xf32, #tpu.memory_space<hbm>> -> memref<392x256xf32, #tpu.memory_space<hbm>>
      tpu.enqueue_dma source(%arg6 : memref<392x256xf32, #tpu.memory_space<vmem>>) target(%dma_start3A_100 : memref<392x256xf32, #tpu.memory_space<hbm>>) target_semaphore(%run_scoped3A : memref<!tpu.dma_semaphore, #tpu.memory_space<semaphore_mem>>)
      %dma_wait3A_101 = arith.constant 0 : i32
      %dma_wait3A_102 = tpu.memref_slice %arg4[%add3A_72, %dma_wait3A_101] : memref<100352x256xf32, #tpu.memory_space<hbm>> -> memref<392x256xf32, #tpu.memory_space<hbm>>
      %dma_wait3A_103 = arith.constant 0 : i32
      %dma_wait3A_104 = tpu.memref_slice %arg4[%add3A_72, %dma_wait3A_103] : memref<100352x256xf32, #tpu.memory_space<hbm>> -> memref<392x256xf32, #tpu.memory_space<hbm>>
      tpu.wait_dma2 semaphore(%run_scoped3A : memref<!tpu.dma_semaphore, #tpu.memory_space<semaphore_mem>>) src(%arg6 : memref<392x256xf32, #tpu.memory_space<vmem>>) dst(%dma_wait3A_104 : memref<392x256xf32, #tpu.memory_space<hbm>>)
      tpu.yield
    }) : () -> ()
    %dma_start3A_73 = arith.constant 2352 : i32
    %dma_start3A_74 = tpu.memref_slice %arg5[%dma_start3A_73] : memref<3136xi32, #tpu.memory_space<vmem>> -> memref<392xi32, #tpu.memory_space<vmem>>
    %dma_start3A_75 = arith.constant 0 : i32
    %dma_start3A_76 = arith.constant 0 : i32
    %dma_start3A_77 = tpu.memref_slice %arg2[%dma_start3A_75, %dma_start3A_76] : memref<2500x256xf32, #tpu.memory_space<hbm>> -> memref<2500x256xf32, #tpu.memory_space<hbm>>
    tpu.enqueue_indirect_dma source(%dma_start3A_77 : memref<2500x256xf32, #tpu.memory_space<hbm>>) target(%arg6 : memref<392x256xf32, #tpu.memory_space<vmem>>) offsets(%dma_start3A_74 : memref<392xi32, #tpu.memory_space<vmem>>) semaphore(%arg7 : memref<!tpu.dma_semaphore, #tpu.memory_space<semaphore_mem>>)
    %dma_wait3A_78 = arith.constant 2352 : i32
    %dma_wait3A_79 = tpu.memref_slice %arg5[%dma_wait3A_78] : memref<3136xi32, #tpu.memory_space<vmem>> -> memref<392xi32, #tpu.memory_space<vmem>>
    %dma_wait3A_80 = arith.constant 0 : i32
    %dma_wait3A_81 = arith.constant 0 : i32
    %dma_wait3A_82 = tpu.memref_slice %arg2[%dma_wait3A_80, %dma_wait3A_81] : memref<2500x256xf32, #tpu.memory_space<hbm>> -> memref<2500x256xf32, #tpu.memory_space<hbm>>
    tpu.wait_indirect_dma semaphore(%arg7 : memref<!tpu.dma_semaphore, #tpu.memory_space<semaphore_mem>>) src(%dma_wait3A_82 : memref<2500x256xf32, #tpu.memory_space<hbm>>) dst(%arg6 : memref<392x256xf32, #tpu.memory_space<vmem>>)
    %add3A_83 = arith.constant 2352 : i32
    %add3A_84 = arith.addi %mul3A_2, %add3A_83 : i32
    "tpu.region"() ({
      %run_scoped3A = tpu.sem_alloc : memref<!tpu.dma_semaphore, #tpu.memory_space<semaphore_mem>>
      %dma_start3A_97 = arith.constant 0 : i32
      %dma_start3A_98 = tpu.memref_slice %arg4[%add3A_84, %dma_start3A_97] : memref<100352x256xf32, #tpu.memory_space<hbm>> -> memref<392x256xf32, #tpu.memory_space<hbm>>
      %dma_start3A_99 = arith.constant 0 : i32
      %dma_start3A_100 = tpu.memref_slice %arg4[%add3A_84, %dma_start3A_99] : memref<100352x256xf32, #tpu.memory_space<hbm>> -> memref<392x256xf32, #tpu.memory_space<hbm>>
      tpu.enqueue_dma source(%arg6 : memref<392x256xf32, #tpu.memory_space<vmem>>) target(%dma_start3A_100 : memref<392x256xf32, #tpu.memory_space<hbm>>) target_semaphore(%run_scoped3A : memref<!tpu.dma_semaphore, #tpu.memory_space<semaphore_mem>>)
      %dma_wait3A_101 = arith.constant 0 : i32
      %dma_wait3A_102 = tpu.memref_slice %arg4[%add3A_84, %dma_wait3A_101] : memref<100352x256xf32, #tpu.memory_space<hbm>> -> memref<392x256xf32, #tpu.memory_space<hbm>>
      %dma_wait3A_103 = arith.constant 0 : i32
      %dma_wait3A_104 = tpu.memref_slice %arg4[%add3A_84, %dma_wait3A_103] : memref<100352x256xf32, #tpu.memory_space<hbm>> -> memref<392x256xf32, #tpu.memory_space<hbm>>
      tpu.wait_dma2 semaphore(%run_scoped3A : memref<!tpu.dma_semaphore, #tpu.memory_space<semaphore_mem>>) src(%arg6 : memref<392x256xf32, #tpu.memory_space<vmem>>) dst(%dma_wait3A_104 : memref<392x256xf32, #tpu.memory_space<hbm>>)
      tpu.yield
    }) : () -> ()
    %dma_start3A_85 = arith.constant 2744 : i32
    %dma_start3A_86 = tpu.memref_slice %arg5[%dma_start3A_85] : memref<3136xi32, #tpu.memory_space<vmem>> -> memref<392xi32, #tpu.memory_space<vmem>>
    %dma_start3A_87 = arith.constant 0 : i32
    %dma_start3A_88 = arith.constant 0 : i32
    %dma_start3A_89 = tpu.memref_slice %arg2[%dma_start3A_87, %dma_start3A_88] : memref<2500x256xf32, #tpu.memory_space<hbm>> -> memref<2500x256xf32, #tpu.memory_space<hbm>>
    tpu.enqueue_indirect_dma source(%dma_start3A_89 : memref<2500x256xf32, #tpu.memory_space<hbm>>) target(%arg6 : memref<392x256xf32, #tpu.memory_space<vmem>>) offsets(%dma_start3A_86 : memref<392xi32, #tpu.memory_space<vmem>>) semaphore(%arg7 : memref<!tpu.dma_semaphore, #tpu.memory_space<semaphore_mem>>)
    %dma_wait3A_90 = arith.constant 2744 : i32
    %dma_wait3A_91 = tpu.memref_slice %arg5[%dma_wait3A_90] : memref<3136xi32, #tpu.memory_space<vmem>> -> memref<392xi32, #tpu.memory_space<vmem>>
    %dma_wait3A_92 = arith.constant 0 : i32
    %dma_wait3A_93 = arith.constant 0 : i32
    %dma_wait3A_94 = tpu.memref_slice %arg2[%dma_wait3A_92, %dma_wait3A_93] : memref<2500x256xf32, #tpu.memory_space<hbm>> -> memref<2500x256xf32, #tpu.memory_space<hbm>>
    tpu.wait_indirect_dma semaphore(%arg7 : memref<!tpu.dma_semaphore, #tpu.memory_space<semaphore_mem>>) src(%dma_wait3A_94 : memref<2500x256xf32, #tpu.memory_space<hbm>>) dst(%arg6 : memref<392x256xf32, #tpu.memory_space<vmem>>)
    %add3A_95 = arith.constant 2744 : i32
    %add3A_96 = arith.addi %mul3A_2, %add3A_95 : i32
    "tpu.region"() ({
      %run_scoped3A = tpu.sem_alloc : memref<!tpu.dma_semaphore, #tpu.memory_space<semaphore_mem>>
      %dma_start3A_97 = arith.constant 0 : i32
      %dma_start3A_98 = tpu.memref_slice %arg4[%add3A_96, %dma_start3A_97] : memref<100352x256xf32, #tpu.memory_space<hbm>> -> memref<392x256xf32, #tpu.memory_space<hbm>>
      %dma_start3A_99 = arith.constant 0 : i32
      %dma_start3A_100 = tpu.memref_slice %arg4[%add3A_96, %dma_start3A_99] : memref<100352x256xf32, #tpu.memory_space<hbm>> -> memref<392x256xf32, #tpu.memory_space<hbm>>
      tpu.enqueue_dma source(%arg6 : memref<392x256xf32, #tpu.memory_space<vmem>>) target(%dma_start3A_100 : memref<392x256xf32, #tpu.memory_space<hbm>>) target_semaphore(%run_scoped3A : memref<!tpu.dma_semaphore, #tpu.memory_space<semaphore_mem>>)
      %dma_wait3A_101 = arith.constant 0 : i32
      %dma_wait3A_102 = tpu.memref_slice %arg4[%add3A_96, %dma_wait3A_101] : memref<100352x256xf32, #tpu.memory_space<hbm>> -> memref<392x256xf32, #tpu.memory_space<hbm>>
      %dma_wait3A_103 = arith.constant 0 : i32
      %dma_wait3A_104 = tpu.memref_slice %arg4[%add3A_96, %dma_wait3A_103] : memref<100352x256xf32, #tpu.memory_space<hbm>> -> memref<392x256xf32, #tpu.memory_space<hbm>>
      tpu.wait_dma2 semaphore(%run_scoped3A : memref<!tpu.dma_semaphore, #tpu.memory_space<semaphore_mem>>) src(%arg6 : memref<392x256xf32, #tpu.memory_space<vmem>>) dst(%dma_wait3A_104 : memref<392x256xf32, #tpu.memory_space<hbm>>)
      tpu.yield
    }) : () -> ()
    return
  }
}

module attributes {stable_mosaic.version = 14 : i64} {
  func.func @_fc1_body(%arg0: i32, %arg1: i32, %arg2: memref<256x1792xf32, #tpu.memory_space<vmem>>, %arg3: memref<1024x1792xf32, #tpu.memory_space<vmem>>, %arg4: memref<1x1024xf32, #tpu.memory_space<vmem>>, %arg5: memref<256x1024xf32, #tpu.memory_space<vmem>>) attributes {dimension_semantics = [#tpu.dimension_semantics<arbitrary>, #tpu.dimension_semantics<arbitrary>], iteration_bounds = array<i64: 8, 7>, scalar_prefetch = 0 : i64, scratch_operands = 0 : i64, tpu.core_type = #tpu.core_type<tc>, window_params = [{transform_indices = @transform_0, window_bounds = array<i64: 256, 1792>}, {transform_indices = @transform_1, window_bounds = array<i64: 1024, 1792>}, {pipeline_mode = #tpu.pipeline_mode<synchronous>, transform_indices = @transform_2, window_bounds = array<i64: 1, 1024>}, {transform_indices = @transform_3, window_bounds = array<i64: 256, 1024>}]} {
    %eq3A = arith.constant 0 : i32
    %eq3A_0 = arith.cmpi eq, %arg1, %eq3A : i32
    %convert_element_type3A = arith.extui %eq3A_0 : i1 to i32
    %cond3A = arith.constant 0 : i32
    %cond3A_1 = arith.cmpi ne, %convert_element_type3A, %cond3A : i32
    scf.if %cond3A_1 {
      %broadcast_in_dim3A = arith.constant 0.000000e+00 : f32
      %broadcast_in_dim3A_18 = vector.broadcast %broadcast_in_dim3A : f32 to vector<256x1024xf32>
      %swap3A_19 = arith.constant 0 : index
      %swap3A_20 = arith.constant 0 : index
      %swap3A_21 = vector.load %arg5[%swap3A_19, %swap3A_20] : memref<256x1024xf32, #tpu.memory_space<vmem>>, vector<256x1024xf32>
      tpu.vector_store %arg5[%swap3A_19, %swap3A_20], %broadcast_in_dim3A_18 {strides = array<i32>} : memref<256x1024xf32, #tpu.memory_space<vmem>>, vector<256x1024xf32>,
    } else {
    }
    %get3A = arith.constant 0 : index
    %get3A_2 = arith.constant 0 : index
    %get3A_3 = vector.load %arg5[%get3A, %get3A_2] : memref<256x1024xf32, #tpu.memory_space<vmem>>, vector<256x1024xf32>
    %get3A_4 = arith.constant 0 : index
    %get3A_5 = arith.constant 0 : index
    %get3A_6 = vector.load %arg2[%get3A_4, %get3A_5] : memref<256x1792xf32, #tpu.memory_space<vmem>>, vector<256x1792xf32>
    %get3A_7 = arith.constant 0 : index
    %get3A_8 = arith.constant 0 : index
    %get3A_9 = vector.load %arg3[%get3A_7, %get3A_8] : memref<1024x1792xf32, #tpu.memory_space<vmem>>, vector<1024x1792xf32>
    %dot_general3A = arith.constant dense<0.000000e+00> : vector<256x1024xf32>
    %dot_general3A_10 = tpu.matmul %get3A_6, %get3A_9, %dot_general3A {dimension_numbers = #tpu.dot_dimension_numbers<[1], [1], [0], [0], [0, 0, 1, 0], [], []>, transpose_lhs_hint = false} : vector<256x1792xf32>, vector<1024x1792xf32>, vector<256x1024xf32> -> vector<256x1024xf32>
    %add3A = arith.addf %get3A_3, %dot_general3A_10 : vector<256x1024xf32>
    %swap3A = arith.constant 0 : index
    %swap3A_11 = arith.constant 0 : index
    %swap3A_12 = vector.load %arg5[%swap3A, %swap3A_11] : memref<256x1024xf32, #tpu.memory_space<vmem>>, vector<256x1024xf32>
    tpu.vector_store %arg5[%swap3A, %swap3A_11], %add3A {strides = array<i32>} : memref<256x1024xf32, #tpu.memory_space<vmem>>, vector<256x1024xf32>,
    %eq3A_13 = arith.constant 6 : i32
    %eq3A_14 = arith.cmpi eq, %arg1, %eq3A_13 : i32
    %convert_element_type3A_15 = arith.extui %eq3A_14 : i1 to i32
    %cond3A_16 = arith.constant 0 : i32
    %cond3A_17 = arith.cmpi ne, %convert_element_type3A_15, %cond3A_16 : i32
    scf.if %cond3A_17 {
      %get3A_18 = arith.constant 0 : index
      %get3A_19 = arith.constant 0 : index
      %get3A_20 = vector.load %arg5[%get3A_18, %get3A_19] : memref<256x1024xf32, #tpu.memory_space<vmem>>, vector<256x1024xf32>
      %get3A_21 = arith.constant 0 : index
      %get3A_22 = arith.constant 0 : index
      %get3A_23 = vector.load %arg4[%get3A_21, %get3A_22] : memref<1x1024xf32, #tpu.memory_space<vmem>>, vector<1x1024xf32>
      %add3A_24 = vector.broadcast %get3A_23 : vector<1x1024xf32> to vector<256x1024xf32>
      %add3A_25 = arith.addf %get3A_20, %add3A_24 : vector<256x1024xf32>
      %max3A = arith.constant 0.000000e+00 : f32
      %max3A_26 = vector.broadcast %max3A : f32 to vector<256x1024xf32>
      %max3A_27 = arith.maximumf %add3A_25, %max3A_26 : vector<256x1024xf32>
      %swap3A_28 = arith.constant 0 : index
      %swap3A_29 = arith.constant 0 : index
      %swap3A_30 = vector.load %arg5[%swap3A_28, %swap3A_29] : memref<256x1024xf32, #tpu.memory_space<vmem>>, vector<256x1024xf32>
      tpu.vector_store %arg5[%swap3A_28, %swap3A_29], %max3A_27 {strides = array<i32>} : memref<256x1024xf32, #tpu.memory_space<vmem>>, vector<256x1024xf32>,
    } else {
    }
    return
  }
  func.func @transform_0(%arg0: i32, %arg1: i32) -> (i32, i32) {
    %c0_i32 = arith.constant 0 : i32
    return %arg0, %arg1 : i32, i32
  }
  func.func @transform_1(%arg0: i32, %arg1: i32) -> (i32, i32) {
    %c0_i32 = arith.constant 0 : i32
    %c0_i32_0 = arith.constant 0 : i32
    return %c0_i32, %arg1 : i32, i32
  }
  func.func @transform_2(%arg0: i32, %arg1: i32) -> (i32, i32) {
    %c0_i32 = arith.constant 0 : i32
    %c0_i32_0 = arith.constant 0 : i32
    %c0_i32_1 = arith.constant 0 : i32
    return %c0_i32, %c0_i32_0 : i32, i32
  }
  func.func @transform_3(%arg0: i32, %arg1: i32) -> (i32, i32) {
    %c0_i32 = arith.constant 0 : i32
    %c0_i32_0 = arith.constant 0 : i32
    return %arg0, %c0_i32 : i32, i32
  }
}

module attributes {stable_mosaic.version = 14 : i64} {
  func.func @_head_body(%arg0: memref<2048x1024xf32, #tpu.memory_space<vmem>>, %arg1: memref<1024x1024xf32, #tpu.memory_space<vmem>>, %arg2: memref<1x1024xf32, #tpu.memory_space<vmem>>, %arg3: memref<81x1024xf32, #tpu.memory_space<vmem>>, %arg4: memref<1x81xf32, #tpu.memory_space<vmem>>, %arg5: memref<80x1024xf32, #tpu.memory_space<vmem>>, %arg6: memref<80x1024xf32, #tpu.memory_space<vmem>>, %arg7: memref<80x1024xf32, #tpu.memory_space<vmem>>, %arg8: memref<80x1024xf32, #tpu.memory_space<vmem>>, %arg9: memref<1x80xf32, #tpu.memory_space<vmem>>, %arg10: memref<1x80xf32, #tpu.memory_space<vmem>>, %arg11: memref<1x80xf32, #tpu.memory_space<vmem>>, %arg12: memref<1x80xf32, #tpu.memory_space<vmem>>, %arg13: memref<2048x4xf32, #tpu.memory_space<vmem>>, %arg14: memref<1x2xf32, #tpu.memory_space<vmem>>, %arg15: memref<2048x80xf32, #tpu.memory_space<vmem>>, %arg16: memref<2048x80xf32, #tpu.memory_space<vmem>>, %arg17: memref<2048x80xf32, #tpu.memory_space<vmem>>, %arg18: memref<2048x80xf32, #tpu.memory_space<vmem>>, %arg19: memref<2048x80xf32, #tpu.memory_space<vmem>>) attributes {dimension_semantics = [], scalar_prefetch = 0 : i64, scratch_operands = 0 : i64, tpu.core_type = #tpu.core_type<tc>} {
    %get3A = arith.constant 0 : index
    %get3A_0 = arith.constant 0 : index
    %get3A_1 = vector.load %arg0[%get3A, %get3A_0] : memref<2048x1024xf32, #tpu.memory_space<vmem>>, vector<2048x1024xf32>
    %get3A_2 = arith.constant 0 : index
    %get3A_3 = arith.constant 0 : index
    %get3A_4 = vector.load %arg1[%get3A_2, %get3A_3] : memref<1024x1024xf32, #tpu.memory_space<vmem>>, vector<1024x1024xf32>
    %dot_general3A = arith.constant dense<0.000000e+00> : vector<2048x1024xf32>
    %dot_general3A_5 = tpu.matmul %get3A_1, %get3A_4, %dot_general3A {dimension_numbers = #tpu.dot_dimension_numbers<[1], [1], [0], [0], [0, 0, 1, 0], [], []>, transpose_lhs_hint = false} : vector<2048x1024xf32>, vector<1024x1024xf32>, vector<2048x1024xf32> -> vector<2048x1024xf32>
    %get3A_6 = arith.constant 0 : index
    %get3A_7 = arith.constant 0 : index
    %get3A_8 = vector.load %arg2[%get3A_6, %get3A_7] : memref<1x1024xf32, #tpu.memory_space<vmem>>, vector<1x1024xf32>
    %add3A = vector.broadcast %get3A_8 : vector<1x1024xf32> to vector<2048x1024xf32>
    %add3A_9 = arith.addf %dot_general3A_5, %add3A : vector<2048x1024xf32>
    %max3A = arith.constant 0.000000e+00 : f32
    %max3A_10 = vector.broadcast %max3A : f32 to vector<2048x1024xf32>
    %max3A_11 = arith.maximumf %add3A_9, %max3A_10 : vector<2048x1024xf32>
    %get3A_12 = arith.constant 0 : index
    %get3A_13 = arith.constant 0 : index
    %get3A_14 = vector.load %arg3[%get3A_12, %get3A_13] : memref<81x1024xf32, #tpu.memory_space<vmem>>, vector<81x1024xf32>
    %dot_general3A_15 = arith.constant dense<0.000000e+00> : vector<2048x81xf32>
    %dot_general3A_16 = tpu.matmul %max3A_11, %get3A_14, %dot_general3A_15 {dimension_numbers = #tpu.dot_dimension_numbers<[1], [1], [0], [0], [0, 0, 1, 0], [], []>, transpose_lhs_hint = false} : vector<2048x1024xf32>, vector<81x1024xf32>, vector<2048x81xf32> -> vector<2048x81xf32>
    %get3A_17 = arith.constant 0 : index
    %get3A_18 = arith.constant 0 : index
    %get3A_19 = vector.load %arg4[%get3A_17, %get3A_18] : memref<1x81xf32, #tpu.memory_space<vmem>>, vector<1x81xf32>
    %add3A_20 = vector.broadcast %get3A_19 : vector<1x81xf32> to vector<2048x81xf32>
    %add3A_21 = arith.addf %dot_general3A_16, %add3A_20 : vector<2048x81xf32>
    %get3A_22 = arith.constant 0 : index
    %get3A_23 = arith.constant 0 : index
    %get3A_24 = vector.load %arg5[%get3A_22, %get3A_23] : memref<80x1024xf32, #tpu.memory_space<vmem>>, vector<80x1024xf32>
    %dot_general3A_25 = arith.constant dense<0.000000e+00> : vector<2048x80xf32>
    %dot_general3A_26 = tpu.matmul %max3A_11, %get3A_24, %dot_general3A_25 {dimension_numbers = #tpu.dot_dimension_numbers<[1], [1], [0], [0], [0, 0, 1, 0], [], []>, transpose_lhs_hint = false} : vector<2048x1024xf32>, vector<80x1024xf32>, vector<2048x80xf32> -> vector<2048x80xf32>
    %get3A_27 = arith.constant 0 : index
    %get3A_28 = arith.constant 0 : index
    %get3A_29 = vector.load %arg9[%get3A_27, %get3A_28] : memref<1x80xf32, #tpu.memory_space<vmem>>, vector<1x80xf32>
    %add3A_30 = vector.broadcast %get3A_29 : vector<1x80xf32> to vector<2048x80xf32>
    %add3A_31 = arith.addf %dot_general3A_26, %add3A_30 : vector<2048x80xf32>
    %get3A_32 = arith.constant 0 : index
    %get3A_33 = arith.constant 0 : index
    %get3A_34 = vector.load %arg6[%get3A_32, %get3A_33] : memref<80x1024xf32, #tpu.memory_space<vmem>>, vector<80x1024xf32>
    %dot_general3A_35 = arith.constant dense<0.000000e+00> : vector<2048x80xf32>
    %dot_general3A_36 = tpu.matmul %max3A_11, %get3A_34, %dot_general3A_35 {dimension_numbers = #tpu.dot_dimension_numbers<[1], [1], [0], [0], [0, 0, 1, 0], [], []>, transpose_lhs_hint = false} : vector<2048x1024xf32>, vector<80x1024xf32>, vector<2048x80xf32> -> vector<2048x80xf32>
    %get3A_37 = arith.constant 0 : index
    %get3A_38 = arith.constant 0 : index
    %get3A_39 = vector.load %arg10[%get3A_37, %get3A_38] : memref<1x80xf32, #tpu.memory_space<vmem>>, vector<1x80xf32>
    %add3A_40 = vector.broadcast %get3A_39 : vector<1x80xf32> to vector<2048x80xf32>
    %add3A_41 = arith.addf %dot_general3A_36, %add3A_40 : vector<2048x80xf32>
    %get3A_42 = arith.constant 0 : index
    %get3A_43 = arith.constant 0 : index
    %get3A_44 = vector.load %arg7[%get3A_42, %get3A_43] : memref<80x1024xf32, #tpu.memory_space<vmem>>, vector<80x1024xf32>
    %dot_general3A_45 = arith.constant dense<0.000000e+00> : vector<2048x80xf32>
    %dot_general3A_46 = tpu.matmul %max3A_11, %get3A_44, %dot_general3A_45 {dimension_numbers = #tpu.dot_dimension_numbers<[1], [1], [0], [0], [0, 0, 1, 0], [], []>, transpose_lhs_hint = false} : vector<2048x1024xf32>, vector<80x1024xf32>, vector<2048x80xf32> -> vector<2048x80xf32>
    %get3A_47 = arith.constant 0 : index
    %get3A_48 = arith.constant 0 : index
    %get3A_49 = vector.load %arg11[%get3A_47, %get3A_48] : memref<1x80xf32, #tpu.memory_space<vmem>>, vector<1x80xf32>
    %add3A_50 = vector.broadcast %get3A_49 : vector<1x80xf32> to vector<2048x80xf32>
    %add3A_51 = arith.addf %dot_general3A_46, %add3A_50 : vector<2048x80xf32>
    %get3A_52 = arith.constant 0 : index
    %get3A_53 = arith.constant 0 : index
    %get3A_54 = vector.load %arg8[%get3A_52, %get3A_53] : memref<80x1024xf32, #tpu.memory_space<vmem>>, vector<80x1024xf32>
    %dot_general3A_55 = arith.constant dense<0.000000e+00> : vector<2048x80xf32>
    %dot_general3A_56 = tpu.matmul %max3A_11, %get3A_54, %dot_general3A_55 {dimension_numbers = #tpu.dot_dimension_numbers<[1], [1], [0], [0], [0, 0, 1, 0], [], []>, transpose_lhs_hint = false} : vector<2048x1024xf32>, vector<80x1024xf32>, vector<2048x80xf32> -> vector<2048x80xf32>
    %get3A_57 = arith.constant 0 : index
    %get3A_58 = arith.constant 0 : index
    %get3A_59 = vector.load %arg12[%get3A_57, %get3A_58] : memref<1x80xf32, #tpu.memory_space<vmem>>, vector<1x80xf32>
    %add3A_60 = vector.broadcast %get3A_59 : vector<1x80xf32> to vector<2048x80xf32>
    %add3A_61 = arith.addf %dot_general3A_56, %add3A_60 : vector<2048x80xf32>
    %reduce_max3A = arith.constant dense<0xFF800000> : vector<2048xf32>
    %reduce_max3A_62 = vector.multi_reduction <maximumf>, %add3A_21, %reduce_max3A [1] : vector<2048x81xf32> to vector<2048xf32>
    %broadcast_in_dim3A = vector.shape_cast %reduce_max3A_62 : vector<2048xf32> to vector<2048x1xf32>
    %sub3A = vector.broadcast %broadcast_in_dim3A : vector<2048x1xf32> to vector<2048x81xf32>
    %sub3A_63 = arith.subf %add3A_21, %sub3A : vector<2048x81xf32>
    %exp3A = math.exp %sub3A_63 : vector<2048x81xf32>
    %reduce_sum3A = arith.constant dense<0.000000e+00> : vector<2048xf32>
    %reduce_sum3A_64 = vector.multi_reduction <add>, %exp3A, %reduce_sum3A [1] : vector<2048x81xf32> to vector<2048xf32>
    %broadcast_in_dim3A_65 = vector.shape_cast %reduce_sum3A_64 : vector<2048xf32> to vector<2048x1xf32>
    %div3A = vector.broadcast %broadcast_in_dim3A_65 : vector<2048x1xf32> to vector<2048x81xf32>
    %div3A_66 = arith.divf %exp3A, %div3A : vector<2048x81xf32>
    %slice3A = vector.extract_strided_slice %div3A_66 {offsets = [0, 1], sizes = [2048, 80], strides = [1, 1]} : vector<2048x81xf32> to vector<2048x80xf32>
    %get3A_67 = arith.constant 0 : index
    %get3A_68 = arith.constant 0 : index
    %get3A_69 = vector.load %arg14[%get3A_67, %get3A_68] : memref<1x2xf32, #tpu.memory_space<vmem>>, vector<1x1xf32>
    %get3A_70 = vector.extract %get3A_69[0, 0] : f32 from vector<1x1xf32>
    %get3A_71 = arith.constant 0 : index
    %get3A_72 = arith.constant 1 : index
    %get3A_73 = vector.load %arg14[%get3A_71, %get3A_72] : memref<1x2xf32, #tpu.memory_space<vmem>>, vector<1x1xf32>
    %get3A_74 = vector.extract %get3A_73[0, 0] : f32 from vector<1x1xf32>
    %get3A_75 = arith.constant 0 : index
    %get3A_76 = arith.constant 0 : index
    %get3A_77 = vector.load %arg13[%get3A_75, %get3A_76] : memref<2048x4xf32, #tpu.memory_space<vmem>>, vector<2048x1xf32>
    %get3A_78 = arith.constant 0 : index
    %get3A_79 = arith.constant 1 : index
    %get3A_80 = vector.load %arg13[%get3A_78, %get3A_79] : memref<2048x4xf32, #tpu.memory_space<vmem>>, vector<2048x1xf32>
    %get3A_81 = arith.constant 0 : index
    %get3A_82 = arith.constant 2 : index
    %get3A_83 = vector.load %arg13[%get3A_81, %get3A_82] : memref<2048x4xf32, #tpu.memory_space<vmem>>, vector<2048x1xf32>
    %get3A_84 = arith.constant 0 : index
    %get3A_85 = arith.constant 3 : index
    %get3A_86 = vector.load %arg13[%get3A_84, %get3A_85] : memref<2048x4xf32, #tpu.memory_space<vmem>>, vector<2048x1xf32>
    %sub3A_87 = arith.subf %get3A_83, %get3A_77 : vector<2048x1xf32>
    %sub3A_88 = arith.subf %get3A_86, %get3A_80 : vector<2048x1xf32>
    %mul3A = arith.constant 5.000000e-01 : f32
    %mul3A_89 = vector.broadcast %mul3A : f32 to vector<2048x1xf32>
    %mul3A_90 = arith.mulf %mul3A_89, %sub3A_87 : vector<2048x1xf32>
    %add3A_91 = arith.addf %get3A_77, %mul3A_90 : vector<2048x1xf32>
    %mul3A_92 = arith.constant 5.000000e-01 : f32
    %mul3A_93 = vector.broadcast %mul3A_92 : f32 to vector<2048x1xf32>
    %mul3A_94 = arith.mulf %mul3A_93, %sub3A_88 : vector<2048x1xf32>
    %add3A_95 = arith.addf %get3A_80, %mul3A_94 : vector<2048x1xf32>
    %min3A = arith.constant 4.13516665 : f32
    %min3A_96 = vector.broadcast %min3A : f32 to vector<2048x80xf32>
    %min3A_97 = arith.minimumf %add3A_51, %min3A_96 : vector<2048x80xf32>
    %min3A_98 = arith.constant 4.13516665 : f32
    %min3A_99 = vector.broadcast %min3A_98 : f32 to vector<2048x80xf32>
    %min3A_100 = arith.minimumf %add3A_61, %min3A_99 : vector<2048x80xf32>
    %mul3A_101 = vector.broadcast %sub3A_87 : vector<2048x1xf32> to vector<2048x80xf32>
    %mul3A_102 = arith.mulf %add3A_31, %mul3A_101 : vector<2048x80xf32>
    %add3A_103 = vector.broadcast %add3A_91 : vector<2048x1xf32> to vector<2048x80xf32>
    %add3A_104 = arith.addf %mul3A_102, %add3A_103 : vector<2048x80xf32>
    %mul3A_105 = vector.broadcast %sub3A_88 : vector<2048x1xf32> to vector<2048x80xf32>
    %mul3A_106 = arith.mulf %add3A_41, %mul3A_105 : vector<2048x80xf32>
    %add3A_107 = vector.broadcast %add3A_95 : vector<2048x1xf32> to vector<2048x80xf32>
    %add3A_108 = arith.addf %mul3A_106, %add3A_107 : vector<2048x80xf32>
    %exp3A_109 = math.exp %min3A_97 : vector<2048x80xf32>
    %mul3A_110 = vector.broadcast %sub3A_87 : vector<2048x1xf32> to vector<2048x80xf32>
    %mul3A_111 = arith.mulf %exp3A_109, %mul3A_110 : vector<2048x80xf32>
    %exp3A_112 = math.exp %min3A_100 : vector<2048x80xf32>
    %mul3A_113 = vector.broadcast %sub3A_88 : vector<2048x1xf32> to vector<2048x80xf32>
    %mul3A_114 = arith.mulf %exp3A_112, %mul3A_113 : vector<2048x80xf32>
    %mul3A_115 = arith.constant 5.000000e-01 : f32
    %mul3A_116 = vector.broadcast %mul3A_115 : f32 to vector<2048x80xf32>
    %mul3A_117 = arith.mulf %mul3A_116, %mul3A_111 : vector<2048x80xf32>
    %sub3A_118 = arith.subf %add3A_104, %mul3A_117 : vector<2048x80xf32>
    %jit3A = arith.constant 0.000000e+00 : f32
    %max3A_119 = vector.broadcast %jit3A : f32 to vector<2048x80xf32>
    %max3A_120 = arith.maximumf %max3A_119, %sub3A_118 : vector<2048x80xf32>
    %min3A_121 = vector.broadcast %get3A_74 : f32 to vector<2048x80xf32>
    %min3A_122 = arith.minimumf %min3A_121, %max3A_120 : vector<2048x80xf32>
    %mul3A_123 = arith.constant 5.000000e-01 : f32
    %mul3A_124 = vector.broadcast %mul3A_123 : f32 to vector<2048x80xf32>
    %mul3A_125 = arith.mulf %mul3A_124, %mul3A_114 : vector<2048x80xf32>
    %sub3A_126 = arith.subf %add3A_108, %mul3A_125 : vector<2048x80xf32>
    %jit3A_127 = arith.constant 0.000000e+00 : f32
    %max3A_128 = vector.broadcast %jit3A_127 : f32 to vector<2048x80xf32>
    %max3A_129 = arith.maximumf %max3A_128, %sub3A_126 : vector<2048x80xf32>
    %min3A_130 = vector.broadcast %get3A_70 : f32 to vector<2048x80xf32>
    %min3A_131 = arith.minimumf %min3A_130, %max3A_129 : vector<2048x80xf32>
    %mul3A_132 = arith.constant 5.000000e-01 : f32
    %mul3A_133 = vector.broadcast %mul3A_132 : f32 to vector<2048x80xf32>
    %mul3A_134 = arith.mulf %mul3A_133, %mul3A_111 : vector<2048x80xf32>
    %add3A_135 = arith.addf %add3A_104, %mul3A_134 : vector<2048x80xf32>
    %jit3A_136 = arith.constant 0.000000e+00 : f32
    %max3A_137 = vector.broadcast %jit3A_136 : f32 to vector<2048x80xf32>
    %max3A_138 = arith.maximumf %max3A_137, %add3A_135 : vector<2048x80xf32>
    %min3A_139 = vector.broadcast %get3A_74 : f32 to vector<2048x80xf32>
    %min3A_140 = arith.minimumf %min3A_139, %max3A_138 : vector<2048x80xf32>
    %mul3A_141 = arith.constant 5.000000e-01 : f32
    %mul3A_142 = vector.broadcast %mul3A_141 : f32 to vector<2048x80xf32>
    %mul3A_143 = arith.mulf %mul3A_142, %mul3A_114 : vector<2048x80xf32>
    %add3A_144 = arith.addf %add3A_108, %mul3A_143 : vector<2048x80xf32>
    %jit3A_145 = arith.constant 0.000000e+00 : f32
    %max3A_146 = vector.broadcast %jit3A_145 : f32 to vector<2048x80xf32>
    %max3A_147 = arith.maximumf %max3A_146, %add3A_144 : vector<2048x80xf32>
    %min3A_148 = vector.broadcast %get3A_70 : f32 to vector<2048x80xf32>
    %min3A_149 = arith.minimumf %min3A_148, %max3A_147 : vector<2048x80xf32>
    %sub3A_150 = arith.subf %min3A_140, %min3A_122 : vector<2048x80xf32>
    %sub3A_151 = arith.subf %min3A_149, %min3A_131 : vector<2048x80xf32>
    %gt3A = arith.constant 0.00999999977 : f32
    %gt3A_152 = vector.broadcast %gt3A : f32 to vector<2048x80xf32>
    %gt3A_153 = arith.cmpf ogt, %slice3A, %gt3A_152 : vector<2048x80xf32>
    %ge3A = arith.constant 1.600000e+01 : f32
    %ge3A_154 = vector.broadcast %ge3A : f32 to vector<2048x80xf32>
    %ge3A_155 = arith.cmpf oge, %sub3A_150, %ge3A_154 : vector<2048x80xf32>
    %and3A = arith.andi %gt3A_153, %ge3A_155 : vector<2048x80xi1>
    %ge3A_156 = arith.constant 1.600000e+01 : f32
    %ge3A_157 = vector.broadcast %ge3A_156 : f32 to vector<2048x80xf32>
    %ge3A_158 = arith.cmpf oge, %sub3A_151, %ge3A_157 : vector<2048x80xf32>
    %and3A_159 = arith.andi %and3A, %ge3A_158 : vector<2048x80xi1>
    %jit3A_160 = arith.constant -1.000000e+00 : f32
    %broadcast_in_dim3A_161 = vector.broadcast %jit3A_160 : f32 to vector<2048x80xf32>
    %select_n3A = arith.select %and3A_159, %slice3A, %broadcast_in_dim3A_161 : vector<2048x80xi1>, vector<2048x80xf32>
    %iota3A = tpu.iota {dimensions = array<i32: 0>} : vector<2048x80xi32>
    %lt3A = arith.constant 2000 : i32
    %lt3A_162 = vector.broadcast %lt3A : i32 to vector<2048x80xi32>
    %lt3A_163 = arith.cmpi slt, %iota3A, %lt3A_162 : vector<2048x80xi32>
    %jit3A_164 = arith.constant -2.000000e+00 : f32
    %broadcast_in_dim3A_165 = vector.broadcast %jit3A_164 : f32 to vector<2048x80xf32>
    %select_n3A_166 = arith.select %lt3A_163, %select_n3A, %broadcast_in_dim3A_165 : vector<2048x80xi1>, vector<2048x80xf32>
    %swap3A = arith.constant 0 : index
    %swap3A_167 = arith.constant 0 : index
    %swap3A_168 = vector.load %arg15[%swap3A, %swap3A_167] : memref<2048x80xf32, #tpu.memory_space<vmem>>, vector<2048x80xf32>
    tpu.vector_store %arg15[%swap3A, %swap3A_167], %select_n3A_166 {strides = array<i32>} : memref<2048x80xf32, #tpu.memory_space<vmem>>, vector<2048x80xf32>,
    %swap3A_169 = arith.constant 0 : index
    %swap3A_170 = arith.constant 0 : index
    %swap3A_171 = vector.load %arg16[%swap3A_169, %swap3A_170] : memref<2048x80xf32, #tpu.memory_space<vmem>>, vector<2048x80xf32>
    tpu.vector_store %arg16[%swap3A_169, %swap3A_170], %min3A_122 {strides = array<i32>} : memref<2048x80xf32, #tpu.memory_space<vmem>>, vector<2048x80xf32>,
    %swap3A_172 = arith.constant 0 : index
    %swap3A_173 = arith.constant 0 : index
    %swap3A_174 = vector.load %arg17[%swap3A_172, %swap3A_173] : memref<2048x80xf32, #tpu.memory_space<vmem>>, vector<2048x80xf32>
    tpu.vector_store %arg17[%swap3A_172, %swap3A_173], %min3A_131 {strides = array<i32>} : memref<2048x80xf32, #tpu.memory_space<vmem>>, vector<2048x80xf32>,
    %swap3A_175 = arith.constant 0 : index
    %swap3A_176 = arith.constant 0 : index
    %swap3A_177 = vector.load %arg18[%swap3A_175, %swap3A_176] : memref<2048x80xf32, #tpu.memory_space<vmem>>, vector<2048x80xf32>
    tpu.vector_store %arg18[%swap3A_175, %swap3A_176], %min3A_140 {strides = array<i32>} : memref<2048x80xf32, #tpu.memory_space<vmem>>, vector<2048x80xf32>,
    %swap3A_178 = arith.constant 0 : index
    %swap3A_179 = arith.constant 0 : index
    %swap3A_180 = vector.load %arg19[%swap3A_178, %swap3A_179] : memref<2048x80xf32, #tpu.memory_space<vmem>>, vector<2048x80xf32>
    tpu.vector_store %arg19[%swap3A_178, %swap3A_179], %min3A_149 {strides = array<i32>} : memref<2048x80xf32, #tpu.memory_space<vmem>>, vector<2048x80xf32>,
    return
  }
}

module attributes {stable_mosaic.version = 14 : i64} {
  func.func @_nms_body(%arg0: memref<1x512xf32, #tpu.memory_space<vmem>>, %arg1: memref<1x512xf32, #tpu.memory_space<vmem>>, %arg2: memref<1x512xf32, #tpu.memory_space<vmem>>, %arg3: memref<1x512xf32, #tpu.memory_space<vmem>>, %arg4: memref<512x1xf32, #tpu.memory_space<vmem>>, %arg5: memref<512x1xf32, #tpu.memory_space<vmem>>, %arg6: memref<512x1xf32, #tpu.memory_space<vmem>>, %arg7: memref<512x1xf32, #tpu.memory_space<vmem>>, %arg8: memref<1x512xf32, #tpu.memory_space<vmem>>, %arg9: memref<1x512xf32, #tpu.memory_space<vmem>>, %arg10: memref<1x512xf32, #tpu.memory_space<vmem>>) attributes {dimension_semantics = [], scalar_prefetch = 0 : i64, scratch_operands = 1 : i64, tpu.core_type = #tpu.core_type<tc>} {
    %get3A = arith.constant 0 : index
    %get3A_0 = arith.constant 0 : index
    %get3A_1 = vector.load %arg0[%get3A, %get3A_0] : memref<1x512xf32, #tpu.memory_space<vmem>>, vector<1x512xf32>
    %get3A_2 = arith.constant 0 : index
    %get3A_3 = arith.constant 0 : index
    %get3A_4 = vector.load %arg1[%get3A_2, %get3A_3] : memref<1x512xf32, #tpu.memory_space<vmem>>, vector<1x512xf32>
    %get3A_5 = arith.constant 0 : index
    %get3A_6 = arith.constant 0 : index
    %get3A_7 = vector.load %arg2[%get3A_5, %get3A_6] : memref<1x512xf32, #tpu.memory_space<vmem>>, vector<1x512xf32>
    %get3A_8 = arith.constant 0 : index
    %get3A_9 = arith.constant 0 : index
    %get3A_10 = vector.load %arg3[%get3A_8, %get3A_9] : memref<1x512xf32, #tpu.memory_space<vmem>>, vector<1x512xf32>
    %get3A_11 = arith.constant 0 : index
    %get3A_12 = arith.constant 0 : index
    %get3A_13 = vector.load %arg8[%get3A_11, %get3A_12] : memref<1x512xf32, #tpu.memory_space<vmem>>, vector<1x512xf32>
    %iota3A = tpu.iota {dimensions = array<i32: 1>} : vector<1x512xi32>
    %le3A = arith.constant 0.000000e+00 : f32
    %le3A_14 = vector.broadcast %le3A : f32 to vector<1x512xf32>
    %le3A_15 = arith.cmpf ole, %get3A_13, %le3A_14 : vector<1x512xf32>
    %jit3A = arith.constant 1.000000e+00 : f32
    %jit3A_16 = arith.constant 0.000000e+00 : f32
    %broadcast_in_dim3A = vector.broadcast %jit3A : f32 to vector<1x512xf32>
    %broadcast_in_dim3A_17 = vector.broadcast %jit3A_16 : f32 to vector<1x512xf32>
    %select_n3A = arith.select %le3A_15, %broadcast_in_dim3A, %broadcast_in_dim3A_17 : vector<1x512xi1>, vector<1x512xf32>
    %swap3A = arith.constant 0 : index
    %swap3A_18 = arith.constant 0 : index
    %swap3A_19 = vector.load %arg10[%swap3A, %swap3A_18] : memref<1x512xf32, #tpu.memory_space<vmem>>, vector<1x512xf32>
    tpu.vector_store %arg10[%swap3A, %swap3A_18], %select_n3A {strides = array<i32>} : memref<1x512xf32, #tpu.memory_space<vmem>>, vector<1x512xf32>,
    %scan3A = arith.constant 0 : i32
    %scan3A_20 = arith.constant 500 : i32
    %scan3A_21 = arith.addi %scan3A, %scan3A_20 : i32
    %scan3A_22 = arith.constant 1 : i32
    scf.for %scan3A_35 = %scan3A to %scan3A_21 step %scan3A_22  : i32 {
      %get3A_36 = arith.index_cast %scan3A_35 : i32 to index
      %get3A_37 = arith.constant 0 : index
      %get3A_38 = vector.load %arg4[%get3A_36, %get3A_37] : memref<512x1xf32, #tpu.memory_space<vmem>>, vector<1x1xf32>
      %get3A_39 = vector.extract %get3A_38[0, 0] : f32 from vector<1x1xf32>
      %get3A_40 = arith.index_cast %scan3A_35 : i32 to index
      %get3A_41 = arith.constant 0 : index
      %get3A_42 = vector.load %arg5[%get3A_40, %get3A_41] : memref<512x1xf32, #tpu.memory_space<vmem>>, vector<1x1xf32>
      %get3A_43 = vector.extract %get3A_42[0, 0] : f32 from vector<1x1xf32>
      %get3A_44 = arith.index_cast %scan3A_35 : i32 to index
      %get3A_45 = arith.constant 0 : index
      %get3A_46 = vector.load %arg6[%get3A_44, %get3A_45] : memref<512x1xf32, #tpu.memory_space<vmem>>, vector<1x1xf32>
      %get3A_47 = vector.extract %get3A_46[0, 0] : f32 from vector<1x1xf32>
      %get3A_48 = arith.index_cast %scan3A_35 : i32 to index
      %get3A_49 = arith.constant 0 : index
      %get3A_50 = vector.load %arg7[%get3A_48, %get3A_49] : memref<512x1xf32, #tpu.memory_space<vmem>>, vector<1x1xf32>
      %get3A_51 = vector.extract %get3A_50[0, 0] : f32 from vector<1x1xf32>
      %get3A_52 = arith.constant 0 : index
      %get3A_53 = arith.constant 0 : index
      %get3A_54 = vector.load %arg10[%get3A_52, %get3A_53] : memref<1x512xf32, #tpu.memory_space<vmem>>, vector<1x512xf32>
      %eq3A = vector.broadcast %scan3A_35 : i32 to vector<1x512xi32>
      %eq3A_55 = arith.cmpi eq, %iota3A, %eq3A : vector<1x512xi32>
      %jit3A_56 = arith.constant 0.000000e+00 : f32
      %broadcast_in_dim3A_57 = vector.broadcast %jit3A_56 : f32 to vector<1x512xf32>
      %select_n3A_58 = arith.select %eq3A_55, %get3A_54, %broadcast_in_dim3A_57 : vector<1x512xi1>, vector<1x512xf32>
      %reduce_max3A = vector.shape_cast %select_n3A_58 : vector<1x512xf32> to vector<1x1x512xf32>
      %reduce_max3A_59 = arith.constant dense<0xFF800000> : vector<1xf32>
      %reduce_max3A_60 = vector.multi_reduction <maximumf>, %reduce_max3A, %reduce_max3A_59 [1, 2] : vector<1x1x512xf32> to vector<1xf32>
      %reduce_max3A_61 = vector.shape_cast %reduce_max3A_60 : vector<1xf32> to vector<1x1x1xf32>
      %reduce_max3A_62 = vector.extract %reduce_max3A_61[0, 0, 0] : f32 from vector<1x1x1xf32>
      %max3A = vector.broadcast %get3A_39 : f32 to vector<1x512xf32>
      %max3A_63 = arith.maximumf %max3A, %get3A_1 : vector<1x512xf32>
      %max3A_64 = vector.broadcast %get3A_43 : f32 to vector<1x512xf32>
      %max3A_65 = arith.maximumf %max3A_64, %get3A_4 : vector<1x512xf32>
      %min3A = vector.broadcast %get3A_47 : f32 to vector<1x512xf32>
      %min3A_66 = arith.minimumf %min3A, %get3A_7 : vector<1x512xf32>
      %min3A_67 = vector.broadcast %get3A_51 : f32 to vector<1x512xf32>
      %min3A_68 = arith.minimumf %min3A_67, %get3A_10 : vector<1x512xf32>
      %sub3A = arith.subf %min3A_66, %max3A_63 : vector<1x512xf32>
      %max3A_69 = arith.constant 0.000000e+00 : f32
      %max3A_70 = vector.broadcast %max3A_69 : f32 to vector<1x512xf32>
      %max3A_71 = arith.maximumf %sub3A, %max3A_70 : vector<1x512xf32>
      %sub3A_72 = arith.subf %min3A_68, %max3A_65 : vector<1x512xf32>
      %max3A_73 = arith.constant 0.000000e+00 : f32
      %max3A_74 = vector.broadcast %max3A_73 : f32 to vector<1x512xf32>
      %max3A_75 = arith.maximumf %sub3A_72, %max3A_74 : vector<1x512xf32>
      %mul3A = arith.mulf %max3A_71, %max3A_75 : vector<1x512xf32>
      %sub3A_76 = arith.subf %get3A_47, %get3A_39 : f32
      %max3A_77 = arith.constant 0.000000e+00 : f32
      %max3A_78 = arith.maximumf %sub3A_76, %max3A_77 : f32
      %sub3A_79 = arith.subf %get3A_51, %get3A_43 : f32
      %max3A_80 = arith.constant 0.000000e+00 : f32
      %max3A_81 = arith.maximumf %sub3A_79, %max3A_80 : f32
      %mul3A_82 = arith.mulf %max3A_78, %max3A_81 : f32
      %sub3A_83 = arith.subf %get3A_7, %get3A_1 : vector<1x512xf32>
      %max3A_84 = arith.constant 0.000000e+00 : f32
      %max3A_85 = vector.broadcast %max3A_84 : f32 to vector<1x512xf32>
      %max3A_86 = arith.maximumf %sub3A_83, %max3A_85 : vector<1x512xf32>
      %sub3A_87 = arith.subf %get3A_10, %get3A_4 : vector<1x512xf32>
      %max3A_88 = arith.constant 0.000000e+00 : f32
      %max3A_89 = vector.broadcast %max3A_88 : f32 to vector<1x512xf32>
      %max3A_90 = arith.maximumf %sub3A_87, %max3A_89 : vector<1x512xf32>
      %mul3A_91 = arith.mulf %max3A_86, %max3A_90 : vector<1x512xf32>
      %add3A = vector.broadcast %mul3A_82 : f32 to vector<1x512xf32>
      %add3A_92 = arith.addf %add3A, %mul3A_91 : vector<1x512xf32>
      %sub3A_93 = arith.subf %add3A_92, %mul3A : vector<1x512xf32>
      %add3A_94 = arith.constant 9.99999971E-10 : f32
      %add3A_95 = vector.broadcast %add3A_94 : f32 to vector<1x512xf32>
      %add3A_96 = arith.addf %sub3A_93, %add3A_95 : vector<1x512xf32>
      %div3A = arith.divf %mul3A, %add3A_96 : vector<1x512xf32>
      %eq3A_97 = arith.constant 0.000000e+00 : f32
      %eq3A_98 = arith.cmpf oeq, %reduce_max3A_62, %eq3A_97 : f32
      %gt3A_99 = arith.constant 5.000000e-01 : f32
      %gt3A_100 = vector.broadcast %gt3A_99 : f32 to vector<1x512xf32>
      %gt3A_101 = arith.cmpf ogt, %div3A, %gt3A_100 : vector<1x512xf32>
      %and3A = vector.broadcast %eq3A_98 : i1 to vector<1x512xi1>
      %and3A_102 = arith.andi %and3A, %gt3A_101 : vector<1x512xi1>
      %gt3A_103 = vector.broadcast %scan3A_35 : i32 to vector<1x512xi32>
      %gt3A_104 = arith.cmpi sgt, %iota3A, %gt3A_103 : vector<1x512xi32>
      %and3A_105 = arith.andi %and3A_102, %gt3A_104 : vector<1x512xi1>
      %jit3A_106 = arith.constant 1.000000e+00 : f32
      %broadcast_in_dim3A_107 = vector.broadcast %jit3A_106 : f32 to vector<1x512xf32>
      %select_n3A_108 = arith.select %and3A_105, %broadcast_in_dim3A_107, %get3A_54 : vector<1x512xi1>, vector<1x512xf32>
      %swap3A_109 = arith.constant 0 : index
      %swap3A_110 = arith.constant 0 : index
      %swap3A_111 = vector.load %arg10[%swap3A_109, %swap3A_110] : memref<1x512xf32, #tpu.memory_space<vmem>>, vector<1x512xf32>
      tpu.vector_store %arg10[%swap3A_109, %swap3A_110], %select_n3A_108 {strides = array<i32>} : memref<1x512xf32, #tpu.memory_space<vmem>>, vector<1x512xf32>,
    }
    %scan3A_23 = arith.constant 500 : i32
    %get3A_24 = arith.constant 0 : index
    %get3A_25 = arith.constant 0 : index
    %get3A_26 = vector.load %arg10[%get3A_24, %get3A_25] : memref<1x512xf32, #tpu.memory_space<vmem>>, vector<1x512xf32>
    %gt3A = arith.constant 0.000000e+00 : f32
    %gt3A_27 = vector.broadcast %gt3A : f32 to vector<1x512xf32>
    %gt3A_28 = arith.cmpf ogt, %get3A_26, %gt3A_27 : vector<1x512xf32>
    %jit3A_29 = arith.constant -1.000000e+00 : f32
    %broadcast_in_dim3A_30 = vector.broadcast %jit3A_29 : f32 to vector<1x512xf32>
    %select_n3A_31 = arith.select %gt3A_28, %broadcast_in_dim3A_30, %get3A_13 : vector<1x512xi1>, vector<1x512xf32>
    %swap3A_32 = arith.constant 0 : index
    %swap3A_33 = arith.constant 0 : index
    %swap3A_34 = vector.load %arg9[%swap3A_32, %swap3A_33] : memref<1x512xf32, #tpu.memory_space<vmem>>, vector<1x512xf32>
    tpu.vector_store %arg9[%swap3A_32, %swap3A_33], %select_n3A_31 {strides = array<i32>} : memref<1x512xf32, #tpu.memory_space<vmem>>, vector<1x512xf32>,
    return
  }
}

</mosaic_0001>

<sc_bundles>
// kernel: kernel.6.cloned.1.call-start
scs
__scs_entry_jumppad:
0x0: {  	(pc) =	sbr.rel $0x88, $3  }
0x1: {  	(tag) =	ssettag $0x0;
	lr =	simm.s32 $0x1  }
0x2: {  	[smem:$0x3F96] =	sst lr;
	_ =	strace $0xD0000000  }
0x3: {  	_ = 	snop  }
0x4: {  	_ = 	snop  }
0x5: {  	_ = 	snop  }
0x6: {  	_ = 	snop  }
0x7: {  	_ = 	snop  }
__scs_overlays_trampoline_lowered:
0x8: {  	[smem:$0x3FA5] =	sst s0  }
0x9: {  	[smem:$0x3FA6] =	sst s1  }
0xa: {  	[smem:$0x3FA7] =	sst s2  }
0xb: {  	[smem:$0x3FA8] =	sst s3  }
0xc: {  	[smem:$0x3FA9] =	sst s4  }
0xd: {  	[smem:$0x3FAA] =	sst s5  }
0xe: {  	[smem:$0x3FAB] =	sst s6  }
0xf: {  	[smem:$0x3FAC] =	sst s7  }
0x10: {  	[smem:$0x3FAD] =	sst s8  }
0x11: {  	[smem:$0x3FAE] =	sst s9;
	s0 =	simm.s32 @!p0 $0x0  }
0x12: {  	s1 =	sld [smem:$0x3F94];
	s0 =	simm.s32 @p0 $0x1  }
0x13: {  	[smem:$0x3FAF] =	sst s0;
	s0 =	simm.s32 @!p1 $0x0  }
0x14: {  	s2 =	sld [smem:$0x3F93];
	s0 =	simm.s32 @p1 $0x1  }
0x15: {  	[smem:$0x3FB0] =	sst s0;
	s0 =	simm.s32 @!p2 $0x0  }
0x16: {  	s3 =	sld [smem:$0x3FDB];
	s0 =	simm.s32 @p2 $0x1  }
0x17: {  	s4 =	simm.s32 $0x1BF5;
	[smem:$0x3FB2] =	sst s0  }
0x18: {  	s0 =	sld [smem:$0x3F95];
	_ =	swait.ge [sflag:s4], $0x0  }
0x19: {  	s7 =	sld [smem:$0x3F96]  }
0x1a: {  	s8 =	sadd.s32 $0xFFFFE003, lr  }
0x1b: {  	s9 =	sadd.s32 $0xFFFFFEF7, lr;
	s5 =	simm.s32 $0xFFFFFFFF;
	p2 =	slt.u32 s8, $0xFFFFF086  }
0x1c: {  	p1 =	slt.u32 s9, $0xF7A;
	s5 =	simm.s32 @!p2 $0x0  }
0x1d: {  	s5 =	simm.s32 @p1 $0x1;
	p0 =	seq.s32 s7, s2  }
0x1e: {  	s7 =	smul.u32 @!p0 $0xF7A, s2;
	p2 =	seq.s32 @!p0 s5, $0x0  }
0x1f: {  	s9 =	smul.u32 $0xF7A, s1;
	s8 =	simm.s32 @!p0 $0x1BF5;
	p2 =	por !p2, p0  }
0x20: {  	[sflag:s8] =	ssyncset.s32 @!p0 $0xFFFFF086;
	s6 =	sadd.s32 @!p0 s3, s7;
	s7 =	simm.s32 @!p0 $0x108  }
0x21: {  	s3 =	sadd.s32 s3, s9;
	s6 =	sadd.s32 @!p0 $0x88, s6;
	s7 =	simm.s32 @p2 $0x1082  }
0x22: {  	[simem:s7], [sflag:s8] =	dma.local @!p0 [hbm:s6], $0xF7A  }
0x23: {  	s9 =	sor.u32 $0xD0000000, s2;
	s6 =	simm.s32 $0x108;
	_ =	swait.ge @!p0 [sflag:s8], $0x0  }
0x24: {  	s3 =	sadd.s32 $0x88, s3;
	s6 =	simm.s32 @!p1 $0x1082;
	[sflag:s4] =	ssyncset.s32 $0xFFFFF086  }
0x25: {  	[simem:s6], [sflag:s4] =	dma.local [hbm:s3], $0xF7A  }
0x26: {  	[smem:$0x3F96] =	sst s1;
	(tag) =	ssettag s2;
	_ =	strace s9  }
0x27: {  	s1 =	sld [smem:$0x3FA6]  }
0x28: {  	s2 =	sld [smem:$0x3FA7]  }
0x29: {  	s4 =	sld [smem:$0x3FA9]  }
0x2a: {  	p0 =	seq.s32 s5, $0x0;
	s5 =	sld [smem:$0x3FAA]  }
0x2b: {  	s6 =	sld [smem:$0x3FAB]  }
0x2c: {  	s7 =	sld [smem:$0x3FAC]  }
0x2d: {  	s3 =	simm.s32 $0x108;
	s8 =	sld [smem:$0x3FAD]  }
0x2e: {  	s3 =	simm.s32 @!p0 $0x1082;
	s9 =	sld [smem:$0x3FAE]  }
0x2f: {  	lr =	sadd.s32 s0, s3;
	s0 =	sld [smem:$0x3FA5]  }
0x30: {  	s3 =	sld [smem:$0x3FA8]  }
0x31: {  	[smem:$0x3FB1] =	sst s10  }
0x32: {  	s10 =	sld [smem:$0x3FAF];
	_ =	sdelay $0x3  }
0x33: {  	p0 =	seq.s32 s10, $0x1;
	s10 =	sld [smem:$0x3FB1];
	_ =	sdelay $0x3  }
0x34: {  	[smem:$0x3FB1] =	sst s10  }
0x35: {  	s10 =	sld [smem:$0x3FB0];
	_ =	sdelay $0x3  }
0x36: {  	p1 =	seq.s32 s10, $0x1;
	s10 =	sld [smem:$0x3FB1];
	_ =	sdelay $0x3  }
0x37: {  	[smem:$0x3FB1] =	sst s10  }
0x38: {  	s10 =	sld [smem:$0x3FB2]  }
0x39: {  	_ = 	snop;
	(pc) =	sbr.ind lr, $3  }
0x3a: {  	_ = 	snop  }
0x3b: {  	_ = 	snop  }
0x3c: {  	p2 =	seq.s32 s10, $0x1;
	s10 =	sld [smem:$0x3FB1]  }
0x3d: {  	_ =	shalt  }
0x3e: {  	_ =	shalt  }
0x3f: {  	_ =	shalt  }
0x40: {  	_ =	shalt  }
0x41: {  	_ =	shalt  }
0x42: {  	_ =	shalt  }
0x43: {  	_ =	shalt  }
0x44: {  	_ =	shalt  }
0x45: {  	_ =	shalt  }
0x46: {  	_ =	shalt  }
0x47: {  	_ =	shalt  }
0x48: {  	_ =	shalt  }
0x49: {  	_ =	shalt  }
0x4a: {  	_ =	shalt  }
0x4b: {  	_ =	shalt  }
0x4c: {  	_ =	shalt  }
0x4d: {  	_ =	shalt  }
0x4e: {  	_ =	shalt  }
0x4f: {  	_ =	shalt  }
0x50: {  	_ =	shalt  }
0x51: {  	_ =	shalt  }
0x52: {  	_ =	shalt  }
0x53: {  	_ =	shalt  }
0x54: {  	_ =	shalt  }
0x55: {  	_ =	shalt  }
0x56: {  	_ =	shalt  }
0x57: {  	_ =	shalt  }
0x58: {  	_ =	shalt  }
0x59: {  	_ =	shalt  }
0x5a: {  	_ =	shalt  }
0x5b: {  	_ =	shalt  }
0x5c: {  	_ =	shalt  }
0x5d: {  	_ =	shalt  }
0x5e: {  	_ =	shalt  }
0x5f: {  	_ =	shalt  }
0x60: {  	_ =	shalt  }
0x61: {  	_ =	shalt  }
0x62: {  	_ =	shalt  }
0x63: {  	_ =	shalt  }
0x64: {  	_ =	shalt  }
0x65: {  	_ =	shalt  }
0x66: {  	_ =	shalt  }
0x67: {  	_ =	shalt  }
0x68: {  	_ =	shalt  }
0x69: {  	_ =	shalt  }
0x6a: {  	_ =	shalt  }
0x6b: {  	_ =	shalt  }
0x6c: {  	_ =	shalt  }
0x6d: {  	_ =	shalt  }
0x6e: {  	_ =	shalt  }
0x6f: {  	_ =	shalt  }
0x70: {  	_ =	shalt  }
0x71: {  	_ =	shalt  }
0x72: {  	_ =	shalt  }
0x73: {  	_ =	shalt  }
0x74: {  	_ =	shalt  }
0x75: {  	_ =	shalt  }
0x76: {  	_ =	shalt  }
0x77: {  	_ =	shalt  }
0x78: {  	_ =	shalt  }
0x79: {  	_ =	shalt  }
0x7a: {  	_ =	shalt  }
0x7b: {  	_ =	shalt  }
0x7c: {  	_ =	shalt  }
0x7d: {  	_ =	shalt  }
0x7e: {  	_ =	shalt  }
0x7f: {  	_ =	shalt  }
0x80: {  	_ =	shalt  }
0x81: {  	_ =	shalt  }
0x82: {  	_ =	shalt  }
0x83: {  	_ =	shalt  }
0x84: {  	_ =	shalt  }
0x85: {  	_ =	shalt  }
0x86: {  	_ =	shalt  }
0x87: {  	_ =	shalt  }
.Lfunc_end0:
.L_simem_size_0:
called_computation.1_lowered:
.L_overlay_start_0:
0x88: {  	s2 =	sld [smem:$0x3FD9]  }
0x89: {  	s3 =	sld [smem:$0x3FFE];
	_ =	sdelay $0x1  }
0x8a: {  	s1 =	srdreg.scid  }
0x8b: {  	s0 =	sand.u32 $0x1, s1  }
0x8c: {  	s17 =	sshll.u32 s0, $0xA;
	s2 =	sadd.s32 s3, s2  }
0x8d: {  	s2 =	sadd.s32 s2, s17  }
0x8e: {  	[smem:$0x3FBD] =	sst s2  }
0x8f: {  	_ = 	snop  }
0x90: {  	(tm) =	ssettm $0x1  }
0x91: {  	s18 =	sld [smem:$0x3FFB];
	_ =	sdelay $0x3  }
0x92: {  	_ =	strace s18  }
0x93: {  	s2 =	sld [smem:$0x3FFC];
	_ =	sdelay $0x3  }
0x94: {  	_ =	strace s2  }
0x95: {  	s2 =	sld [smem:$0x3FFD];
	_ =	sdelay $0x3  }
0x96: {  	_ =	strace s2  }
0x97: {  	_ =	strace $0x8FFFFFFF  }
0x98: {  	s19 =	sld [smem:$0x3FDB];
	_ =	sdelay $0x1  }
0x99: {  	s20 =	simm.s32 $_scs_section_size  }
0x9a: {  	s4 =	simm.s32 $_size__tile_overlayer_lowered;
	s5 =	simm.s32 $_tile_overlayer_lowered  }
0x9b: {  	s6 =	simm.s32 $0x1BFF;
	s21 =	sshll.u32 s5, $0x1;
	s3 =	sadd.s32 s20, s19  }
0x9c: {  	s22 =	simm.s32 $0x0;
	s4 =	sshll.u32 s4, $0x1;
	s5 =	sadd.s32 s21, s3  }
0x9d: {  	[timem:s22], [sflag:s6] =	dma.local [hbm:s5], s4  }
0x9e: {  	_ =	swait.ge [sflag:s6], s4  }
0x9f: {  	s4 =	ssub.s32 $0x0, s4;
	[sflag:s6] =	ssyncset.done $0x0  }
0xa0: {  	[sflag:s6] =	ssyncadd.s32 s4;
	_ =	sdelay $0x1  }
0xa1: {  	s23 =	simm.s32 $0x1B8B  }
0xa2: {  	_ =	swait.ge [sflag:s23], $0x1  }
0xa3: {  	[sflag:s23] =	ssyncset.done $0x0  }
0xa4: {  	[sflag:s23] =	ssyncadd.s32 $0xFFFFFFFF  }
0xa5: {  	s4 =	sld [smem:$0x0]  }
0xa6: {  	s5 =	sand.u32 $0xFFFFFFFE, s1  }
0xa7: {  	p0 =	sne.s32 s1, s5  }
0xa8: {  	s5 =	sshll.u32 @p0 s5, $0xE  }
0xa9: {  	s5 =	sadd.s32 @p0 $0x11B8D, s5;
	s6 =	sshll.u32 @p0 s4, $0x11  }
0xaa: {  	s5 =	sor.u32 @p0 s6, s5  }
0xab: {  	[sflag:s5] =	ssyncadd.remote.s32 @p0 $0x1;
	_ =	sdelay $0x1  }
0xac: {  	s5 =	simm.s32 @p0 $0x1B8D  }
0xad: {  	_ =	swait.eq @p0 [sflag:s5], $0x1  }
0xae: {  	[sflag:s5] =	ssyncadd.s32 @p0 $0xFFFFFFFF  }
0xaf: {  	s6 =	sshll.u32 @!p0 s1, $0xE  }
0xb0: {  	s6 =	sor.u32 @!p0 $0x4000, s6;
	s5 =	simm.s32 @!p0 $0x1B8D  }
0xb1: {  	s4 =	sshll.u32 @!p0 s4, $0x11;
	s6 =	sadd.s32 @!p0 $0x11B8D, s6;
	_ =	swait.eq @!p0 [sflag:s5], $0x1  }
0xb2: {  	s4 =	sor.u32 @!p0 s4, s6;
	[sflag:s5] =	ssyncadd.s32 @!p0 $0xFFFFFFFF  }
0xb3: {  	s25 =	simm.s32 $0x1B8E;
	s24 =	sld [smem:$0x3FFE];
	[sflag:s4] =	ssyncadd.remote.s32 @!p0 $0x1  }
0xb4: {  	s26 =	simm.s32 $execute0_lowered;
	[smem:$0x3FD2] =	sst s25  }
0xb5: {  	s5 =	sshll.u32 s26, $0x1;
	_ =	strace $0x80000049;
	[dreg:$0x1] =	wrdreg $0xFFFFFFFF  }
0xb6: {  	s28 =	simm.s32 $_size_execute0_lowered;
	s3 =	sadd.s32 s3, s5;
	[dreg:$0x0] =	wrdreg $0x0  }
0xb7: {  	s5 =	sshll.u32 s28, $0x1;
	[dreg:$0x2] =	wrdreg s3  }
0xb8: {  	[dreg:$0x3] =	wrdreg s5  }
0xb9: {  	[dreg:$0x4] =	wrdreg $0xC0  }
0xba: {  	_ =	task [dreg:s22], $0x5FFFF  }
0xbb: {  	[dreg:$0x1] =	wrdreg $0xFFFFFFFF  }
0xbc: {  	[dreg:$0x0] =	wrdreg $0x60  }
0xbd: {  	[dreg:$0x2] =	wrdreg s24  }
0xbe: {  	[dreg:$0x3] =	wrdreg $0xA  }
0xbf: {  	_ =	task.clear_ibuf [dreg:s22], $0x4FFFF;
	_ =	strace $0x90000049  }
0xc0: {  	s29 =	simm.s32 $0xA;
	_ =	strace $0x8000004B  }
0xc1: {  	_ =	swait.ge [sflag:s29], $0x1  }
0xc2: {  	[sflag:s29] =	ssyncadd.s32 $0xFFFFFFFF  }
0xc3: {  	_ =	strace $0x9000004B  }
0xc4: {  	_ =	sfence  }
0xc5: {  	s30 =	sld [smem:$0x0];
	_ =	sdelay $0x2  }
0xc6: {  	s31 =	sshll.u32 s1, $0xD;
	s1 =	sshrl.u32 s1, $0x2  }
0xc7: {  	s4 =	sand.u32 $0x4000, s31;
	s1 =	sadd.s32 s1, s30  }
0xc8: {  	s0 =	sor.u32 s4, s0;
	s1 =	sshll.u32 s1, $0x11  }
0xc9: {  	s0 =	sor.u32 s1, s0  }
0xca: {  	s0 =	sadd.s32 $0x8F2B, s0  }
0xcb: {  	[sflag:s0] =	ssyncadd.remote.s32 $0x1  }
0xcc: {  	_ =	sfence.sel $0xFFFF  }
0xcd: {  	[dreg:$0x0] =	wrdreg $0xFFFFFFFF;
	(pc) =	sbr.abs _section_cstart, $3  }
0xce: {  	[dreg:$0x1] =	wrdreg $0xFFFFFFFF  }
0xcf: {  	_ =	task.clear_ibuf [dreg:s22], $0x2FFFF;
	_ =	strace $0x9FFFFFFF  }
0xd0: {  	(tm) =	ssettm $0x7FFFFFFF  }
0xd1: {  	_ =	shalt  }
tec
execute0_lowered:
.L_overlay_start_1:
0x0: {  	(tag) =	ssettag $0x1  }
0x1: {  	s0 =	srdreg.scid;
	s1 =	stileid.u32  }
0x2: {  	s0 =	sand.u32 $0x1, s0;
	s1 =	sshll.u32 s1, $0x1  }
0x3: {  	s1 =	sor.u32 s0, s1  }
0x4: {  	s4 =	smul.u32 $0x188, s1  }
0x5: {  	s3 =	rddreg [dreg:$0x0];
	s2 =	simm.s32 $0x0;
	s5 =	smul.u32 $0xC4000, s1  }
0x6: {  	[smem:$0x7FF] =	sst s2;
	s1 =	smul.u32 $0x18800, s1  }
0x7: {  	s6 =	sadd.s32 $0x35EC00, s3;
	_ =	strace $0x8000004A  }
0x8: {  	s4 =	sadd.s32 s4, s3;
	s5 =	sshrl.u32 s5, $0x3;
	s1 =	sadd.s32 s6, s1  }
0x9: {  	s4 =	sadd.s32 $0x348000, s4;
	s20 =	sadd.s32 s6, s5;
	[dreg:$0x3] =	wrdreg s1  }
0xa: {  	[dreg:$0x2] =	wrdreg s4;
	s21 =	sadd.s32 $0x3100, s20  }
0xb: {  	s29 =	simm.s32 $0xC80;
	s22 =	sadd.s32 $0x6200, s20;
	[dreg:$0x4] =	wrdreg s21  }
0xc: {  	s30 =	simm.s32 $0x1;
	s23 =	sadd.s32 $0x9300, s20;
	[dreg:$0x5] =	wrdreg s22  }
0xd: {  	s0 =	ssub.s32 $0x2, s0;
	s24 =	sadd.s32 $0xC400, s20;
	[dreg:$0x6] =	wrdreg s23  }
0xe: {  	s26 =	sshrl.u32 s0, $0x1;
	s25 =	sadd.s32 $0xF500, s20;
	[dreg:$0x7] =	wrdreg s24  }
0xf: {  	v2 =	vlaneseq.u32;
	s0 =	ssub.s32 s0, s26;
	s28 =	sadd.s32 $0x12600, s20;
	[dreg:$0x8] =	wrdreg s25  }
0x10: {  	vm0 =	vmmov $0xffff;
	v1 =	vshrl.u32 v2, $0x3;
	s3 =	sadd.s32 $0x34B200, s3;
	s31 =	sadd.s32 $0x15700, s20;
	[dreg:$0x9] =	wrdreg s28  }
0x11: {  	v0 =	vand.u32 $0x7, v2;
	v2 =	vor.u32 $0x8, v2;
	v1 =	vmul.u32 $0x8, v1;
	s0 =	smax.u32 s0, $0x1;
	s5 =	simm.s32 $0x2;
	[dreg:$0xa] =	wrdreg s31  }
.LBB2_1:
0x12: {  	[dreg:$0xb] =	wrdreg s0  }
0x13: {  	s31 =	rddreg [dreg:$0x2]  }
0x14: {  	[tilespmem:s2], [sflag:$0x2] =	stream.linear.gather [hbm4b:s31+s2], $0xC40, $0x38;
	[tilespmem:$0x19480] =	vst v63  }
0x15: {  	_ =	swait.ge [sflag:s5], $0xC40  }
0x16: {  	[sflag:s5] =	ssyncset.done $0x0  }
0x17: {  	[sflag:s5] =	ssyncadd.s32 $0xFFFFF3C0  }
0x18: {  	v3 =	vld [tilespmem:$0x0];
	_ =	sdelay $0x4  }
0x19: {  	v4 =	vshll.u32 v3, $0x1  }
0x1a: {  	v3 =	vand.u32 $0x7, v3;
	v4 =	vand.u32 $0xFFFFFFF0, v4  }
0x1b: {  	v3 =	vor.u32 v3, v4  }
0x1c: {  	v4 =	vperm.xlane v3, v0;
	_ =	sdelay $0x1  }
0x1d: {  	v3 =	vperm.xlane v3, v2;
	v4 =	vadd.s32 v1, v4;
	_ =	sdelay $0x1  }
0x1e: {  	v3 =	vadd.s32 v1, v3;
	_ =	sdelay $0x2  }
0x1f: {  	[tilespmem:s29], [sflag:$0x1] =	stream.indirect_vreg.gather [hbm4b:s3+s2], $0x80, v4, vm0, $0xb8;
	[tilespmem:$0x19480] =	vst v63  }
0x20: {  	s11 =	simm.s32 $0x1480  }
0x21: {  	[tilespmem:s11], [sflag:$0x1] =	stream.indirect_vreg.gather [hbm4b:s3+s2], $0x80, v3, vm0, $0xb8;
	[tilespmem:$0x19480] =	vst v63  }
0x22: {  	v3 =	vld [tilespmem:$0x10];
	_ =	sdelay $0x4  }
0x23: {  	v33 =	vshll.u32 v3, $0x1  }
0x24: {  	v3 =	vand.u32 $0x7, v3;
	v4 =	vand.u32 $0xFFFFFFF0, v33  }
0x25: {  	v3 =	vor.u32 v3, v4  }
0x26: {  	v4 =	vperm.xlane v3, v0;
	_ =	sdelay $0x1  }
0x27: {  	v3 =	vperm.xlane v3, v2;
	v4 =	vadd.s32 v1, v4;
	_ =	sdelay $0x1  }
0x28: {  	v3 =	vadd.s32 v1, v3;
	_ =	sdelay $0x1  }
0x29: {  	s12 =	simm.s32 $0x1C80  }
0x2a: {  	[tilespmem:s12], [sflag:$0x1] =	stream.indirect_vreg.gather [hbm4b:s3+s2], $0x80, v4, vm0, $0xb8;
	[tilespmem:$0x19480] =	vst v63  }
0x2b: {  	s13 =	simm.s32 $0x2480  }
0x2c: {  	[tilespmem:s13], [sflag:$0x1] =	stream.indirect_vreg.gather [hbm4b:s3+s2], $0x80, v3, vm0, $0xb8;
	[tilespmem:$0x19480] =	vst v63  }
0x2d: {  	v3 =	vld [tilespmem:$0x20];
	_ =	sdelay $0x4  }
0x2e: {  	v34 =	vshll.u32 v3, $0x1  }
0x2f: {  	v3 =	vand.u32 $0x7, v3;
	v4 =	vand.u32 $0xFFFFFFF0, v34  }
0x30: {  	v3 =	vor.u32 v3, v4  }
0x31: {  	v4 =	vperm.xlane v3, v0;
	_ =	sdelay $0x1  }
0x32: {  	v3 =	vperm.xlane v3, v2;
	v4 =	vadd.s32 v1, v4;
	_ =	sdelay $0x1  }
0x33: {  	v3 =	vadd.s32 v1, v3;
	_ =	sdelay $0x1  }
0x34: {  	s14 =	simm.s32 $0x2C80  }
0x35: {  	[tilespmem:s14], [sflag:$0x1] =	stream.indirect_vreg.gather [hbm4b:s3+s2], $0x80, v4, vm0, $0xb8;
	[tilespmem:$0x19480] =	vst v63  }
0x36: {  	s17 =	simm.s32 $0x3480  }
0x37: {  	[tilespmem:s17], [sflag:$0x1] =	stream.indirect_vreg.gather [hbm4b:s3+s2], $0x80, v3, vm0, $0xb8;
	[tilespmem:$0x19480] =	vst v63  }
0x38: {  	v3 =	vld [tilespmem:$0x30];
	_ =	sdelay $0x4  }
0x39: {  	v35 =	vshll.u32 v3, $0x1  }
0x3a: {  	v3 =	vand.u32 $0x7, v3;
	v4 =	vand.u32 $0xFFFFFFF0, v35  }
0x3b: {  	v3 =	vor.u32 v3, v4  }
0x3c: {  	v4 =	vperm.xlane v3, v0;
	_ =	sdelay $0x1  }
0x3d: {  	v3 =	vperm.xlane v3, v2;
	v4 =	vadd.s32 v1, v4;
	_ =	sdelay $0x1  }
0x3e: {  	v3 =	vadd.s32 v1, v3;
	_ =	sdelay $0x1  }
0x3f: {  	s18 =	simm.s32 $0x3C80  }
0x40: {  	[tilespmem:s18], [sflag:$0x1] =	stream.indirect_vreg.gather [hbm4b:s3+s2], $0x80, v4, vm0, $0xb8;
	[tilespmem:$0x19480] =	vst v63  }
0x41: {  	s19 =	simm.s32 $0x4480  }
0x42: {  	[tilespmem:s19], [sflag:$0x1] =	stream.indirect_vreg.gather [hbm4b:s3+s2], $0x80, v3, vm0, $0xb8;
	[tilespmem:$0x19480] =	vst v63  }
0x43: {  	v3 =	vld [tilespmem:$0x40];
	_ =	sdelay $0x4  }
0x44: {  	v36 =	vshll.u32 v3, $0x1  }
0x45: {  	v3 =	vand.u32 $0x7, v3;
	v4 =	vand.u32 $0xFFFFFFF0, v36  }
0x46: {  	v3 =	vor.u32 v3, v4  }
0x47: {  	v4 =	vperm.xlane v3, v0;
	_ =	sdelay $0x1  }
0x48: {  	v3 =	vperm.xlane v3, v2;
	v4 =	vadd.s32 v1, v4;
	_ =	sdelay $0x1  }
0x49: {  	v3 =	vadd.s32 v1, v3;
	_ =	sdelay $0x1  }
0x4a: {  	s20 =	simm.s32 $0x4C80  }
0x4b: {  	[tilespmem:s20], [sflag:$0x1] =	stream.indirect_vreg.gather [hbm4b:s3+s2], $0x80, v4, vm0, $0xb8;
	[tilespmem:$0x19480] =	vst v63  }
0x4c: {  	s21 =	simm.s32 $0x5480  }
0x4d: {  	[tilespmem:s21], [sflag:$0x1] =	stream.indirect_vreg.gather [hbm4b:s3+s2], $0x80, v3, vm0, $0xb8;
	[tilespmem:$0x19480] =	vst v63  }
0x4e: {  	v3 =	vld [tilespmem:$0x50];
	_ =	sdelay $0x4  }
0x4f: {  	v37 =	vshll.u32 v3, $0x1  }
0x50: {  	v3 =	vand.u32 $0x7, v3;
	v4 =	vand.u32 $0xFFFFFFF0, v37  }
0x51: {  	v3 =	vor.u32 v3, v4  }
0x52: {  	v4 =	vperm.xlane v3, v0;
	_ =	sdelay $0x1  }
0x53: {  	v3 =	vperm.xlane v3, v2;
	v4 =	vadd.s32 v1, v4;
	_ =	sdelay $0x1  }
0x54: {  	v3 =	vadd.s32 v1, v3;
	_ =	sdelay $0x1  }
0x55: {  	s22 =	simm.s32 $0x5C80  }
0x56: {  	[tilespmem:s22], [sflag:$0x1] =	stream.indirect_vreg.gather [hbm4b:s3+s2], $0x80, v4, vm0, $0xb8;
	[tilespmem:$0x19480] =	vst v63  }
0x57: {  	s23 =	simm.s32 $0x6480  }
0x58: {  	[tilespmem:s23], [sflag:$0x1] =	stream.indirect_vreg.gather [hbm4b:s3+s2], $0x80, v3, vm0, $0xb8;
	[tilespmem:$0x19480] =	vst v63  }
0x59: {  	v3 =	vld [tilespmem:$0x60];
	_ =	sdelay $0x4  }
0x5a: {  	v38 =	vshll.u32 v3, $0x1  }
0x5b: {  	v3 =	vand.u32 $0x7, v3;
	v4 =	vand.u32 $0xFFFFFFF0, v38  }
0x5c: {  	v3 =	vor.u32 v3, v4  }
0x5d: {  	v4 =	vperm.xlane v3, v0;
	_ =	sdelay $0x1  }
0x5e: {  	v3 =	vperm.xlane v3, v2;
	v4 =	vadd.s32 v1, v4;
	_ =	sdelay $0x1  }
0x5f: {  	v3 =	vadd.s32 v1, v3;
	_ =	sdelay $0x1  }
0x60: {  	s24 =	simm.s32 $0x6C80  }
0x61: {  	[tilespmem:s24], [sflag:$0x1] =	stream.indirect_vreg.gather [hbm4b:s3+s2], $0x80, v4, vm0, $0xb8;
	[tilespmem:$0x19480] =	vst v63  }
0x62: {  	s25 =	simm.s32 $0x7480  }
0x63: {  	[tilespmem:s25], [sflag:$0x1] =	stream.indirect_vreg.gather [hbm4b:s3+s2], $0x80, v3, vm0, $0xb8;
	[tilespmem:$0x19480] =	vst v63  }
0x64: {  	v3 =	vld [tilespmem:$0x70];
	_ =	sdelay $0x4  }
0x65: {  	v39 =	vshll.u32 v3, $0x1  }
0x66: {  	v3 =	vand.u32 $0x7, v3;
	v4 =	vand.u32 $0xFFFFFFF0, v39  }
0x67: {  	v3 =	vor.u32 v3, v4  }
0x68: {  	v4 =	vperm.xlane v3, v0;
	_ =	sdelay $0x1  }
0x69: {  	v3 =	vperm.xlane v3, v2;
	v4 =	vadd.s32 v1, v4;
	_ =	sdelay $0x1  }
0x6a: {  	v3 =	vadd.s32 v1, v3;
	_ =	sdelay $0x1  }
0x6b: {  	s26 =	simm.s32 $0x7C80  }
0x6c: {  	[tilespmem:s26], [sflag:$0x1] =	stream.indirect_vreg.gather [hbm4b:s3+s2], $0x80, v4, vm0, $0xb8;
	[tilespmem:$0x19480] =	vst v63  }
0x6d: {  	s28 =	simm.s32 $0x8480  }
0x6e: {  	[tilespmem:s28], [sflag:$0x1] =	stream.indirect_vreg.gather [hbm4b:s3+s2], $0x80, v3, vm0, $0xb8;
	[tilespmem:$0x19480] =	vst v63  }
0x6f: {  	v3 =	vld [tilespmem:$0x80];
	_ =	sdelay $0x4  }
0x70: {  	v40 =	vshll.u32 v3, $0x1  }
0x71: {  	v3 =	vand.u32 $0x7, v3;
	v4 =	vand.u32 $0xFFFFFFF0, v40  }
0x72: {  	v3 =	vor.u32 v3, v4  }
0x73: {  	v4 =	vperm.xlane v3, v0;
	_ =	sdelay $0x1  }
0x74: {  	v3 =	vperm.xlane v3, v2;
	v4 =	vadd.s32 v1, v4;
	_ =	sdelay $0x1  }
0x75: {  	v3 =	vadd.s32 v1, v3;
	_ =	sdelay $0x1  }
0x76: {  	s31 =	simm.s32 $0x8C80  }
0x77: {  	[tilespmem:s31], [sflag:$0x1] =	stream.indirect_vreg.gather [hbm4b:s3+s2], $0x80, v4, vm0, $0xb8;
	[tilespmem:$0x19480] =	vst v63  }
0x78: {  	s1 =	simm.s32 $0x9480  }
0x79: {  	[tilespmem:s1], [sflag:$0x1] =	stream.indirect_vreg.gather [hbm4b:s3+s2], $0x80, v3, vm0, $0xb8;
	[tilespmem:$0x19480] =	vst v63  }
0x7a: {  	v3 =	vld [tilespmem:$0x90];
	_ =	sdelay $0x4  }
0x7b: {  	v41 =	vshll.u32 v3, $0x1  }
0x7c: {  	v3 =	vand.u32 $0x7, v3;
	v4 =	vand.u32 $0xFFFFFFF0, v41  }
0x7d: {  	v3 =	vor.u32 v3, v4  }
0x7e: {  	v4 =	vperm.xlane v3, v0;
	_ =	sdelay $0x1  }
0x7f: {  	v3 =	vperm.xlane v3, v2;
	v4 =	vadd.s32 v1, v4;
	_ =	sdelay $0x1  }
0x80: {  	v3 =	vadd.s32 v1, v3;
	_ =	sdelay $0x1  }
0x81: {  	s4 =	simm.s32 $0x9C80  }
0x82: {  	[tilespmem:s4], [sflag:$0x1] =	stream.indirect_vreg.gather [hbm4b:s3+s2], $0x80, v4, vm0, $0xb8;
	[tilespmem:$0x19480] =	vst v63  }
0x83: {  	s6 =	simm.s32 $0xA480  }
0x84: {  	[tilespmem:s6], [sflag:$0x1] =	stream.indirect_vreg.gather [hbm4b:s3+s2], $0x80, v3, vm0, $0xb8;
	[tilespmem:$0x19480] =	vst v63  }
0x85: {  	v3 =	vld [tilespmem:$0xA0];
	_ =	sdelay $0x4  }
0x86: {  	v42 =	vshll.u32 v3, $0x1  }
0x87: {  	v3 =	vand.u32 $0x7, v3;
	v4 =	vand.u32 $0xFFFFFFF0, v42  }
0x88: {  	v3 =	vor.u32 v3, v4  }
0x89: {  	v4 =	vperm.xlane v3, v0;
	_ =	sdelay $0x1  }
0x8a: {  	v3 =	vperm.xlane v3, v2;
	v4 =	vadd.s32 v1, v4;
	_ =	sdelay $0x1  }
0x8b: {  	v3 =	vadd.s32 v1, v3;
	_ =	sdelay $0x1  }
0x8c: {  	s7 =	simm.s32 $0xAC80  }
0x8d: {  	[tilespmem:s7], [sflag:$0x1] =	stream.indirect_vreg.gather [hbm4b:s3+s2], $0x80, v4, vm0, $0xb8;
	[tilespmem:$0x19480] =	vst v63  }
0x8e: {  	s8 =	simm.s32 $0xB480  }
0x8f: {  	[tilespmem:s8], [sflag:$0x1] =	stream.indirect_vreg.gather [hbm4b:s3+s2], $0x80, v3, vm0, $0xb8;
	[tilespmem:$0x19480] =	vst v63  }
0x90: {  	v3 =	vld [tilespmem:$0xB0];
	_ =	sdelay $0x4  }
0x91: {  	v43 =	vshll.u32 v3, $0x1  }
0x92: {  	v3 =	vand.u32 $0x7, v3;
	v4 =	vand.u32 $0xFFFFFFF0, v43  }
0x93: {  	v3 =	vor.u32 v3, v4  }
0x94: {  	v4 =	vperm.xlane v3, v0;
	_ =	sdelay $0x1  }
0x95: {  	v3 =	vperm.xlane v3, v2;
	v4 =	vadd.s32 v1, v4;
	_ =	sdelay $0x1  }
0x96: {  	v3 =	vadd.s32 v1, v3;
	_ =	sdelay $0x1  }
0x97: {  	s9 =	simm.s32 $0xBC80  }
0x98: {  	[tilespmem:s9], [sflag:$0x1] =	stream.indirect_vreg.gather [hbm4b:s3+s2], $0x80, v4, vm0, $0xb8;
	[tilespmem:$0x19480] =	vst v63  }
0x99: {  	s10 =	simm.s32 $0xC480  }
0x9a: {  	[tilespmem:s10], [sflag:$0x1] =	stream.indirect_vreg.gather [hbm4b:s3+s2], $0x80, v3, vm0, $0xb8;
	[tilespmem:$0x19480] =	vst v63  }
0x9b: {  	v3 =	vld [tilespmem:$0xC0];
	_ =	sdelay $0x4  }
0x9c: {  	v44 =	vshll.u32 v3, $0x1  }
0x9d: {  	v3 =	vand.u32 $0x7, v3;
	v4 =	vand.u32 $0xFFFFFFF0, v44  }
0x9e: {  	v3 =	vor.u32 v3, v4  }
0x9f: {  	v4 =	vperm.xlane v3, v0;
	_ =	sdelay $0x1  }
0xa0: {  	v3 =	vperm.xlane v3, v2;
	v4 =	vadd.s32 v1, v4;
	_ =	sdelay $0x1  }
0xa1: {  	v3 =	vadd.s32 v1, v3;
	_ =	sdelay $0x1  }
0xa2: {  	s11 =	simm.s32 $0xCC80  }
0xa3: {  	[tilespmem:s11], [sflag:$0x1] =	stream.indirect_vreg.gather [hbm4b:s3+s2], $0x80, v4, vm0, $0xb8;
	[tilespmem:$0x19480] =	vst v63  }
0xa4: {  	s12 =	simm.s32 $0xD480  }
0xa5: {  	[tilespmem:s12], [sflag:$0x1] =	stream.indirect_vreg.gather [hbm4b:s3+s2], $0x80, v3, vm0, $0xb8;
	[tilespmem:$0x19480] =	vst v63  }
0xa6: {  	v3 =	vld [tilespmem:$0xD0];
	_ =	sdelay $0x4  }
0xa7: {  	v45 =	vshll.u32 v3, $0x1  }
0xa8: {  	v3 =	vand.u32 $0x7, v3;
	v4 =	vand.u32 $0xFFFFFFF0, v45  }
0xa9: {  	v3 =	vor.u32 v3, v4  }
0xaa: {  	v4 =	vperm.xlane v3, v0;
	_ =	sdelay $0x1  }
0xab: {  	v3 =	vperm.xlane v3, v2;
	v4 =	vadd.s32 v1, v4;
	_ =	sdelay $0x1  }
0xac: {  	v3 =	vadd.s32 v1, v3;
	_ =	sdelay $0x1  }
0xad: {  	s13 =	simm.s32 $0xDC80  }
0xae: {  	[tilespmem:s13], [sflag:$0x1] =	stream.indirect_vreg.gather [hbm4b:s3+s2], $0x80, v4, vm0, $0xb8;
	[tilespmem:$0x19480] =	vst v63  }
0xaf: {  	s14 =	simm.s32 $0xE480  }
0xb0: {  	[tilespmem:s14], [sflag:$0x1] =	stream.indirect_vreg.gather [hbm4b:s3+s2], $0x80, v3, vm0, $0xb8;
	[tilespmem:$0x19480] =	vst v63  }
0xb1: {  	v3 =	vld [tilespmem:$0xE0];
	_ =	sdelay $0x4  }
0xb2: {  	v46 =	vshll.u32 v3, $0x1  }
0xb3: {  	v3 =	vand.u32 $0x7, v3;
	v4 =	vand.u32 $0xFFFFFFF0, v46  }
0xb4: {  	v3 =	vor.u32 v3, v4  }
0xb5: {  	v4 =	vperm.xlane v3, v0;
	_ =	sdelay $0x1  }
0xb6: {  	v3 =	vperm.xlane v3, v2;
	v4 =	vadd.s32 v1, v4;
	_ =	sdelay $0x1  }
0xb7: {  	v3 =	vadd.s32 v1, v3;
	_ =	sdelay $0x1  }
0xb8: {  	s24 =	simm.s32 $0xEC80  }
0xb9: {  	[tilespmem:s24], [sflag:$0x1] =	stream.indirect_vreg.gather [hbm4b:s3+s2], $0x80, v4, vm0, $0xb8;
	[tilespmem:$0x19480] =	vst v63  }
0xba: {  	s0 =	simm.s32 $0xF480  }
0xbb: {  	[tilespmem:s0], [sflag:$0x1] =	stream.indirect_vreg.gather [hbm4b:s3+s2], $0x80, v3, vm0, $0xb8;
	[tilespmem:$0x19480] =	vst v63  }
0xbc: {  	v3 =	vld [tilespmem:$0xF0];
	_ =	sdelay $0x4  }
0xbd: {  	v47 =	vshll.u32 v3, $0x1  }
0xbe: {  	v3 =	vand.u32 $0x7, v3;
	v4 =	vand.u32 $0xFFFFFFF0, v47  }
0xbf: {  	v3 =	vor.u32 v3, v4  }
0xc0: {  	v4 =	vperm.xlane v3, v0;
	_ =	sdelay $0x1  }
0xc1: {  	v3 =	vperm.xlane v3, v2;
	v4 =	vadd.s32 v1, v4;
	_ =	sdelay $0x1  }
0xc2: {  	v3 =	vadd.s32 v1, v3;
	_ =	sdelay $0x1  }
0xc3: {  	s1 =	simm.s32 $0xFC80  }
0xc4: {  	[tilespmem:s1], [sflag:$0x1] =	stream.indirect_vreg.gather [hbm4b:s3+s2], $0x80, v4, vm0, $0xb8;
	[tilespmem:$0x19480] =	vst v63  }
0xc5: {  	s4 =	simm.s32 $0x10480  }
0xc6: {  	[tilespmem:s4], [sflag:$0x1] =	stream.indirect_vreg.gather [hbm4b:s3+s2], $0x80, v3, vm0, $0xb8;
	[tilespmem:$0x19480] =	vst v63  }
0xc7: {  	v3 =	vld [tilespmem:$0x100];
	_ =	sdelay $0x4  }
0xc8: {  	v48 =	vshll.u32 v3, $0x1  }
0xc9: {  	v3 =	vand.u32 $0x7, v3;
	v4 =	vand.u32 $0xFFFFFFF0, v48  }
0xca: {  	v3 =	vor.u32 v3, v4  }
0xcb: {  	v4 =	vperm.xlane v3, v0;
	_ =	sdelay $0x1  }
0xcc: {  	v3 =	vperm.xlane v3, v2;
	v4 =	vadd.s32 v1, v4;
	_ =	sdelay $0x1  }
0xcd: {  	v3 =	vadd.s32 v1, v3;
	_ =	sdelay $0x1  }
0xce: {  	s7 =	simm.s32 $0x10C80  }
0xcf: {  	[tilespmem:s7], [sflag:$0x1] =	stream.indirect_vreg.gather [hbm4b:s3+s2], $0x80, v4, vm0, $0xb8;
	[tilespmem:$0x19480] =	vst v63  }
0xd0: {  	s8 =	simm.s32 $0x11480  }
0xd1: {  	[tilespmem:s8], [sflag:$0x1] =	stream.indirect_vreg.gather [hbm4b:s3+s2], $0x80, v3, vm0, $0xb8;
	[tilespmem:$0x19480] =	vst v63  }
0xd2: {  	v3 =	vld [tilespmem:$0x110];
	_ =	sdelay $0x4  }
0xd3: {  	v49 =	vshll.u32 v3, $0x1  }
0xd4: {  	v3 =	vand.u32 $0x7, v3;
	v4 =	vand.u32 $0xFFFFFFF0, v49  }
0xd5: {  	v3 =	vor.u32 v3, v4  }
0xd6: {  	v4 =	vperm.xlane v3, v0;
	_ =	sdelay $0x1  }
0xd7: {  	v3 =	vperm.xlane v3, v2;
	v4 =	vadd.s32 v1, v4;
	_ =	sdelay $0x1  }
0xd8: {  	v3 =	vadd.s32 v1, v3;
	_ =	sdelay $0x1  }
0xd9: {  	s9 =	simm.s32 $0x11C80  }
0xda: {  	[tilespmem:s9], [sflag:$0x1] =	stream.indirect_vreg.gather [hbm4b:s3+s2], $0x80, v4, vm0, $0xb8;
	[tilespmem:$0x19480] =	vst v63  }
0xdb: {  	s10 =	simm.s32 $0x12480  }
0xdc: {  	[tilespmem:s10], [sflag:$0x1] =	stream.indirect_vreg.gather [hbm4b:s3+s2], $0x80, v3, vm0, $0xb8;
	[tilespmem:$0x19480] =	vst v63  }
0xdd: {  	v3 =	vld [tilespmem:$0x120];
	_ =	sdelay $0x4  }
0xde: {  	v50 =	vshll.u32 v3, $0x1  }
0xdf: {  	v3 =	vand.u32 $0x7, v3;
	v4 =	vand.u32 $0xFFFFFFF0, v50  }
0xe0: {  	v3 =	vor.u32 v3, v4  }
0xe1: {  	v4 =	vperm.xlane v3, v0;
	_ =	sdelay $0x1  }
0xe2: {  	v3 =	vperm.xlane v3, v2;
	v4 =	vadd.s32 v1, v4;
	_ =	sdelay $0x1  }
0xe3: {  	v3 =	vadd.s32 v1, v3;
	_ =	sdelay $0x1  }
0xe4: {  	s11 =	simm.s32 $0x12C80  }
0xe5: {  	[tilespmem:s11], [sflag:$0x1] =	stream.indirect_vreg.gather [hbm4b:s3+s2], $0x80, v4, vm0, $0xb8;
	[tilespmem:$0x19480] =	vst v63  }
0xe6: {  	s12 =	simm.s32 $0x13480  }
0xe7: {  	[tilespmem:s12], [sflag:$0x1] =	stream.indirect_vreg.gather [hbm4b:s3+s2], $0x80, v3, vm0, $0xb8;
	[tilespmem:$0x19480] =	vst v63  }
0xe8: {  	v3 =	vld [tilespmem:$0x130];
	_ =	sdelay $0x4  }
0xe9: {  	v51 =	vshll.u32 v3, $0x1  }
0xea: {  	v3 =	vand.u32 $0x7, v3;
	v4 =	vand.u32 $0xFFFFFFF0, v51  }
0xeb: {  	v3 =	vor.u32 v3, v4  }
0xec: {  	v4 =	vperm.xlane v3, v0;
	_ =	sdelay $0x1  }
0xed: {  	v3 =	vperm.xlane v3, v2;
	v4 =	vadd.s32 v1, v4;
	_ =	sdelay $0x1  }
0xee: {  	v3 =	vadd.s32 v1, v3;
	_ =	sdelay $0x1  }
0xef: {  	s13 =	simm.s32 $0x13C80  }
0xf0: {  	[tilespmem:s13], [sflag:$0x1] =	stream.indirect_vreg.gather [hbm4b:s3+s2], $0x80, v4, vm0, $0xb8;
	[tilespmem:$0x19480] =	vst v63  }
0xf1: {  	s14 =	simm.s32 $0x14480  }
0xf2: {  	[tilespmem:s14], [sflag:$0x1] =	stream.indirect_vreg.gather [hbm4b:s3+s2], $0x80, v3, vm0, $0xb8;
	[tilespmem:$0x19480] =	vst v63  }
0xf3: {  	v3 =	vld [tilespmem:$0x140];
	_ =	sdelay $0x4  }
0xf4: {  	v52 =	vshll.u32 v3, $0x1  }
0xf5: {  	v3 =	vand.u32 $0x7, v3;
	v4 =	vand.u32 $0xFFFFFFF0, v52  }
0xf6: {  	v3 =	vor.u32 v3, v4  }
0xf7: {  	v4 =	vperm.xlane v3, v0;
	_ =	sdelay $0x1  }
0xf8: {  	v3 =	vperm.xlane v3, v2;
	v4 =	vadd.s32 v1, v4;
	_ =	sdelay $0x1  }
0xf9: {  	v3 =	vadd.s32 v1, v3;
	_ =	sdelay $0x1  }
0xfa: {  	s0 =	simm.s32 $0x14C80  }
0xfb: {  	[tilespmem:s0], [sflag:$0x1] =	stream.indirect_vreg.gather [hbm4b:s3+s2], $0x80, v4, vm0, $0xb8;
	[tilespmem:$0x19480] =	vst v63  }
0xfc: {  	s10 =	simm.s32 $0x15480  }
0xfd: {  	[tilespmem:s10], [sflag:$0x1] =	stream.indirect_vreg.gather [hbm4b:s3+s2], $0x80, v3, vm0, $0xb8;
	[tilespmem:$0x19480] =	vst v63  }
0xfe: {  	v3 =	vld [tilespmem:$0x150];
	_ =	sdelay $0x4  }
0xff: {  	v53 =	vshll.u32 v3, $0x1  }
0x100: {  	v3 =	vand.u32 $0x7, v3;
	v4 =	vand.u32 $0xFFFFFFF0, v53  }
0x101: {  	v3 =	vor.u32 v3, v4  }
0x102: {  	v4 =	vperm.xlane v3, v0;
	_ =	sdelay $0x1  }
0x103: {  	v3 =	vperm.xlane v3, v2;
	v4 =	vadd.s32 v1, v4;
	_ =	sdelay $0x1  }
0x104: {  	v3 =	vadd.s32 v1, v3;
	_ =	sdelay $0x1  }
0x105: {  	s11 =	simm.s32 $0x15C80  }
0x106: {  	[tilespmem:s11], [sflag:$0x1] =	stream.indirect_vreg.gather [hbm4b:s3+s2], $0x80, v4, vm0, $0xb8;
	[tilespmem:$0x19480] =	vst v63  }
0x107: {  	s12 =	simm.s32 $0x16480  }
0x108: {  	[tilespmem:s12], [sflag:$0x1] =	stream.indirect_vreg.gather [hbm4b:s3+s2], $0x80, v3, vm0, $0xb8;
	[tilespmem:$0x19480] =	vst v63  }
0x109: {  	v3 =	vld [tilespmem:$0x160];
	_ =	sdelay $0x4  }
0x10a: {  	v54 =	vshll.u32 v3, $0x1  }
0x10b: {  	v3 =	vand.u32 $0x7, v3;
	v4 =	vand.u32 $0xFFFFFFF0, v54  }
0x10c: {  	v3 =	vor.u32 v3, v4  }
0x10d: {  	v4 =	vperm.xlane v3, v0;
	_ =	sdelay $0x1  }
0x10e: {  	v3 =	vperm.xlane v3, v2;
	v4 =	vadd.s32 v1, v4;
	_ =	sdelay $0x1  }
0x10f: {  	v3 =	vadd.s32 v1, v3;
	_ =	sdelay $0x1  }
0x110: {  	s13 =	simm.s32 $0x16C80  }
0x111: {  	[tilespmem:s13], [sflag:$0x1] =	stream.indirect_vreg.gather [hbm4b:s3+s2], $0x80, v4, vm0, $0xb8;
	[tilespmem:$0x19480] =	vst v63  }
0x112: {  	s14 =	simm.s32 $0x17480  }
0x113: {  	[tilespmem:s14], [sflag:$0x1] =	stream.indirect_vreg.gather [hbm4b:s3+s2], $0x80, v3, vm0, $0xb8;
	[tilespmem:$0x19480] =	vst v63  }
0x114: {  	v3 =	vld [tilespmem:$0x170];
	_ =	sdelay $0x4  }
0x115: {  	v55 =	vshll.u32 v3, $0x1  }
0x116: {  	v3 =	vand.u32 $0x7, v3;
	v4 =	vand.u32 $0xFFFFFFF0, v55  }
0x117: {  	v3 =	vor.u32 v3, v4  }
0x118: {  	v4 =	vperm.xlane v3, v0;
	_ =	sdelay $0x1  }
0x119: {  	v3 =	vperm.xlane v3, v2;
	v4 =	vadd.s32 v1, v4;
	_ =	sdelay $0x1  }
0x11a: {  	v3 =	vadd.s32 v1, v3;
	_ =	sdelay $0x1  }
0x11b: {  	s0 =	simm.s32 $0x17C80  }
0x11c: {  	[tilespmem:s0], [sflag:$0x1] =	stream.indirect_vreg.gather [hbm4b:s3+s2], $0x80, v4, vm0, $0xb8;
	[tilespmem:$0x19480] =	vst v63  }
0x11d: {  	s13 =	simm.s32 $0x18480  }
0x11e: {  	[tilespmem:s13], [sflag:$0x1] =	stream.indirect_vreg.gather [hbm4b:s3+s2], $0x80, v3, vm0, $0xb8;
	[tilespmem:$0x19480] =	vst v63  }
0x11f: {  	v3 =	vld.msk [tilespmem:$0x180], $0xff;
	_ =	sdelay $0x4  }
0x120: {  	v56 =	vshll.u32 v3, $0x1  }
0x121: {  	v3 =	vand.u32 $0x7, v3;
	v4 =	vand.u32 $0xFFFFFFF0, v56  }
0x122: {  	v3 =	vor.u32 v3, v4  }
0x123: {  	v3 =	vperm.xlane v3, v0;
	_ =	sdelay $0x1  }
0x124: {  	v3 =	vadd.s32 v1, v3;
	_ =	sdelay $0x3  }
0x125: {  	s14 =	simm.s32 $0x18C80  }
0x126: {  	[tilespmem:s14], [sflag:$0x1] =	stream.indirect_vreg.gather [hbm4b:s3+s2], $0x80, v3, vm0, $0xb8;
	[tilespmem:$0x19480] =	vst v63  }
0x127: {  	_ =	swait.ge [sflag:s30], $0x18800  }
0x128: {  	[sflag:s30] =	ssyncset.done $0x0  }
0x129: {  	s0 =	rddreg [dreg:$0x3];
	[sflag:s30] =	ssyncadd.s32 $0xFFFE7800  }
0x12a: {  	[hbm4b:s0+s2] =	stream.linear.scatter [tilespmem:s29], [sflag:$0x2], $0x18800, $0x38;
	[tilespmem:$0x19480] =	vst v63  }
0x12b: {  	_ =	swait.ge [sflag:s5], $0x18800  }
0x12c: {  	[sflag:s5] =	ssyncset.done $0x0  }
0x12d: {  	[sflag:s5] =	ssyncadd.s32 $0xFFFE7800  }
0x12e: {  	v3 =	vld [tilespmem:$0x188];
	_ =	sdelay $0x4  }
0x12f: {  	v57 =	vshll.u32 v3, $0x1  }
0x130: {  	v3 =	vand.u32 $0x7, v3;
	v4 =	vand.u32 $0xFFFFFFF0, v57  }
0x131: {  	v3 =	vor.u32 v3, v4  }
0x132: {  	v4 =	vperm.xlane v3, v0;
	_ =	sdelay $0x1  }
0x133: {  	v3 =	vperm.xlane v3, v2;
	v4 =	vadd.s32 v1, v4;
	_ =	sdelay $0x1  }
0x134: {  	v3 =	vadd.s32 v1, v3;
	_ =	sdelay $0x2  }
0x135: {  	[tilespmem:s29], [sflag:$0x1] =	stream.indirect_vreg.gather [hbm4b:s3+s2], $0x80, v4, vm0, $0xb8;
	[tilespmem:$0x19480] =	vst v63  }
0x136: {  	s15 =	simm.s32 $0x1480  }
0x137: {  	[tilespmem:s15], [sflag:$0x1] =	stream.indirect_vreg.gather [hbm4b:s3+s2], $0x80, v3, vm0, $0xb8;
	[tilespmem:$0x19480] =	vst v63  }
0x138: {  	v3 =	vld [tilespmem:$0x198];
	_ =	sdelay $0x4  }
0x139: {  	v58 =	vshll.u32 v3, $0x1  }
0x13a: {  	v3 =	vand.u32 $0x7, v3;
	v4 =	vand.u32 $0xFFFFFFF0, v58  }
0x13b: {  	v3 =	vor.u32 v3, v4  }
0x13c: {  	v4 =	vperm.xlane v3, v0;
	_ =	sdelay $0x1  }
0x13d: {  	v3 =	vperm.xlane v3, v2;
	v4 =	vadd.s32 v1, v4;
	_ =	sdelay $0x1  }
0x13e: {  	v3 =	vadd.s32 v1, v3;
	_ =	sdelay $0x1  }
0x13f: {  	s15 =	simm.s32 $0x1C80  }
0x140: {  	[tilespmem:s15], [sflag:$0x1] =	stream.indirect_vreg.gather [hbm4b:s3+s2], $0x80, v4, vm0, $0xb8;
	[tilespmem:$0x19480] =	vst v63  }
0x141: {  	s16 =	simm.s32 $0x2480  }
0x142: {  	[tilespmem:s16], [sflag:$0x1] =	stream.indirect_vreg.gather [hbm4b:s3+s2], $0x80, v3, vm0, $0xb8;
	[tilespmem:$0x19480] =	vst v63  }
0x143: {  	v3 =	vld [tilespmem:$0x1A8];
	_ =	sdelay $0x4  }
0x144: {  	v59 =	vshll.u32 v3, $0x1  }
0x145: {  	v3 =	vand.u32 $0x7, v3;
	v4 =	vand.u32 $0xFFFFFFF0, v59  }
0x146: {  	v3 =	vor.u32 v3, v4  }
0x147: {  	v4 =	vperm.xlane v3, v0;
	_ =	sdelay $0x1  }
0x148: {  	v3 =	vperm.xlane v3, v2;
	v4 =	vadd.s32 v1, v4;
	_ =	sdelay $0x1  }
0x149: {  	v3 =	vadd.s32 v1, v3;
	_ =	sdelay $0x1  }
0x14a: {  	s16 =	simm.s32 $0x2C80  }
0x14b: {  	[tilespmem:s16], [sflag:$0x1] =	stream.indirect_vreg.gather [hbm4b:s3+s2], $0x80, v4, vm0, $0xb8;
	[tilespmem:$0x19480] =	vst v63  }
0x14c: {  	s17 =	simm.s32 $0x3480  }
0x14d: {  	[tilespmem:s17], [sflag:$0x1] =	stream.indirect_vreg.gather [hbm4b:s3+s2], $0x80, v3, vm0, $0xb8;
	[tilespmem:$0x19480] =	vst v63  }
0x14e: {  	v3 =	vld [tilespmem:$0x1B8];
	_ =	sdelay $0x4  }
0x14f: {  	v60 =	vshll.u32 v3, $0x1  }
0x150: {  	v3 =	vand.u32 $0x7, v3;
	v4 =	vand.u32 $0xFFFFFFF0, v60  }
0x151: {  	v3 =	vor.u32 v3, v4  }
0x152: {  	v4 =	vperm.xlane v3, v0;
	_ =	sdelay $0x1  }
0x153: {  	v3 =	vperm.xlane v3, v2;
	v4 =	vadd.s32 v1, v4;
	_ =	sdelay $0x1  }
0x154: {  	v3 =	vadd.s32 v1, v3;
	_ =	sdelay $0x1  }
0x155: {  	s17 =	simm.s32 $0x3C80  }
0x156: {  	[tilespmem:s17], [sflag:$0x1] =	stream.indirect_vreg.gather [hbm4b:s3+s2], $0x80, v4, vm0, $0xb8;
	[tilespmem:$0x19480] =	vst v63  }
0x157: {  	s18 =	simm.s32 $0x4480  }
0x158: {  	[tilespmem:s18], [sflag:$0x1] =	stream.indirect_vreg.gather [hbm4b:s3+s2], $0x80, v3, vm0, $0xb8;
	[tilespmem:$0x19480] =	vst v63  }
0x159: {  	v3 =	vld [tilespmem:$0x1C8];
	_ =	sdelay $0x4  }
0x15a: {  	v61 =	vshll.u32 v3, $0x1  }
0x15b: {  	v3 =	vand.u32 $0x7, v3;
	v4 =	vand.u32 $0xFFFFFFF0, v61  }
0x15c: {  	v3 =	vor.u32 v3, v4  }
0x15d: {  	v4 =	vperm.xlane v3, v0;
	_ =	sdelay $0x1  }
0x15e: {  	v3 =	vperm.xlane v3, v2;
	v4 =	vadd.s32 v1, v4;
	_ =	sdelay $0x1  }
0x15f: {  	v3 =	vadd.s32 v1, v3;
	_ =	sdelay $0x1  }
0x160: {  	s18 =	simm.s32 $0x4C80  }
0x161: {  	[tilespmem:s18], [sflag:$0x1] =	stream.indirect_vreg.gather [hbm4b:s3+s2], $0x80, v4, vm0, $0xb8;
	[tilespmem:$0x19480] =	vst v63  }
0x162: {  	s19 =	simm.s32 $0x5480  }
0x163: {  	[tilespmem:s19], [sflag:$0x1] =	stream.indirect_vreg.gather [hbm4b:s3+s2], $0x80, v3, vm0, $0xb8;
	[tilespmem:$0x19480] =	vst v63  }
0x164: {  	v3 =	vld [tilespmem:$0x1D8];
	_ =	sdelay $0x4  }
0x165: {  	v62 =	vshll.u32 v3, $0x1  }
0x166: {  	v3 =	vand.u32 $0x7, v3;
	v4 =	vand.u32 $0xFFFFFFF0, v62  }
0x167: {  	v3 =	vor.u32 v3, v4  }
0x168: {  	v4 =	vperm.xlane v3, v0;
	_ =	sdelay $0x1  }
0x169: {  	v3 =	vperm.xlane v3, v2;
	v4 =	vadd.s32 v1, v4;
	_ =	sdelay $0x1  }
0x16a: {  	v3 =	vadd.s32 v1, v3;
	_ =	sdelay $0x1  }
0x16b: {  	s19 =	simm.s32 $0x5C80  }
0x16c: {  	[tilespmem:s19], [sflag:$0x1] =	stream.indirect_vreg.gather [hbm4b:s3+s2], $0x80, v4, vm0, $0xb8;
	[tilespmem:$0x19480] =	vst v63  }
0x16d: {  	s20 =	simm.s32 $0x6480  }
0x16e: {  	[tilespmem:s20], [sflag:$0x1] =	stream.indirect_vreg.gather [hbm4b:s3+s2], $0x80, v3, vm0, $0xb8;
	[tilespmem:$0x19480] =	vst v63  }
0x16f: {  	v3 =	vld [tilespmem:$0x1E8];
	_ =	sdelay $0x4  }
0x170: {  	v63 =	vshll.u32 v3, $0x1  }
0x171: {  	v3 =	vand.u32 $0x7, v3;
	v4 =	vand.u32 $0xFFFFFFF0, v63  }
0x172: {  	v3 =	vor.u32 v3, v4  }
0x173: {  	v4 =	vperm.xlane v3, v0;
	_ =	sdelay $0x1  }
0x174: {  	v3 =	vperm.xlane v3, v2;
	v4 =	vadd.s32 v1, v4;
	_ =	sdelay $0x1  }
0x175: {  	v3 =	vadd.s32 v1, v3;
	_ =	sdelay $0x1  }
0x176: {  	s20 =	simm.s32 $0x6C80  }
0x177: {  	[tilespmem:s20], [sflag:$0x1] =	stream.indirect_vreg.gather [hbm4b:s3+s2], $0x80, v4, vm0, $0xb8;
	[tilespmem:$0x19480] =	vst v63  }
0x178: {  	s21 =	simm.s32 $0x7480  }
0x179: {  	[tilespmem:s21], [sflag:$0x1] =	stream.indirect_vreg.gather [hbm4b:s3+s2], $0x80, v3, vm0, $0xb8;
	[tilespmem:$0x19480] =	vst v63  }
0x17a: {  	v3 =	vld [tilespmem:$0x1F8];
	_ =	sdelay $0x4  }
0x17b: {  	v8 =	vshll.u32 v3, $0x1  }
0x17c: {  	v3 =	vand.u32 $0x7, v3;
	v4 =	vand.u32 $0xFFFFFFF0, v8  }
0x17d: {  	v3 =	vor.u32 v3, v4  }
0x17e: {  	v4 =	vperm.xlane v3, v0;
	_ =	sdelay $0x1  }
0x17f: {  	v3 =	vperm.xlane v3, v2;
	v4 =	vadd.s32 v1, v4;
	_ =	sdelay $0x1  }
0x180: {  	v3 =	vadd.s32 v1, v3;
	_ =	sdelay $0x1  }
0x181: {  	s21 =	simm.s32 $0x7C80  }
0x182: {  	[tilespmem:s21], [sflag:$0x1] =	stream.indirect_vreg.gather [hbm4b:s3+s2], $0x80, v4, vm0, $0xb8;
	[tilespmem:$0x19480] =	vst v63  }
0x183: {  	s22 =	simm.s32 $0x8480  }
0x184: {  	[tilespmem:s22], [sflag:$0x1] =	stream.indirect_vreg.gather [hbm4b:s3+s2], $0x80, v3, vm0, $0xb8;
	[tilespmem:$0x19480] =	vst v63  }
0x185: {  	v3 =	vld [tilespmem:$0x208];
	_ =	sdelay $0x4  }
0x186: {  	v9 =	vshll.u32 v3, $0x1  }
0x187: {  	v3 =	vand.u32 $0x7, v3;
	v4 =	vand.u32 $0xFFFFFFF0, v9  }
0x188: {  	v3 =	vor.u32 v3, v4  }
0x189: {  	v4 =	vperm.xlane v3, v0;
	_ =	sdelay $0x1  }
0x18a: {  	v3 =	vperm.xlane v3, v2;
	v4 =	vadd.s32 v1, v4;
	_ =	sdelay $0x1  }
0x18b: {  	v3 =	vadd.s32 v1, v3;
	_ =	sdelay $0x1  }
0x18c: {  	s22 =	simm.s32 $0x8C80  }
0x18d: {  	[tilespmem:s22], [sflag:$0x1] =	stream.indirect_vreg.gather [hbm4b:s3+s2], $0x80, v4, vm0, $0xb8;
	[tilespmem:$0x19480] =	vst v63  }
0x18e: {  	s23 =	simm.s32 $0x9480  }
0x18f: {  	[tilespmem:s23], [sflag:$0x1] =	stream.indirect_vreg.gather [hbm4b:s3+s2], $0x80, v3, vm0, $0xb8;
	[tilespmem:$0x19480] =	vst v63  }
0x190: {  	v3 =	vld [tilespmem:$0x218];
	_ =	sdelay $0x4  }
0x191: {  	v10 =	vshll.u32 v3, $0x1  }
0x192: {  	v3 =	vand.u32 $0x7, v3;
	v4 =	vand.u32 $0xFFFFFFF0, v10  }
0x193: {  	v3 =	vor.u32 v3, v4  }
0x194: {  	v4 =	vperm.xlane v3, v0;
	_ =	sdelay $0x1  }
0x195: {  	v3 =	vperm.xlane v3, v2;
	v4 =	vadd.s32 v1, v4;
	_ =	sdelay $0x1  }
0x196: {  	v3 =	vadd.s32 v1, v3;
	_ =	sdelay $0x1  }
0x197: {  	s23 =	simm.s32 $0x9C80  }
0x198: {  	[tilespmem:s23], [sflag:$0x1] =	stream.indirect_vreg.gather [hbm4b:s3+s2], $0x80, v4, vm0, $0xb8;
	[tilespmem:$0x19480] =	vst v63  }
0x199: {  	s0 =	simm.s32 $0xA480  }
0x19a: {  	[tilespmem:s0], [sflag:$0x1] =	stream.indirect_vreg.gather [hbm4b:s3+s2], $0x80, v3, vm0, $0xb8;
	[tilespmem:$0x19480] =	vst v63  }
0x19b: {  	v3 =	vld [tilespmem:$0x228];
	_ =	sdelay $0x4  }
0x19c: {  	v11 =	vshll.u32 v3, $0x1  }
0x19d: {  	v3 =	vand.u32 $0x7, v3;
	v4 =	vand.u32 $0xFFFFFFF0, v11  }
0x19e: {  	v3 =	vor.u32 v3, v4  }
0x19f: {  	v4 =	vperm.xlane v3, v0;
	_ =	sdelay $0x1  }
0x1a0: {  	v3 =	vperm.xlane v3, v2;
	v4 =	vadd.s32 v1, v4;
	_ =	sdelay $0x1  }
0x1a1: {  	v3 =	vadd.s32 v1, v3;
	_ =	sdelay $0x1  }
0x1a2: {  	s6 =	simm.s32 $0xAC80  }
0x1a3: {  	[tilespmem:s6], [sflag:$0x1] =	stream.indirect_vreg.gather [hbm4b:s3+s2], $0x80, v4, vm0, $0xb8;
	[tilespmem:$0x19480] =	vst v63  }
0x1a4: {  	s6 =	simm.s32 $0xB480  }
0x1a5: {  	[tilespmem:s6], [sflag:$0x1] =	stream.indirect_vreg.gather [hbm4b:s3+s2], $0x80, v3, vm0, $0xb8;
	[tilespmem:$0x19480] =	vst v63  }
0x1a6: {  	v3 =	vld [tilespmem:$0x238];
	_ =	sdelay $0x4  }
0x1a7: {  	v12 =	vshll.u32 v3, $0x1  }
0x1a8: {  	v3 =	vand.u32 $0x7, v3;
	v4 =	vand.u32 $0xFFFFFFF0, v12  }
0x1a9: {  	v3 =	vor.u32 v3, v4  }
0x1aa: {  	v4 =	vperm.xlane v3, v0;
	_ =	sdelay $0x1  }
0x1ab: {  	v3 =	vperm.xlane v3, v2;
	v4 =	vadd.s32 v1, v4;
	_ =	sdelay $0x1  }
0x1ac: {  	v3 =	vadd.s32 v1, v3;
	_ =	sdelay $0x1  }
0x1ad: {  	s26 =	simm.s32 $0xBC80  }
0x1ae: {  	[tilespmem:s26], [sflag:$0x1] =	stream.indirect_vreg.gather [hbm4b:s3+s2], $0x80, v4, vm0, $0xb8;
	[tilespmem:$0x19480] =	vst v63  }
0x1af: {  	s26 =	simm.s32 $0xC480  }
0x1b0: {  	[tilespmem:s26], [sflag:$0x1] =	stream.indirect_vreg.gather [hbm4b:s3+s2], $0x80, v3, vm0, $0xb8;
	[tilespmem:$0x19480] =	vst v63  }
0x1b1: {  	v3 =	vld [tilespmem:$0x248];
	_ =	sdelay $0x4  }
0x1b2: {  	v13 =	vshll.u32 v3, $0x1  }
0x1b3: {  	v3 =	vand.u32 $0x7, v3;
	v4 =	vand.u32 $0xFFFFFFF0, v13  }
0x1b4: {  	v3 =	vor.u32 v3, v4  }
0x1b5: {  	v4 =	vperm.xlane v3, v0;
	_ =	sdelay $0x1  }
0x1b6: {  	v3 =	vperm.xlane v3, v2;
	v4 =	vadd.s32 v1, v4;
	_ =	sdelay $0x1  }
0x1b7: {  	v3 =	vadd.s32 v1, v3;
	_ =	sdelay $0x1  }
0x1b8: {  	s31 =	simm.s32 $0xCC80  }
0x1b9: {  	[tilespmem:s31], [sflag:$0x1] =	stream.indirect_vreg.gather [hbm4b:s3+s2], $0x80, v4, vm0, $0xb8;
	[tilespmem:$0x19480] =	vst v63  }
0x1ba: {  	s25 =	simm.s32 $0xD480  }
0x1bb: {  	[tilespmem:s25], [sflag:$0x1] =	stream.indirect_vreg.gather [hbm4b:s3+s2], $0x80, v3, vm0, $0xb8;
	[tilespmem:$0x19480] =	vst v63  }
0x1bc: {  	v3 =	vld [tilespmem:$0x258];
	_ =	sdelay $0x4  }
0x1bd: {  	v14 =	vshll.u32 v3, $0x1  }
0x1be: {  	v3 =	vand.u32 $0x7, v3;
	v4 =	vand.u32 $0xFFFFFFF0, v14  }
0x1bf: {  	v3 =	vor.u32 v3, v4  }
0x1c0: {  	v4 =	vperm.xlane v3, v0;
	_ =	sdelay $0x1  }
0x1c1: {  	v3 =	vperm.xlane v3, v2;
	v4 =	vadd.s32 v1, v4;
	_ =	sdelay $0x1  }
0x1c2: {  	v3 =	vadd.s32 v1, v3;
	_ =	sdelay $0x1  }
0x1c3: {  	s31 =	simm.s32 $0xDC80  }
0x1c4: {  	[tilespmem:s31], [sflag:$0x1] =	stream.indirect_vreg.gather [hbm4b:s3+s2], $0x80, v4, vm0, $0xb8;
	[tilespmem:$0x19480] =	vst v63  }
0x1c5: {  	s28 =	simm.s32 $0xE480  }
0x1c6: {  	[tilespmem:s28], [sflag:$0x1] =	stream.indirect_vreg.gather [hbm4b:s3+s2], $0x80, v3, vm0, $0xb8;
	[tilespmem:$0x19480] =	vst v63  }
0x1c7: {  	v3 =	vld [tilespmem:$0x268];
	_ =	sdelay $0x4  }
0x1c8: {  	v15 =	vshll.u32 v3, $0x1  }
0x1c9: {  	v3 =	vand.u32 $0x7, v3;
	v4 =	vand.u32 $0xFFFFFFF0, v15  }
0x1ca: {  	v3 =	vor.u32 v3, v4  }
0x1cb: {  	v4 =	vperm.xlane v3, v0;
	_ =	sdelay $0x1  }
0x1cc: {  	v3 =	vperm.xlane v3, v2;
	v4 =	vadd.s32 v1, v4;
	_ =	sdelay $0x1  }
0x1cd: {  	v3 =	vadd.s32 v1, v3;
	_ =	sdelay $0x1  }
0x1ce: {  	s31 =	simm.s32 $0xEC80  }
0x1cf: {  	[tilespmem:s31], [sflag:$0x1] =	stream.indirect_vreg.gather [hbm4b:s3+s2], $0x80, v4, vm0, $0xb8;
	[tilespmem:$0x19480] =	vst v63  }
0x1d0: {  	s24 =	simm.s32 $0xF480  }
0x1d1: {  	[tilespmem:s24], [sflag:$0x1] =	stream.indirect_vreg.gather [hbm4b:s3+s2], $0x80, v3, vm0, $0xb8;
	[tilespmem:$0x19480] =	vst v63  }
0x1d2: {  	v3 =	vld [tilespmem:$0x278];
	_ =	sdelay $0x4  }
0x1d3: {  	v16 =	vshll.u32 v3, $0x1  }
0x1d4: {  	v3 =	vand.u32 $0x7, v3;
	v4 =	vand.u32 $0xFFFFFFF0, v16  }
0x1d5: {  	v3 =	vor.u32 v3, v4  }
0x1d6: {  	v4 =	vperm.xlane v3, v0;
	_ =	sdelay $0x1  }
0x1d7: {  	v3 =	vperm.xlane v3, v2;
	v4 =	vadd.s32 v1, v4;
	_ =	sdelay $0x1  }
0x1d8: {  	v3 =	vadd.s32 v1, v3;
	_ =	sdelay $0x1  }
0x1d9: {  	s31 =	simm.s32 $0xFC80  }
0x1da: {  	[tilespmem:s31], [sflag:$0x1] =	stream.indirect_vreg.gather [hbm4b:s3+s2], $0x80, v4, vm0, $0xb8;
	[tilespmem:$0x19480] =	vst v63  }
0x1db: {  	s1 =	simm.s32 $0x10480  }
0x1dc: {  	[tilespmem:s1], [sflag:$0x1] =	stream.indirect_vreg.gather [hbm4b:s3+s2], $0x80, v3, vm0, $0xb8;
	[tilespmem:$0x19480] =	vst v63  }
0x1dd: {  	v3 =	vld [tilespmem:$0x288];
	_ =	sdelay $0x4  }
0x1de: {  	v17 =	vshll.u32 v3, $0x1  }
0x1df: {  	v3 =	vand.u32 $0x7, v3;
	v4 =	vand.u32 $0xFFFFFFF0, v17  }
0x1e0: {  	v3 =	vor.u32 v3, v4  }
0x1e1: {  	v4 =	vperm.xlane v3, v0;
	_ =	sdelay $0x1  }
0x1e2: {  	v3 =	vperm.xlane v3, v2;
	v4 =	vadd.s32 v1, v4;
	_ =	sdelay $0x1  }
0x1e3: {  	v3 =	vadd.s32 v1, v3;
	_ =	sdelay $0x1  }
0x1e4: {  	s31 =	simm.s32 $0x10C80  }
0x1e5: {  	[tilespmem:s31], [sflag:$0x1] =	stream.indirect_vreg.gather [hbm4b:s3+s2], $0x80, v4, vm0, $0xb8;
	[tilespmem:$0x19480] =	vst v63  }
0x1e6: {  	s4 =	simm.s32 $0x11480  }
0x1e7: {  	[tilespmem:s4], [sflag:$0x1] =	stream.indirect_vreg.gather [hbm4b:s3+s2], $0x80, v3, vm0, $0xb8;
	[tilespmem:$0x19480] =	vst v63  }
0x1e8: {  	v3 =	vld [tilespmem:$0x298];
	_ =	sdelay $0x4  }
0x1e9: {  	v18 =	vshll.u32 v3, $0x1  }
0x1ea: {  	v3 =	vand.u32 $0x7, v3;
	v4 =	vand.u32 $0xFFFFFFF0, v18  }
0x1eb: {  	v3 =	vor.u32 v3, v4  }
0x1ec: {  	v4 =	vperm.xlane v3, v0;
	_ =	sdelay $0x1  }
0x1ed: {  	v3 =	vperm.xlane v3, v2;
	v4 =	vadd.s32 v1, v4;
	_ =	sdelay $0x1  }
0x1ee: {  	v3 =	vadd.s32 v1, v3;
	_ =	sdelay $0x1  }
0x1ef: {  	s31 =	simm.s32 $0x11C80  }
0x1f0: {  	[tilespmem:s31], [sflag:$0x1] =	stream.indirect_vreg.gather [hbm4b:s3+s2], $0x80, v4, vm0, $0xb8;
	[tilespmem:$0x19480] =	vst v63  }
0x1f1: {  	s7 =	simm.s32 $0x12480  }
0x1f2: {  	[tilespmem:s7], [sflag:$0x1] =	stream.indirect_vreg.gather [hbm4b:s3+s2], $0x80, v3, vm0, $0xb8;
	[tilespmem:$0x19480] =	vst v63  }
0x1f3: {  	v3 =	vld [tilespmem:$0x2A8];
	_ =	sdelay $0x4  }
0x1f4: {  	v19 =	vshll.u32 v3, $0x1  }
0x1f5: {  	v3 =	vand.u32 $0x7, v3;
	v4 =	vand.u32 $0xFFFFFFF0, v19  }
0x1f6: {  	v3 =	vor.u32 v3, v4  }
0x1f7: {  	v4 =	vperm.xlane v3, v0;
	_ =	sdelay $0x1  }
0x1f8: {  	v3 =	vperm.xlane v3, v2;
	v4 =	vadd.s32 v1, v4;
	_ =	sdelay $0x1  }
0x1f9: {  	v3 =	vadd.s32 v1, v3;
	_ =	sdelay $0x1  }
0x1fa: {  	s31 =	simm.s32 $0x12C80  }
0x1fb: {  	[tilespmem:s31], [sflag:$0x1] =	stream.indirect_vreg.gather [hbm4b:s3+s2], $0x80, v4, vm0, $0xb8;
	[tilespmem:$0x19480] =	vst v63  }
0x1fc: {  	s8 =	simm.s32 $0x13480  }
0x1fd: {  	[tilespmem:s8], [sflag:$0x1] =	stream.indirect_vreg.gather [hbm4b:s3+s2], $0x80, v3, vm0, $0xb8;
	[tilespmem:$0x19480] =	vst v63  }
0x1fe: {  	v3 =	vld [tilespmem:$0x2B8];
	_ =	sdelay $0x4  }
0x1ff: {  	v20 =	vshll.u32 v3, $0x1  }
0x200: {  	v3 =	vand.u32 $0x7, v3;
	v4 =	vand.u32 $0xFFFFFFF0, v20  }
0x201: {  	v3 =	vor.u32 v3, v4  }
0x202: {  	v4 =	vperm.xlane v3, v0;
	_ =	sdelay $0x1  }
0x203: {  	v3 =	vperm.xlane v3, v2;
	v4 =	vadd.s32 v1, v4;
	_ =	sdelay $0x1  }
0x204: {  	v3 =	vadd.s32 v1, v3;
	_ =	sdelay $0x1  }
0x205: {  	s31 =	simm.s32 $0x13C80  }
0x206: {  	[tilespmem:s31], [sflag:$0x1] =	stream.indirect_vreg.gather [hbm4b:s3+s2], $0x80, v4, vm0, $0xb8;
	[tilespmem:$0x19480] =	vst v63  }
0x207: {  	s9 =	simm.s32 $0x14480  }
0x208: {  	[tilespmem:s9], [sflag:$0x1] =	stream.indirect_vreg.gather [hbm4b:s3+s2], $0x80, v3, vm0, $0xb8;
	[tilespmem:$0x19480] =	vst v63  }
0x209: {  	v3 =	vld [tilespmem:$0x2C8];
	_ =	sdelay $0x4  }
0x20a: {  	v21 =	vshll.u32 v3, $0x1  }
0x20b: {  	v3 =	vand.u32 $0x7, v3;
	v4 =	vand.u32 $0xFFFFFFF0, v21  }
0x20c: {  	v3 =	vor.u32 v3, v4  }
0x20d: {  	v4 =	vperm.xlane v3, v0;
	_ =	sdelay $0x1  }
0x20e: {  	v3 =	vperm.xlane v3, v2;
	v4 =	vadd.s32 v1, v4;
	_ =	sdelay $0x1  }
0x20f: {  	v3 =	vadd.s32 v1, v3;
	_ =	sdelay $0x1  }
0x210: {  	s31 =	simm.s32 $0x14C80  }
0x211: {  	[tilespmem:s31], [sflag:$0x1] =	stream.indirect_vreg.gather [hbm4b:s3+s2], $0x80, v4, vm0, $0xb8;
	[tilespmem:$0x19480] =	vst v63  }
0x212: {  	s10 =	simm.s32 $0x15480  }
0x213: {  	[tilespmem:s10], [sflag:$0x1] =	stream.indirect_vreg.gather [hbm4b:s3+s2], $0x80, v3, vm0, $0xb8;
	[tilespmem:$0x19480] =	vst v63  }
0x214: {  	v3 =	vld [tilespmem:$0x2D8];
	_ =	sdelay $0x4  }
0x215: {  	v22 =	vshll.u32 v3, $0x1  }
0x216: {  	v3 =	vand.u32 $0x7, v3;
	v4 =	vand.u32 $0xFFFFFFF0, v22  }
0x217: {  	v3 =	vor.u32 v3, v4  }
0x218: {  	v4 =	vperm.xlane v3, v0;
	_ =	sdelay $0x1  }
0x219: {  	v3 =	vperm.xlane v3, v2;
	v4 =	vadd.s32 v1, v4;
	_ =	sdelay $0x1  }
0x21a: {  	v3 =	vadd.s32 v1, v3;
	_ =	sdelay $0x1  }
0x21b: {  	s31 =	simm.s32 $0x15C80  }
0x21c: {  	[tilespmem:s31], [sflag:$0x1] =	stream.indirect_vreg.gather [hbm4b:s3+s2], $0x80, v4, vm0, $0xb8;
	[tilespmem:$0x19480] =	vst v63  }
0x21d: {  	s11 =	simm.s32 $0x16480  }
0x21e: {  	[tilespmem:s11], [sflag:$0x1] =	stream.indirect_vreg.gather [hbm4b:s3+s2], $0x80, v3, vm0, $0xb8;
	[tilespmem:$0x19480] =	vst v63  }
0x21f: {  	v3 =	vld [tilespmem:$0x2E8];
	_ =	sdelay $0x4  }
0x220: {  	v23 =	vshll.u32 v3, $0x1  }
0x221: {  	v3 =	vand.u32 $0x7, v3;
	v4 =	vand.u32 $0xFFFFFFF0, v23  }
0x222: {  	v3 =	vor.u32 v3, v4  }
0x223: {  	v4 =	vperm.xlane v3, v0;
	_ =	sdelay $0x1  }
0x224: {  	v3 =	vperm.xlane v3, v2;
	v4 =	vadd.s32 v1, v4;
	_ =	sdelay $0x1  }
0x225: {  	v3 =	vadd.s32 v1, v3;
	_ =	sdelay $0x1  }
0x226: {  	s31 =	simm.s32 $0x16C80  }
0x227: {  	[tilespmem:s31], [sflag:$0x1] =	stream.indirect_vreg.gather [hbm4b:s3+s2], $0x80, v4, vm0, $0xb8;
	[tilespmem:$0x19480] =	vst v63  }
0x228: {  	s12 =	simm.s32 $0x17480  }
0x229: {  	[tilespmem:s12], [sflag:$0x1] =	stream.indirect_vreg.gather [hbm4b:s3+s2], $0x80, v3, vm0, $0xb8;
	[tilespmem:$0x19480] =	vst v63  }
0x22a: {  	v3 =	vld [tilespmem:$0x2F8];
	_ =	sdelay $0x4  }
0x22b: {  	v24 =	vshll.u32 v3, $0x1  }
0x22c: {  	v3 =	vand.u32 $0x7, v3;
	v4 =	vand.u32 $0xFFFFFFF0, v24  }
0x22d: {  	v3 =	vor.u32 v3, v4  }
0x22e: {  	v4 =	vperm.xlane v3, v0;
	_ =	sdelay $0x1  }
0x22f: {  	v3 =	vperm.xlane v3, v2;
	v4 =	vadd.s32 v1, v4;
	_ =	sdelay $0x1  }
0x230: {  	v3 =	vadd.s32 v1, v3;
	_ =	sdelay $0x1  }
0x231: {  	s31 =	simm.s32 $0x17C80  }
0x232: {  	[tilespmem:s31], [sflag:$0x1] =	stream.indirect_vreg.gather [hbm4b:s3+s2], $0x80, v4, vm0, $0xb8;
	[tilespmem:$0x19480] =	vst v63  }
0x233: {  	s13 =	simm.s32 $0x18480  }
0x234: {  	[tilespmem:s13], [sflag:$0x1] =	stream.indirect_vreg.gather [hbm4b:s3+s2], $0x80, v3, vm0, $0xb8;
	[tilespmem:$0x19480] =	vst v63  }
0x235: {  	v3 =	vld.msk [tilespmem:$0x308], $0xff;
	_ =	sdelay $0x4  }
0x236: {  	v25 =	vshll.u32 v3, $0x1  }
0x237: {  	v3 =	vand.u32 $0x7, v3;
	v4 =	vand.u32 $0xFFFFFFF0, v25  }
0x238: {  	v3 =	vor.u32 v3, v4  }
0x239: {  	v3 =	vperm.xlane v3, v0;
	_ =	sdelay $0x1  }
0x23a: {  	v3 =	vadd.s32 v1, v3;
	_ =	sdelay $0x3  }
0x23b: {  	s14 =	simm.s32 $0x18C80  }
0x23c: {  	[tilespmem:s14], [sflag:$0x1] =	stream.indirect_vreg.gather [hbm4b:s3+s2], $0x80, v3, vm0, $0xb8;
	[tilespmem:$0x19480] =	vst v63  }
0x23d: {  	_ =	swait.ge [sflag:s30], $0x18800  }
0x23e: {  	[sflag:s30] =	ssyncset.done $0x0  }
0x23f: {  	s31 =	rddreg [dreg:$0x4];
	[sflag:s30] =	ssyncadd.s32 $0xFFFE7800  }
0x240: {  	[hbm4b:s31+s2] =	stream.linear.scatter [tilespmem:s29], [sflag:$0x2], $0x18800, $0x38;
	[tilespmem:$0x19480] =	vst v63  }
0x241: {  	_ =	swait.ge [sflag:s5], $0x18800  }
0x242: {  	[sflag:s5] =	ssyncset.done $0x0  }
0x243: {  	[sflag:s5] =	ssyncadd.s32 $0xFFFE7800  }
0x244: {  	v3 =	vld [tilespmem:$0x310];
	_ =	sdelay $0x4  }
0x245: {  	v26 =	vshll.u32 v3, $0x1  }
0x246: {  	v3 =	vand.u32 $0x7, v3;
	v4 =	vand.u32 $0xFFFFFFF0, v26  }
0x247: {  	v3 =	vor.u32 v3, v4  }
0x248: {  	v4 =	vperm.xlane v3, v0;
	_ =	sdelay $0x1  }
0x249: {  	v3 =	vperm.xlane v3, v2;
	v4 =	vadd.s32 v1, v4;
	_ =	sdelay $0x1  }
0x24a: {  	v3 =	vadd.s32 v1, v3;
	_ =	sdelay $0x2  }
0x24b: {  	[tilespmem:s29], [sflag:$0x1] =	stream.indirect_vreg.gather [hbm4b:s3+s2], $0x80, v4, vm0, $0xb8;
	[tilespmem:$0x19480] =	vst v63  }
0x24c: {  	s31 =	simm.s32 $0x1480  }
0x24d: {  	[tilespmem:s31], [sflag:$0x1] =	stream.indirect_vreg.gather [hbm4b:s3+s2], $0x80, v3, vm0, $0xb8;
	[tilespmem:$0x19480] =	vst v63  }
0x24e: {  	v3 =	vld [tilespmem:$0x320];
	_ =	sdelay $0x4  }
0x24f: {  	v27 =	vshll.u32 v3, $0x1  }
0x250: {  	v3 =	vand.u32 $0x7, v3;
	v4 =	vand.u32 $0xFFFFFFF0, v27  }
0x251: {  	v3 =	vor.u32 v3, v4  }
0x252: {  	v4 =	vperm.xlane v3, v0;
	_ =	sdelay $0x1  }
0x253: {  	v3 =	vperm.xlane v3, v2;
	v4 =	vadd.s32 v1, v4;
	_ =	sdelay $0x1  }
0x254: {  	v3 =	vadd.s32 v1, v3;
	_ =	sdelay $0x2  }
0x255: {  	[tilespmem:s15], [sflag:$0x1] =	stream.indirect_vreg.gather [hbm4b:s3+s2], $0x80, v4, vm0, $0xb8;
	[tilespmem:$0x19480] =	vst v63  }
0x256: {  	s31 =	simm.s32 $0x2480  }
0x257: {  	[tilespmem:s31], [sflag:$0x1] =	stream.indirect_vreg.gather [hbm4b:s3+s2], $0x80, v3, vm0, $0xb8;
	[tilespmem:$0x19480] =	vst v63  }
0x258: {  	v3 =	vld [tilespmem:$0x330];
	_ =	sdelay $0x4  }
0x259: {  	v28 =	vshll.u32 v3, $0x1  }
0x25a: {  	v3 =	vand.u32 $0x7, v3;
	v4 =	vand.u32 $0xFFFFFFF0, v28  }
0x25b: {  	v3 =	vor.u32 v3, v4  }
0x25c: {  	v4 =	vperm.xlane v3, v0;
	_ =	sdelay $0x1  }
0x25d: {  	v3 =	vperm.xlane v3, v2;
	v4 =	vadd.s32 v1, v4;
	_ =	sdelay $0x1  }
0x25e: {  	v3 =	vadd.s32 v1, v3;
	_ =	sdelay $0x2  }
0x25f: {  	[tilespmem:s16], [sflag:$0x1] =	stream.indirect_vreg.gather [hbm4b:s3+s2], $0x80, v4, vm0, $0xb8;
	[tilespmem:$0x19480] =	vst v63  }
0x260: {  	s31 =	simm.s32 $0x3480  }
0x261: {  	[tilespmem:s31], [sflag:$0x1] =	stream.indirect_vreg.gather [hbm4b:s3+s2], $0x80, v3, vm0, $0xb8;
	[tilespmem:$0x19480] =	vst v63  }
0x262: {  	v3 =	vld [tilespmem:$0x340];
	_ =	sdelay $0x4  }
0x263: {  	v29 =	vshll.u32 v3, $0x1  }
0x264: {  	v3 =	vand.u32 $0x7, v3;
	v4 =	vand.u32 $0xFFFFFFF0, v29  }
0x265: {  	v3 =	vor.u32 v3, v4  }
0x266: {  	v4 =	vperm.xlane v3, v0;
	_ =	sdelay $0x1  }
0x267: {  	v3 =	vperm.xlane v3, v2;
	v4 =	vadd.s32 v1, v4;
	_ =	sdelay $0x1  }
0x268: {  	v3 =	vadd.s32 v1, v3;
	_ =	sdelay $0x2  }
0x269: {  	[tilespmem:s17], [sflag:$0x1] =	stream.indirect_vreg.gather [hbm4b:s3+s2], $0x80, v4, vm0, $0xb8;
	[tilespmem:$0x19480] =	vst v63  }
0x26a: {  	s31 =	simm.s32 $0x4480  }
0x26b: {  	[tilespmem:s31], [sflag:$0x1] =	stream.indirect_vreg.gather [hbm4b:s3+s2], $0x80, v3, vm0, $0xb8;
	[tilespmem:$0x19480] =	vst v63  }
0x26c: {  	v3 =	vld [tilespmem:$0x350];
	_ =	sdelay $0x4  }
0x26d: {  	v30 =	vshll.u32 v3, $0x1  }
0x26e: {  	v3 =	vand.u32 $0x7, v3;
	v4 =	vand.u32 $0xFFFFFFF0, v30  }
0x26f: {  	v3 =	vor.u32 v3, v4  }
0x270: {  	v4 =	vperm.xlane v3, v0;
	_ =	sdelay $0x1  }
0x271: {  	v3 =	vperm.xlane v3, v2;
	v4 =	vadd.s32 v1, v4;
	_ =	sdelay $0x1  }
0x272: {  	v3 =	vadd.s32 v1, v3;
	_ =	sdelay $0x2  }
0x273: {  	[tilespmem:s18], [sflag:$0x1] =	stream.indirect_vreg.gather [hbm4b:s3+s2], $0x80, v4, vm0, $0xb8;
	[tilespmem:$0x19480] =	vst v63  }
0x274: {  	s31 =	simm.s32 $0x5480  }
0x275: {  	[tilespmem:s31], [sflag:$0x1] =	stream.indirect_vreg.gather [hbm4b:s3+s2], $0x80, v3, vm0, $0xb8;
	[tilespmem:$0x19480] =	vst v63  }
0x276: {  	v3 =	vld [tilespmem:$0x360];
	_ =	sdelay $0x4  }
0x277: {  	v31 =	vshll.u32 v3, $0x1  }
0x278: {  	v3 =	vand.u32 $0x7, v3;
	v4 =	vand.u32 $0xFFFFFFF0, v31  }
0x279: {  	v3 =	vor.u32 v3, v4  }
0x27a: {  	v4 =	vperm.xlane v3, v0;
	_ =	sdelay $0x1  }
0x27b: {  	v3 =	vperm.xlane v3, v2;
	v4 =	vadd.s32 v1, v4;
	_ =	sdelay $0x1  }
0x27c: {  	v3 =	vadd.s32 v1, v3;
	_ =	sdelay $0x2  }
0x27d: {  	[tilespmem:s19], [sflag:$0x1] =	stream.indirect_vreg.gather [hbm4b:s3+s2], $0x80, v4, vm0, $0xb8;
	[tilespmem:$0x19480] =	vst v63  }
0x27e: {  	s31 =	simm.s32 $0x6480  }
0x27f: {  	[tilespmem:s31], [sflag:$0x1] =	stream.indirect_vreg.gather [hbm4b:s3+s2], $0x80, v3, vm0, $0xb8;
	[tilespmem:$0x19480] =	vst v63  }
0x280: {  	v3 =	vld [tilespmem:$0x370];
	_ =	sdelay $0x4  }
0x281: {  	v32 =	vshll.u32 v3, $0x1  }
0x282: {  	v3 =	vand.u32 $0x7, v3;
	v4 =	vand.u32 $0xFFFFFFF0, v32  }
0x283: {  	v3 =	vor.u32 v3, v4  }
0x284: {  	v4 =	vperm.xlane v3, v0;
	_ =	sdelay $0x1  }
0x285: {  	v3 =	vperm.xlane v3, v2;
	v4 =	vadd.s32 v1, v4;
	_ =	sdelay $0x1  }
0x286: {  	v3 =	vadd.s32 v1, v3;
	_ =	sdelay $0x2  }
0x287: {  	[tilespmem:s20], [sflag:$0x1] =	stream.indirect_vreg.gather [hbm4b:s3+s2], $0x80, v4, vm0, $0xb8;
	[tilespmem:$0x19480] =	vst v63  }
0x288: {  	s31 =	simm.s32 $0x7480  }
0x289: {  	[tilespmem:s31], [sflag:$0x1] =	stream.indirect_vreg.gather [hbm4b:s3+s2], $0x80, v3, vm0, $0xb8;
	[tilespmem:$0x19480] =	vst v63  }
0x28a: {  	v3 =	vld [tilespmem:$0x380];
	_ =	sdelay $0x4  }
0x28b: {  	v33 =	vshll.u32 v3, $0x1  }
0x28c: {  	v3 =	vand.u32 $0x7, v3;
	v4 =	vand.u32 $0xFFFFFFF0, v33  }
0x28d: {  	v3 =	vor.u32 v3, v4  }
0x28e: {  	v4 =	vperm.xlane v3, v0;
	_ =	sdelay $0x1  }
0x28f: {  	v3 =	vperm.xlane v3, v2;
	v4 =	vadd.s32 v1, v4;
	_ =	sdelay $0x1  }
0x290: {  	v3 =	vadd.s32 v1, v3;
	_ =	sdelay $0x2  }
0x291: {  	[tilespmem:s21], [sflag:$0x1] =	stream.indirect_vreg.gather [hbm4b:s3+s2], $0x80, v4, vm0, $0xb8;
	[tilespmem:$0x19480] =	vst v63  }
0x292: {  	s31 =	simm.s32 $0x8480  }
0x293: {  	[tilespmem:s31], [sflag:$0x1] =	stream.indirect_vreg.gather [hbm4b:s3+s2], $0x80, v3, vm0, $0xb8;
	[tilespmem:$0x19480] =	vst v63  }
0x294: {  	v3 =	vld [tilespmem:$0x390];
	_ =	sdelay $0x4  }
0x295: {  	v34 =	vshll.u32 v3, $0x1  }
0x296: {  	v3 =	vand.u32 $0x7, v3;
	v4 =	vand.u32 $0xFFFFFFF0, v34  }
0x297: {  	v3 =	vor.u32 v3, v4  }
0x298: {  	v4 =	vperm.xlane v3, v0;
	_ =	sdelay $0x1  }
0x299: {  	v3 =	vperm.xlane v3, v2;
	v4 =	vadd.s32 v1, v4;
	_ =	sdelay $0x1  }
0x29a: {  	v3 =	vadd.s32 v1, v3;
	_ =	sdelay $0x2  }
0x29b: {  	[tilespmem:s22], [sflag:$0x1] =	stream.indirect_vreg.gather [hbm4b:s3+s2], $0x80, v4, vm0, $0xb8;
	[tilespmem:$0x19480] =	vst v63  }
0x29c: {  	s31 =	simm.s32 $0x9480  }
0x29d: {  	[tilespmem:s31], [sflag:$0x1] =	stream.indirect_vreg.gather [hbm4b:s3+s2], $0x80, v3, vm0, $0xb8;
	[tilespmem:$0x19480] =	vst v63  }
0x29e: {  	v3 =	vld [tilespmem:$0x3A0];
	_ =	sdelay $0x4  }
0x29f: {  	v35 =	vshll.u32 v3, $0x1  }
0x2a0: {  	v3 =	vand.u32 $0x7, v3;
	v4 =	vand.u32 $0xFFFFFFF0, v35  }
0x2a1: {  	v3 =	vor.u32 v3, v4  }
0x2a2: {  	v4 =	vperm.xlane v3, v0;
	_ =	sdelay $0x1  }
0x2a3: {  	v3 =	vperm.xlane v3, v2;
	v4 =	vadd.s32 v1, v4;
	_ =	sdelay $0x1  }
0x2a4: {  	v3 =	vadd.s32 v1, v3;
	_ =	sdelay $0x2  }
0x2a5: {  	[tilespmem:s23], [sflag:$0x1] =	stream.indirect_vreg.gather [hbm4b:s3+s2], $0x80, v4, vm0, $0xb8;
	[tilespmem:$0x19480] =	vst v63  }
0x2a6: {  	_ = 	snop  }
0x2a7: {  	[tilespmem:s0], [sflag:$0x1] =	stream.indirect_vreg.gather [hbm4b:s3+s2], $0x80, v3, vm0, $0xb8;
	[tilespmem:$0x19480] =	vst v63  }
0x2a8: {  	v3 =	vld [tilespmem:$0x3B0];
	_ =	sdelay $0x4  }
0x2a9: {  	v36 =	vshll.u32 v3, $0x1  }
0x2aa: {  	v3 =	vand.u32 $0x7, v3;
	v4 =	vand.u32 $0xFFFFFFF0, v36  }
0x2ab: {  	v3 =	vor.u32 v3, v4  }
0x2ac: {  	v4 =	vperm.xlane v3, v0;
	_ =	sdelay $0x1  }
0x2ad: {  	v3 =	vperm.xlane v3, v2;
	v4 =	vadd.s32 v1, v4;
	_ =	sdelay $0x1  }
0x2ae: {  	v3 =	vadd.s32 v1, v3;
	_ =	sdelay $0x1  }
0x2af: {  	s31 =	simm.s32 $0xAC80  }
0x2b0: {  	[tilespmem:s31], [sflag:$0x1] =	stream.indirect_vreg.gather [hbm4b:s3+s2], $0x80, v4, vm0, $0xb8;
	[tilespmem:$0x19480] =	vst v63  }
0x2b1: {  	_ = 	snop  }
0x2b2: {  	[tilespmem:s6], [sflag:$0x1] =	stream.indirect_vreg.gather [hbm4b:s3+s2], $0x80, v3, vm0, $0xb8;
	[tilespmem:$0x19480] =	vst v63  }
0x2b3: {  	v3 =	vld [tilespmem:$0x3C0];
	_ =	sdelay $0x4  }
0x2b4: {  	v37 =	vshll.u32 v3, $0x1  }
0x2b5: {  	v3 =	vand.u32 $0x7, v3;
	v4 =	vand.u32 $0xFFFFFFF0, v37  }
0x2b6: {  	v3 =	vor.u32 v3, v4  }
0x2b7: {  	v4 =	vperm.xlane v3, v0;
	_ =	sdelay $0x1  }
0x2b8: {  	v3 =	vperm.xlane v3, v2;
	v4 =	vadd.s32 v1, v4;
	_ =	sdelay $0x1  }
0x2b9: {  	v3 =	vadd.s32 v1, v3;
	_ =	sdelay $0x1  }
0x2ba: {  	s31 =	simm.s32 $0xBC80  }
0x2bb: {  	[tilespmem:s31], [sflag:$0x1] =	stream.indirect_vreg.gather [hbm4b:s3+s2], $0x80, v4, vm0, $0xb8;
	[tilespmem:$0x19480] =	vst v63  }
0x2bc: {  	_ = 	snop  }
0x2bd: {  	[tilespmem:s26], [sflag:$0x1] =	stream.indirect_vreg.gather [hbm4b:s3+s2], $0x80, v3, vm0, $0xb8;
	[tilespmem:$0x19480] =	vst v63  }
0x2be: {  	v3 =	vld [tilespmem:$0x3D0];
	_ =	sdelay $0x4  }
0x2bf: {  	v38 =	vshll.u32 v3, $0x1  }
0x2c0: {  	v3 =	vand.u32 $0x7, v3;
	v4 =	vand.u32 $0xFFFFFFF0, v38  }
0x2c1: {  	v3 =	vor.u32 v3, v4  }
0x2c2: {  	v4 =	vperm.xlane v3, v0;
	_ =	sdelay $0x1  }
0x2c3: {  	v3 =	vperm.xlane v3, v2;
	v4 =	vadd.s32 v1, v4;
	_ =	sdelay $0x1  }
0x2c4: {  	v3 =	vadd.s32 v1, v3;
	_ =	sdelay $0x1  }
0x2c5: {  	s31 =	simm.s32 $0xCC80  }
0x2c6: {  	[tilespmem:s31], [sflag:$0x1] =	stream.indirect_vreg.gather [hbm4b:s3+s2], $0x80, v4, vm0, $0xb8;
	[tilespmem:$0x19480] =	vst v63  }
0x2c7: {  	s31 =	simm.s32 $0xD480  }
0x2c8: {  	[tilespmem:s31], [sflag:$0x1] =	stream.indirect_vreg.gather [hbm4b:s3+s2], $0x80, v3, vm0, $0xb8;
	[tilespmem:$0x19480] =	vst v63  }
0x2c9: {  	v3 =	vld [tilespmem:$0x3E0];
	_ =	sdelay $0x4  }
0x2ca: {  	v39 =	vshll.u32 v3, $0x1  }
0x2cb: {  	v3 =	vand.u32 $0x7, v3;
	v4 =	vand.u32 $0xFFFFFFF0, v39  }
0x2cc: {  	v3 =	vor.u32 v3, v4  }
0x2cd: {  	v4 =	vperm.xlane v3, v0;
	_ =	sdelay $0x1  }
0x2ce: {  	v3 =	vperm.xlane v3, v2;
	v4 =	vadd.s32 v1, v4;
	_ =	sdelay $0x1  }
0x2cf: {  	v3 =	vadd.s32 v1, v3;
	_ =	sdelay $0x1  }
0x2d0: {  	s25 =	simm.s32 $0xDC80  }
0x2d1: {  	[tilespmem:s25], [sflag:$0x1] =	stream.indirect_vreg.gather [hbm4b:s3+s2], $0x80, v4, vm0, $0xb8;
	[tilespmem:$0x19480] =	vst v63  }
0x2d2: {  	s31 =	simm.s32 $0xE480  }
0x2d3: {  	[tilespmem:s31], [sflag:$0x1] =	stream.indirect_vreg.gather [hbm4b:s3+s2], $0x80, v3, vm0, $0xb8;
	[tilespmem:$0x19480] =	vst v63  }
0x2d4: {  	v3 =	vld [tilespmem:$0x3F0];
	_ =	sdelay $0x4  }
0x2d5: {  	v40 =	vshll.u32 v3, $0x1  }
0x2d6: {  	v3 =	vand.u32 $0x7, v3;
	v4 =	vand.u32 $0xFFFFFFF0, v40  }
0x2d7: {  	v3 =	vor.u32 v3, v4  }
0x2d8: {  	v4 =	vperm.xlane v3, v0;
	_ =	sdelay $0x1  }
0x2d9: {  	v3 =	vperm.xlane v3, v2;
	v4 =	vadd.s32 v1, v4;
	_ =	sdelay $0x1  }
0x2da: {  	v3 =	vadd.s32 v1, v3;
	_ =	sdelay $0x1  }
0x2db: {  	s28 =	simm.s32 $0xEC80  }
0x2dc: {  	[tilespmem:s28], [sflag:$0x1] =	stream.indirect_vreg.gather [hbm4b:s3+s2], $0x80, v4, vm0, $0xb8;
	[tilespmem:$0x19480] =	vst v63  }
0x2dd: {  	s31 =	simm.s32 $0xF480  }
0x2de: {  	[tilespmem:s31], [sflag:$0x1] =	stream.indirect_vreg.gather [hbm4b:s3+s2], $0x80, v3, vm0, $0xb8;
	[tilespmem:$0x19480] =	vst v63  }
0x2df: {  	v3 =	vld [tilespmem:$0x400];
	_ =	sdelay $0x4  }
0x2e0: {  	v41 =	vshll.u32 v3, $0x1  }
0x2e1: {  	v3 =	vand.u32 $0x7, v3;
	v4 =	vand.u32 $0xFFFFFFF0, v41  }
0x2e2: {  	v3 =	vor.u32 v3, v4  }
0x2e3: {  	v4 =	vperm.xlane v3, v0;
	_ =	sdelay $0x1  }
0x2e4: {  	v3 =	vperm.xlane v3, v2;
	v4 =	vadd.s32 v1, v4;
	_ =	sdelay $0x1  }
0x2e5: {  	v3 =	vadd.s32 v1, v3;
	_ =	sdelay $0x1  }
0x2e6: {  	s24 =	simm.s32 $0xFC80  }
0x2e7: {  	[tilespmem:s24], [sflag:$0x1] =	stream.indirect_vreg.gather [hbm4b:s3+s2], $0x80, v4, vm0, $0xb8;
	[tilespmem:$0x19480] =	vst v63  }
0x2e8: {  	s31 =	simm.s32 $0x10480  }
0x2e9: {  	[tilespmem:s31], [sflag:$0x1] =	stream.indirect_vreg.gather [hbm4b:s3+s2], $0x80, v3, vm0, $0xb8;
	[tilespmem:$0x19480] =	vst v63  }
0x2ea: {  	v3 =	vld [tilespmem:$0x410];
	_ =	sdelay $0x4  }
0x2eb: {  	v42 =	vshll.u32 v3, $0x1  }
0x2ec: {  	v3 =	vand.u32 $0x7, v3;
	v4 =	vand.u32 $0xFFFFFFF0, v42  }
0x2ed: {  	v3 =	vor.u32 v3, v4  }
0x2ee: {  	v4 =	vperm.xlane v3, v0;
	_ =	sdelay $0x1  }
0x2ef: {  	v3 =	vperm.xlane v3, v2;
	v4 =	vadd.s32 v1, v4;
	_ =	sdelay $0x1  }
0x2f0: {  	v3 =	vadd.s32 v1, v3;
	_ =	sdelay $0x1  }
0x2f1: {  	s1 =	simm.s32 $0x10C80  }
0x2f2: {  	[tilespmem:s1], [sflag:$0x1] =	stream.indirect_vreg.gather [hbm4b:s3+s2], $0x80, v4, vm0, $0xb8;
	[tilespmem:$0x19480] =	vst v63  }
0x2f3: {  	s31 =	simm.s32 $0x11480  }
0x2f4: {  	[tilespmem:s31], [sflag:$0x1] =	stream.indirect_vreg.gather [hbm4b:s3+s2], $0x80, v3, vm0, $0xb8;
	[tilespmem:$0x19480] =	vst v63  }
0x2f5: {  	v3 =	vld [tilespmem:$0x420];
	_ =	sdelay $0x4  }
0x2f6: {  	v43 =	vshll.u32 v3, $0x1  }
0x2f7: {  	v3 =	vand.u32 $0x7, v3;
	v4 =	vand.u32 $0xFFFFFFF0, v43  }
0x2f8: {  	v3 =	vor.u32 v3, v4  }
0x2f9: {  	v4 =	vperm.xlane v3, v0;
	_ =	sdelay $0x1  }
0x2fa: {  	v3 =	vperm.xlane v3, v2;
	v4 =	vadd.s32 v1, v4;
	_ =	sdelay $0x1  }
0x2fb: {  	v3 =	vadd.s32 v1, v3;
	_ =	sdelay $0x1  }
0x2fc: {  	s4 =	simm.s32 $0x11C80  }
0x2fd: {  	[tilespmem:s4], [sflag:$0x1] =	stream.indirect_vreg.gather [hbm4b:s3+s2], $0x80, v4, vm0, $0xb8;
	[tilespmem:$0x19480] =	vst v63  }
0x2fe: {  	s31 =	simm.s32 $0x12480  }
0x2ff: {  	[tilespmem:s31], [sflag:$0x1] =	stream.indirect_vreg.gather [hbm4b:s3+s2], $0x80, v3, vm0, $0xb8;
	[tilespmem:$0x19480] =	vst v63  }
0x300: {  	v3 =	vld [tilespmem:$0x430];
	_ =	sdelay $0x4  }
0x301: {  	v44 =	vshll.u32 v3, $0x1  }
0x302: {  	v3 =	vand.u32 $0x7, v3;
	v4 =	vand.u32 $0xFFFFFFF0, v44  }
0x303: {  	v3 =	vor.u32 v3, v4  }
0x304: {  	v4 =	vperm.xlane v3, v0;
	_ =	sdelay $0x1  }
0x305: {  	v3 =	vperm.xlane v3, v2;
	v4 =	vadd.s32 v1, v4;
	_ =	sdelay $0x1  }
0x306: {  	v3 =	vadd.s32 v1, v3;
	_ =	sdelay $0x1  }
0x307: {  	s7 =	simm.s32 $0x12C80  }
0x308: {  	[tilespmem:s7], [sflag:$0x1] =	stream.indirect_vreg.gather [hbm4b:s3+s2], $0x80, v4, vm0, $0xb8;
	[tilespmem:$0x19480] =	vst v63  }
0x309: {  	s31 =	simm.s32 $0x13480  }
0x30a: {  	[tilespmem:s31], [sflag:$0x1] =	stream.indirect_vreg.gather [hbm4b:s3+s2], $0x80, v3, vm0, $0xb8;
	[tilespmem:$0x19480] =	vst v63  }
0x30b: {  	v3 =	vld [tilespmem:$0x440];
	_ =	sdelay $0x4  }
0x30c: {  	v45 =	vshll.u32 v3, $0x1  }
0x30d: {  	v3 =	vand.u32 $0x7, v3;
	v4 =	vand.u32 $0xFFFFFFF0, v45  }
0x30e: {  	v3 =	vor.u32 v3, v4  }
0x30f: {  	v4 =	vperm.xlane v3, v0;
	_ =	sdelay $0x1  }
0x310: {  	v3 =	vperm.xlane v3, v2;
	v4 =	vadd.s32 v1, v4;
	_ =	sdelay $0x1  }
0x311: {  	v3 =	vadd.s32 v1, v3;
	_ =	sdelay $0x1  }
0x312: {  	s8 =	simm.s32 $0x13C80  }
0x313: {  	[tilespmem:s8], [sflag:$0x1] =	stream.indirect_vreg.gather [hbm4b:s3+s2], $0x80, v4, vm0, $0xb8;
	[tilespmem:$0x19480] =	vst v63  }
0x314: {  	s31 =	simm.s32 $0x14480  }
0x315: {  	[tilespmem:s31], [sflag:$0x1] =	stream.indirect_vreg.gather [hbm4b:s3+s2], $0x80, v3, vm0, $0xb8;
	[tilespmem:$0x19480] =	vst v63  }
0x316: {  	v3 =	vld [tilespmem:$0x450];
	_ =	sdelay $0x4  }
0x317: {  	v46 =	vshll.u32 v3, $0x1  }
0x318: {  	v3 =	vand.u32 $0x7, v3;
	v4 =	vand.u32 $0xFFFFFFF0, v46  }
0x319: {  	v3 =	vor.u32 v3, v4  }
0x31a: {  	v4 =	vperm.xlane v3, v0;
	_ =	sdelay $0x1  }
0x31b: {  	v3 =	vperm.xlane v3, v2;
	v4 =	vadd.s32 v1, v4;
	_ =	sdelay $0x1  }
0x31c: {  	v3 =	vadd.s32 v1, v3;
	_ =	sdelay $0x1  }
0x31d: {  	s9 =	simm.s32 $0x14C80  }
0x31e: {  	[tilespmem:s9], [sflag:$0x1] =	stream.indirect_vreg.gather [hbm4b:s3+s2], $0x80, v4, vm0, $0xb8;
	[tilespmem:$0x19480] =	vst v63  }
0x31f: {  	s31 =	simm.s32 $0x15480  }
0x320: {  	[tilespmem:s31], [sflag:$0x1] =	stream.indirect_vreg.gather [hbm4b:s3+s2], $0x80, v3, vm0, $0xb8;
	[tilespmem:$0x19480] =	vst v63  }
0x321: {  	v3 =	vld [tilespmem:$0x460];
	_ =	sdelay $0x4  }
0x322: {  	v47 =	vshll.u32 v3, $0x1  }
0x323: {  	v3 =	vand.u32 $0x7, v3;
	v4 =	vand.u32 $0xFFFFFFF0, v47  }
0x324: {  	v3 =	vor.u32 v3, v4  }
0x325: {  	v4 =	vperm.xlane v3, v0;
	_ =	sdelay $0x1  }
0x326: {  	v3 =	vperm.xlane v3, v2;
	v4 =	vadd.s32 v1, v4;
	_ =	sdelay $0x1  }
0x327: {  	v3 =	vadd.s32 v1, v3;
	_ =	sdelay $0x1  }
0x328: {  	s10 =	simm.s32 $0x15C80  }
0x329: {  	[tilespmem:s10], [sflag:$0x1] =	stream.indirect_vreg.gather [hbm4b:s3+s2], $0x80, v4, vm0, $0xb8;
	[tilespmem:$0x19480] =	vst v63  }
0x32a: {  	s31 =	simm.s32 $0x16480  }
0x32b: {  	[tilespmem:s31], [sflag:$0x1] =	stream.indirect_vreg.gather [hbm4b:s3+s2], $0x80, v3, vm0, $0xb8;
	[tilespmem:$0x19480] =	vst v63  }
0x32c: {  	v3 =	vld [tilespmem:$0x470];
	_ =	sdelay $0x4  }
0x32d: {  	v48 =	vshll.u32 v3, $0x1  }
0x32e: {  	v3 =	vand.u32 $0x7, v3;
	v4 =	vand.u32 $0xFFFFFFF0, v48  }
0x32f: {  	v3 =	vor.u32 v3, v4  }
0x330: {  	v4 =	vperm.xlane v3, v0;
	_ =	sdelay $0x1  }
0x331: {  	v3 =	vperm.xlane v3, v2;
	v4 =	vadd.s32 v1, v4;
	_ =	sdelay $0x1  }
0x332: {  	v3 =	vadd.s32 v1, v3;
	_ =	sdelay $0x1  }
0x333: {  	s11 =	simm.s32 $0x16C80  }
0x334: {  	[tilespmem:s11], [sflag:$0x1] =	stream.indirect_vreg.gather [hbm4b:s3+s2], $0x80, v4, vm0, $0xb8;
	[tilespmem:$0x19480] =	vst v63  }
0x335: {  	s31 =	simm.s32 $0x17480  }
0x336: {  	[tilespmem:s31], [sflag:$0x1] =	stream.indirect_vreg.gather [hbm4b:s3+s2], $0x80, v3, vm0, $0xb8;
	[tilespmem:$0x19480] =	vst v63  }
0x337: {  	v3 =	vld [tilespmem:$0x480];
	_ =	sdelay $0x4  }
0x338: {  	v49 =	vshll.u32 v3, $0x1  }
0x339: {  	v3 =	vand.u32 $0x7, v3;
	v4 =	vand.u32 $0xFFFFFFF0, v49  }
0x33a: {  	v3 =	vor.u32 v3, v4  }
0x33b: {  	v4 =	vperm.xlane v3, v0;
	_ =	sdelay $0x1  }
0x33c: {  	v3 =	vperm.xlane v3, v2;
	v4 =	vadd.s32 v1, v4;
	_ =	sdelay $0x1  }
0x33d: {  	v3 =	vadd.s32 v1, v3;
	_ =	sdelay $0x1  }
0x33e: {  	s12 =	simm.s32 $0x17C80  }
0x33f: {  	[tilespmem:s12], [sflag:$0x1] =	stream.indirect_vreg.gather [hbm4b:s3+s2], $0x80, v4, vm0, $0xb8;
	[tilespmem:$0x19480] =	vst v63  }
0x340: {  	s13 =	simm.s32 $0x18480  }
0x341: {  	[tilespmem:s13], [sflag:$0x1] =	stream.indirect_vreg.gather [hbm4b:s3+s2], $0x80, v3, vm0, $0xb8;
	[tilespmem:$0x19480] =	vst v63  }
0x342: {  	v3 =	vld.msk [tilespmem:$0x490], $0xff;
	_ =	sdelay $0x4  }
0x343: {  	v50 =	vshll.u32 v3, $0x1  }
0x344: {  	v3 =	vand.u32 $0x7, v3;
	v4 =	vand.u32 $0xFFFFFFF0, v50  }
0x345: {  	v3 =	vor.u32 v3, v4  }
0x346: {  	v3 =	vperm.xlane v3, v0;
	_ =	sdelay $0x1  }
0x347: {  	v3 =	vadd.s32 v1, v3;
	_ =	sdelay $0x3  }
0x348: {  	s14 =	simm.s32 $0x18C80  }
0x349: {  	[tilespmem:s14], [sflag:$0x1] =	stream.indirect_vreg.gather [hbm4b:s3+s2], $0x80, v3, vm0, $0xb8;
	[tilespmem:$0x19480] =	vst v63  }
0x34a: {  	_ =	swait.ge [sflag:s30], $0x18800  }
0x34b: {  	[sflag:s30] =	ssyncset.done $0x0  }
0x34c: {  	s31 =	rddreg [dreg:$0x5];
	[sflag:s30] =	ssyncadd.s32 $0xFFFE7800  }
0x34d: {  	[hbm4b:s31+s2] =	stream.linear.scatter [tilespmem:s29], [sflag:$0x2], $0x18800, $0x38;
	[tilespmem:$0x19480] =	vst v63  }
0x34e: {  	_ =	swait.ge [sflag:s5], $0x18800  }
0x34f: {  	[sflag:s5] =	ssyncset.done $0x0  }
0x350: {  	[sflag:s5] =	ssyncadd.s32 $0xFFFE7800  }
0x351: {  	v3 =	vld [tilespmem:$0x498];
	_ =	sdelay $0x4  }
0x352: {  	v51 =	vshll.u32 v3, $0x1  }
0x353: {  	v3 =	vand.u32 $0x7, v3;
	v4 =	vand.u32 $0xFFFFFFF0, v51  }
0x354: {  	v3 =	vor.u32 v3, v4  }
0x355: {  	v4 =	vperm.xlane v3, v0;
	_ =	sdelay $0x1  }
0x356: {  	v3 =	vperm.xlane v3, v2;
	v4 =	vadd.s32 v1, v4;
	_ =	sdelay $0x1  }
0x357: {  	v3 =	vadd.s32 v1, v3;
	_ =	sdelay $0x2  }
0x358: {  	[tilespmem:s29], [sflag:$0x1] =	stream.indirect_vreg.gather [hbm4b:s3+s2], $0x80, v4, vm0, $0xb8;
	[tilespmem:$0x19480] =	vst v63  }
0x359: {  	s31 =	simm.s32 $0x1480  }
0x35a: {  	[tilespmem:s31], [sflag:$0x1] =	stream.indirect_vreg.gather [hbm4b:s3+s2], $0x80, v3, vm0, $0xb8;
	[tilespmem:$0x19480] =	vst v63  }
0x35b: {  	v3 =	vld [tilespmem:$0x4A8];
	_ =	sdelay $0x4  }
0x35c: {  	v52 =	vshll.u32 v3, $0x1  }
0x35d: {  	v3 =	vand.u32 $0x7, v3;
	v4 =	vand.u32 $0xFFFFFFF0, v52  }
0x35e: {  	v3 =	vor.u32 v3, v4  }
0x35f: {  	v4 =	vperm.xlane v3, v0;
	_ =	sdelay $0x1  }
0x360: {  	v3 =	vperm.xlane v3, v2;
	v4 =	vadd.s32 v1, v4;
	_ =	sdelay $0x1  }
0x361: {  	v3 =	vadd.s32 v1, v3;
	_ =	sdelay $0x1  }
0x362: {  	s15 =	simm.s32 $0x1C80  }
0x363: {  	[tilespmem:s15], [sflag:$0x1] =	stream.indirect_vreg.gather [hbm4b:s3+s2], $0x80, v4, vm0, $0xb8;
	[tilespmem:$0x19480] =	vst v63  }
0x364: {  	s31 =	simm.s32 $0x2480  }
0x365: {  	[tilespmem:s31], [sflag:$0x1] =	stream.indirect_vreg.gather [hbm4b:s3+s2], $0x80, v3, vm0, $0xb8;
	[tilespmem:$0x19480] =	vst v63  }
0x366: {  	v3 =	vld [tilespmem:$0x4B8];
	_ =	sdelay $0x4  }
0x367: {  	v53 =	vshll.u32 v3, $0x1  }
0x368: {  	v3 =	vand.u32 $0x7, v3;
	v4 =	vand.u32 $0xFFFFFFF0, v53  }
0x369: {  	v3 =	vor.u32 v3, v4  }
0x36a: {  	v4 =	vperm.xlane v3, v0;
	_ =	sdelay $0x1  }
0x36b: {  	v3 =	vperm.xlane v3, v2;
	v4 =	vadd.s32 v1, v4;
	_ =	sdelay $0x1  }
0x36c: {  	v3 =	vadd.s32 v1, v3;
	_ =	sdelay $0x1  }
0x36d: {  	s16 =	simm.s32 $0x2C80  }
0x36e: {  	[tilespmem:s16], [sflag:$0x1] =	stream.indirect_vreg.gather [hbm4b:s3+s2], $0x80, v4, vm0, $0xb8;
	[tilespmem:$0x19480] =	vst v63  }
0x36f: {  	s31 =	simm.s32 $0x3480  }
0x370: {  	[tilespmem:s31], [sflag:$0x1] =	stream.indirect_vreg.gather [hbm4b:s3+s2], $0x80, v3, vm0, $0xb8;
	[tilespmem:$0x19480] =	vst v63  }
0x371: {  	v3 =	vld [tilespmem:$0x4C8];
	_ =	sdelay $0x4  }
0x372: {  	v54 =	vshll.u32 v3, $0x1  }
0x373: {  	v3 =	vand.u32 $0x7, v3;
	v4 =	vand.u32 $0xFFFFFFF0, v54  }
0x374: {  	v3 =	vor.u32 v3, v4  }
0x375: {  	v4 =	vperm.xlane v3, v0;
	_ =	sdelay $0x1  }
0x376: {  	v3 =	vperm.xlane v3, v2;
	v4 =	vadd.s32 v1, v4;
	_ =	sdelay $0x1  }
0x377: {  	v3 =	vadd.s32 v1, v3;
	_ =	sdelay $0x1  }
0x378: {  	s17 =	simm.s32 $0x3C80  }
0x379: {  	[tilespmem:s17], [sflag:$0x1] =	stream.indirect_vreg.gather [hbm4b:s3+s2], $0x80, v4, vm0, $0xb8;
	[tilespmem:$0x19480] =	vst v63  }
0x37a: {  	s31 =	simm.s32 $0x4480  }
0x37b: {  	[tilespmem:s31], [sflag:$0x1] =	stream.indirect_vreg.gather [hbm4b:s3+s2], $0x80, v3, vm0, $0xb8;
	[tilespmem:$0x19480] =	vst v63  }
0x37c: {  	v3 =	vld [tilespmem:$0x4D8];
	_ =	sdelay $0x4  }
0x37d: {  	v55 =	vshll.u32 v3, $0x1  }
0x37e: {  	v3 =	vand.u32 $0x7, v3;
	v4 =	vand.u32 $0xFFFFFFF0, v55  }
0x37f: {  	v3 =	vor.u32 v3, v4  }
0x380: {  	v4 =	vperm.xlane v3, v0;
	_ =	sdelay $0x1  }
0x381: {  	v3 =	vperm.xlane v3, v2;
	v4 =	vadd.s32 v1, v4;
	_ =	sdelay $0x1  }
0x382: {  	v3 =	vadd.s32 v1, v3;
	_ =	sdelay $0x1  }
0x383: {  	s18 =	simm.s32 $0x4C80  }
0x384: {  	[tilespmem:s18], [sflag:$0x1] =	stream.indirect_vreg.gather [hbm4b:s3+s2], $0x80, v4, vm0, $0xb8;
	[tilespmem:$0x19480] =	vst v63  }
0x385: {  	s31 =	simm.s32 $0x5480  }
0x386: {  	[tilespmem:s31], [sflag:$0x1] =	stream.indirect_vreg.gather [hbm4b:s3+s2], $0x80, v3, vm0, $0xb8;
	[tilespmem:$0x19480] =	vst v63  }
0x387: {  	v3 =	vld [tilespmem:$0x4E8];
	_ =	sdelay $0x4  }
0x388: {  	v56 =	vshll.u32 v3, $0x1  }
0x389: {  	v3 =	vand.u32 $0x7, v3;
	v4 =	vand.u32 $0xFFFFFFF0, v56  }
0x38a: {  	v3 =	vor.u32 v3, v4  }
0x38b: {  	v4 =	vperm.xlane v3, v0;
	_ =	sdelay $0x1  }
0x38c: {  	v3 =	vperm.xlane v3, v2;
	v4 =	vadd.s32 v1, v4;
	_ =	sdelay $0x1  }
0x38d: {  	v3 =	vadd.s32 v1, v3;
	_ =	sdelay $0x1  }
0x38e: {  	s19 =	simm.s32 $0x5C80  }
0x38f: {  	[tilespmem:s19], [sflag:$0x1] =	stream.indirect_vreg.gather [hbm4b:s3+s2], $0x80, v4, vm0, $0xb8;
	[tilespmem:$0x19480] =	vst v63  }
0x390: {  	s31 =	simm.s32 $0x6480  }
0x391: {  	[tilespmem:s31], [sflag:$0x1] =	stream.indirect_vreg.gather [hbm4b:s3+s2], $0x80, v3, vm0, $0xb8;
	[tilespmem:$0x19480] =	vst v63  }
0x392: {  	v3 =	vld [tilespmem:$0x4F8];
	_ =	sdelay $0x4  }
0x393: {  	v57 =	vshll.u32 v3, $0x1  }
0x394: {  	v3 =	vand.u32 $0x7, v3;
	v4 =	vand.u32 $0xFFFFFFF0, v57  }
0x395: {  	v3 =	vor.u32 v3, v4  }
0x396: {  	v4 =	vperm.xlane v3, v0;
	_ =	sdelay $0x1  }
0x397: {  	v3 =	vperm.xlane v3, v2;
	v4 =	vadd.s32 v1, v4;
	_ =	sdelay $0x1  }
0x398: {  	v3 =	vadd.s32 v1, v3;
	_ =	sdelay $0x1  }
0x399: {  	s20 =	simm.s32 $0x6C80  }
0x39a: {  	[tilespmem:s20], [sflag:$0x1] =	stream.indirect_vreg.gather [hbm4b:s3+s2], $0x80, v4, vm0, $0xb8;
	[tilespmem:$0x19480] =	vst v63  }
0x39b: {  	s31 =	simm.s32 $0x7480  }
0x39c: {  	[tilespmem:s31], [sflag:$0x1] =	stream.indirect_vreg.gather [hbm4b:s3+s2], $0x80, v3, vm0, $0xb8;
	[tilespmem:$0x19480] =	vst v63  }
0x39d: {  	v3 =	vld [tilespmem:$0x508];
	_ =	sdelay $0x4  }
0x39e: {  	v58 =	vshll.u32 v3, $0x1  }
0x39f: {  	v3 =	vand.u32 $0x7, v3;
	v4 =	vand.u32 $0xFFFFFFF0, v58  }
0x3a0: {  	v3 =	vor.u32 v3, v4  }
0x3a1: {  	v4 =	vperm.xlane v3, v0;
	_ =	sdelay $0x1  }
0x3a2: {  	v3 =	vperm.xlane v3, v2;
	v4 =	vadd.s32 v1, v4;
	_ =	sdelay $0x1  }
0x3a3: {  	v3 =	vadd.s32 v1, v3;
	_ =	sdelay $0x1  }
0x3a4: {  	s21 =	simm.s32 $0x7C80  }
0x3a5: {  	[tilespmem:s21], [sflag:$0x1] =	stream.indirect_vreg.gather [hbm4b:s3+s2], $0x80, v4, vm0, $0xb8;
	[tilespmem:$0x19480] =	vst v63  }
0x3a6: {  	s31 =	simm.s32 $0x8480  }
0x3a7: {  	[tilespmem:s31], [sflag:$0x1] =	stream.indirect_vreg.gather [hbm4b:s3+s2], $0x80, v3, vm0, $0xb8;
	[tilespmem:$0x19480] =	vst v63  }
0x3a8: {  	v3 =	vld [tilespmem:$0x518];
	_ =	sdelay $0x4  }
0x3a9: {  	v59 =	vshll.u32 v3, $0x1  }
0x3aa: {  	v3 =	vand.u32 $0x7, v3;
	v4 =	vand.u32 $0xFFFFFFF0, v59  }
0x3ab: {  	v3 =	vor.u32 v3, v4  }
0x3ac: {  	v4 =	vperm.xlane v3, v0;
	_ =	sdelay $0x1  }
0x3ad: {  	v3 =	vperm.xlane v3, v2;
	v4 =	vadd.s32 v1, v4;
	_ =	sdelay $0x1  }
0x3ae: {  	v3 =	vadd.s32 v1, v3;
	_ =	sdelay $0x1  }
0x3af: {  	s22 =	simm.s32 $0x8C80  }
0x3b0: {  	[tilespmem:s22], [sflag:$0x1] =	stream.indirect_vreg.gather [hbm4b:s3+s2], $0x80, v4, vm0, $0xb8;
	[tilespmem:$0x19480] =	vst v63  }
0x3b1: {  	s31 =	simm.s32 $0x9480  }
0x3b2: {  	[tilespmem:s31], [sflag:$0x1] =	stream.indirect_vreg.gather [hbm4b:s3+s2], $0x80, v3, vm0, $0xb8;
	[tilespmem:$0x19480] =	vst v63  }
0x3b3: {  	v3 =	vld [tilespmem:$0x528];
	_ =	sdelay $0x4  }
0x3b4: {  	v60 =	vshll.u32 v3, $0x1  }
0x3b5: {  	v3 =	vand.u32 $0x7, v3;
	v4 =	vand.u32 $0xFFFFFFF0, v60  }
0x3b6: {  	v3 =	vor.u32 v3, v4  }
0x3b7: {  	v4 =	vperm.xlane v3, v0;
	_ =	sdelay $0x1  }
0x3b8: {  	v3 =	vperm.xlane v3, v2;
	v4 =	vadd.s32 v1, v4;
	_ =	sdelay $0x1  }
0x3b9: {  	v3 =	vadd.s32 v1, v3;
	_ =	sdelay $0x1  }
0x3ba: {  	s23 =	simm.s32 $0x9C80  }
0x3bb: {  	[tilespmem:s23], [sflag:$0x1] =	stream.indirect_vreg.gather [hbm4b:s3+s2], $0x80, v4, vm0, $0xb8;
	[tilespmem:$0x19480] =	vst v63  }
0x3bc: {  	s31 =	simm.s32 $0xA480  }
0x3bd: {  	[tilespmem:s31], [sflag:$0x1] =	stream.indirect_vreg.gather [hbm4b:s3+s2], $0x80, v3, vm0, $0xb8;
	[tilespmem:$0x19480] =	vst v63  }
0x3be: {  	v3 =	vld [tilespmem:$0x538];
	_ =	sdelay $0x4  }
0x3bf: {  	v61 =	vshll.u32 v3, $0x1  }
0x3c0: {  	v3 =	vand.u32 $0x7, v3;
	v4 =	vand.u32 $0xFFFFFFF0, v61  }
0x3c1: {  	v3 =	vor.u32 v3, v4  }
0x3c2: {  	v4 =	vperm.xlane v3, v0;
	_ =	sdelay $0x1  }
0x3c3: {  	v3 =	vperm.xlane v3, v2;
	v4 =	vadd.s32 v1, v4;
	_ =	sdelay $0x1  }
0x3c4: {  	v3 =	vadd.s32 v1, v3;
	_ =	sdelay $0x1  }
0x3c5: {  	s31 =	simm.s32 $0xAC80  }
0x3c6: {  	[tilespmem:s31], [sflag:$0x1] =	stream.indirect_vreg.gather [hbm4b:s3+s2], $0x80, v4, vm0, $0xb8;
	[tilespmem:$0x19480] =	vst v63  }
0x3c7: {  	s0 =	simm.s32 $0xB480  }
0x3c8: {  	[tilespmem:s0], [sflag:$0x1] =	stream.indirect_vreg.gather [hbm4b:s3+s2], $0x80, v3, vm0, $0xb8;
	[tilespmem:$0x19480] =	vst v63  }
0x3c9: {  	v3 =	vld [tilespmem:$0x548];
	_ =	sdelay $0x4  }
0x3ca: {  	v62 =	vshll.u32 v3, $0x1  }
0x3cb: {  	v3 =	vand.u32 $0x7, v3;
	v4 =	vand.u32 $0xFFFFFFF0, v62  }
0x3cc: {  	v3 =	vor.u32 v3, v4  }
0x3cd: {  	v4 =	vperm.xlane v3, v0;
	_ =	sdelay $0x1  }
0x3ce: {  	v3 =	vperm.xlane v3, v2;
	v4 =	vadd.s32 v1, v4;
	_ =	sdelay $0x1  }
0x3cf: {  	v3 =	vadd.s32 v1, v3;
	_ =	sdelay $0x1  }
0x3d0: {  	s31 =	simm.s32 $0xBC80  }
0x3d1: {  	[tilespmem:s31], [sflag:$0x1] =	stream.indirect_vreg.gather [hbm4b:s3+s2], $0x80, v4, vm0, $0xb8;
	[tilespmem:$0x19480] =	vst v63  }
0x3d2: {  	s26 =	simm.s32 $0xC480  }
0x3d3: {  	[tilespmem:s26], [sflag:$0x1] =	stream.indirect_vreg.gather [hbm4b:s3+s2], $0x80, v3, vm0, $0xb8;
	[tilespmem:$0x19480] =	vst v63  }
0x3d4: {  	v3 =	vld [tilespmem:$0x558];
	_ =	sdelay $0x4  }
0x3d5: {  	v63 =	vshll.u32 v3, $0x1  }
0x3d6: {  	v3 =	vand.u32 $0x7, v3;
	v4 =	vand.u32 $0xFFFFFFF0, v63  }
0x3d7: {  	v3 =	vor.u32 v3, v4  }
0x3d8: {  	v4 =	vperm.xlane v3, v0;
	_ =	sdelay $0x1  }
0x3d9: {  	v3 =	vperm.xlane v3, v2;
	v4 =	vadd.s32 v1, v4;
	_ =	sdelay $0x1  }
0x3da: {  	v3 =	vadd.s32 v1, v3;
	_ =	sdelay $0x1  }
0x3db: {  	s31 =	simm.s32 $0xCC80  }
0x3dc: {  	[tilespmem:s31], [sflag:$0x1] =	stream.indirect_vreg.gather [hbm4b:s3+s2], $0x80, v4, vm0, $0xb8;
	[tilespmem:$0x19480] =	vst v63  }
0x3dd: {  	s31 =	simm.s32 $0xD480  }
0x3de: {  	[tilespmem:s31], [sflag:$0x1] =	stream.indirect_vreg.gather [hbm4b:s3+s2], $0x80, v3, vm0, $0xb8;
	[tilespmem:$0x19480] =	vst v63  }
0x3df: {  	v3 =	vld [tilespmem:$0x568];
	_ =	sdelay $0x4  }
0x3e0: {  	v8 =	vshll.u32 v3, $0x1  }
0x3e1: {  	v3 =	vand.u32 $0x7, v3;
	v4 =	vand.u32 $0xFFFFFFF0, v8  }
0x3e2: {  	v3 =	vor.u32 v3, v4  }
0x3e3: {  	v4 =	vperm.xlane v3, v0;
	_ =	sdelay $0x1  }
0x3e4: {  	v3 =	vperm.xlane v3, v2;
	v4 =	vadd.s32 v1, v4;
	_ =	sdelay $0x1  }
0x3e5: {  	v3 =	vadd.s32 v1, v3;
	_ =	sdelay $0x1  }
0x3e6: {  	s6 =	simm.s32 $0xDC80  }
0x3e7: {  	[tilespmem:s6], [sflag:$0x1] =	stream.indirect_vreg.gather [hbm4b:s3+s2], $0x80, v4, vm0, $0xb8;
	[tilespmem:$0x19480] =	vst v63  }
0x3e8: {  	s25 =	simm.s32 $0xE480  }
0x3e9: {  	[tilespmem:s25], [sflag:$0x1] =	stream.indirect_vreg.gather [hbm4b:s3+s2], $0x80, v3, vm0, $0xb8;
	[tilespmem:$0x19480] =	vst v63  }
0x3ea: {  	v3 =	vld [tilespmem:$0x578];
	_ =	sdelay $0x4  }
0x3eb: {  	v9 =	vshll.u32 v3, $0x1  }
0x3ec: {  	v3 =	vand.u32 $0x7, v3;
	v4 =	vand.u32 $0xFFFFFFF0, v9  }
0x3ed: {  	v3 =	vor.u32 v3, v4  }
0x3ee: {  	v4 =	vperm.xlane v3, v0;
	_ =	sdelay $0x1  }
0x3ef: {  	v3 =	vperm.xlane v3, v2;
	v4 =	vadd.s32 v1, v4;
	_ =	sdelay $0x1  }
0x3f0: {  	v3 =	vadd.s32 v1, v3;
	_ =	sdelay $0x1  }
0x3f1: {  	s28 =	simm.s32 $0xEC80  }
0x3f2: {  	[tilespmem:s28], [sflag:$0x1] =	stream.indirect_vreg.gather [hbm4b:s3+s2], $0x80, v4, vm0, $0xb8;
	[tilespmem:$0x19480] =	vst v63  }
0x3f3: {  	s31 =	simm.s32 $0xF480  }
0x3f4: {  	[tilespmem:s31], [sflag:$0x1] =	stream.indirect_vreg.gather [hbm4b:s3+s2], $0x80, v3, vm0, $0xb8;
	[tilespmem:$0x19480] =	vst v63  }
0x3f5: {  	v3 =	vld [tilespmem:$0x588];
	_ =	sdelay $0x4  }
0x3f6: {  	v10 =	vshll.u32 v3, $0x1  }
0x3f7: {  	v3 =	vand.u32 $0x7, v3;
	v4 =	vand.u32 $0xFFFFFFF0, v10  }
0x3f8: {  	v3 =	vor.u32 v3, v4  }
0x3f9: {  	v4 =	vperm.xlane v3, v0;
	_ =	sdelay $0x1  }
0x3fa: {  	v3 =	vperm.xlane v3, v2;
	v4 =	vadd.s32 v1, v4;
	_ =	sdelay $0x1  }
0x3fb: {  	v3 =	vadd.s32 v1, v3;
	_ =	sdelay $0x1  }
0x3fc: {  	s24 =	simm.s32 $0xFC80  }
0x3fd: {  	[tilespmem:s24], [sflag:$0x1] =	stream.indirect_vreg.gather [hbm4b:s3+s2], $0x80, v4, vm0, $0xb8;
	[tilespmem:$0x19480] =	vst v63  }
0x3fe: {  	s31 =	simm.s32 $0x10480  }
0x3ff: {  	[tilespmem:s31], [sflag:$0x1] =	stream.indirect_vreg.gather [hbm4b:s3+s2], $0x80, v3, vm0, $0xb8;
	[tilespmem:$0x19480] =	vst v63  }
0x400: {  	v3 =	vld [tilespmem:$0x598];
	_ =	sdelay $0x4  }
0x401: {  	v11 =	vshll.u32 v3, $0x1  }
0x402: {  	v3 =	vand.u32 $0x7, v3;
	v4 =	vand.u32 $0xFFFFFFF0, v11  }
0x403: {  	v3 =	vor.u32 v3, v4  }
0x404: {  	v4 =	vperm.xlane v3, v0;
	_ =	sdelay $0x1  }
0x405: {  	v3 =	vperm.xlane v3, v2;
	v4 =	vadd.s32 v1, v4;
	_ =	sdelay $0x1  }
0x406: {  	v3 =	vadd.s32 v1, v3;
	_ =	sdelay $0x1  }
0x407: {  	s1 =	simm.s32 $0x10C80  }
0x408: {  	[tilespmem:s1], [sflag:$0x1] =	stream.indirect_vreg.gather [hbm4b:s3+s2], $0x80, v4, vm0, $0xb8;
	[tilespmem:$0x19480] =	vst v63  }
0x409: {  	s31 =	simm.s32 $0x11480  }
0x40a: {  	[tilespmem:s31], [sflag:$0x1] =	stream.indirect_vreg.gather [hbm4b:s3+s2], $0x80, v3, vm0, $0xb8;
	[tilespmem:$0x19480] =	vst v63  }
0x40b: {  	v3 =	vld [tilespmem:$0x5A8];
	_ =	sdelay $0x4  }
0x40c: {  	v12 =	vshll.u32 v3, $0x1  }
0x40d: {  	v3 =	vand.u32 $0x7, v3;
	v4 =	vand.u32 $0xFFFFFFF0, v12  }
0x40e: {  	v3 =	vor.u32 v3, v4  }
0x40f: {  	v4 =	vperm.xlane v3, v0;
	_ =	sdelay $0x1  }
0x410: {  	v3 =	vperm.xlane v3, v2;
	v4 =	vadd.s32 v1, v4;
	_ =	sdelay $0x1  }
0x411: {  	v3 =	vadd.s32 v1, v3;
	_ =	sdelay $0x1  }
0x412: {  	s4 =	simm.s32 $0x11C80  }
0x413: {  	[tilespmem:s4], [sflag:$0x1] =	stream.indirect_vreg.gather [hbm4b:s3+s2], $0x80, v4, vm0, $0xb8;
	[tilespmem:$0x19480] =	vst v63  }
0x414: {  	s31 =	simm.s32 $0x12480  }
0x415: {  	[tilespmem:s31], [sflag:$0x1] =	stream.indirect_vreg.gather [hbm4b:s3+s2], $0x80, v3, vm0, $0xb8;
	[tilespmem:$0x19480] =	vst v63  }
0x416: {  	v3 =	vld [tilespmem:$0x5B8];
	_ =	sdelay $0x4  }
0x417: {  	v13 =	vshll.u32 v3, $0x1  }
0x418: {  	v3 =	vand.u32 $0x7, v3;
	v4 =	vand.u32 $0xFFFFFFF0, v13  }
0x419: {  	v3 =	vor.u32 v3, v4  }
0x41a: {  	v4 =	vperm.xlane v3, v0;
	_ =	sdelay $0x1  }
0x41b: {  	v3 =	vperm.xlane v3, v2;
	v4 =	vadd.s32 v1, v4;
	_ =	sdelay $0x1  }
0x41c: {  	v3 =	vadd.s32 v1, v3;
	_ =	sdelay $0x1  }
0x41d: {  	s7 =	simm.s32 $0x12C80  }
0x41e: {  	[tilespmem:s7], [sflag:$0x1] =	stream.indirect_vreg.gather [hbm4b:s3+s2], $0x80, v4, vm0, $0xb8;
	[tilespmem:$0x19480] =	vst v63  }
0x41f: {  	s31 =	simm.s32 $0x13480  }
0x420: {  	[tilespmem:s31], [sflag:$0x1] =	stream.indirect_vreg.gather [hbm4b:s3+s2], $0x80, v3, vm0, $0xb8;
	[tilespmem:$0x19480] =	vst v63  }
0x421: {  	v3 =	vld [tilespmem:$0x5C8];
	_ =	sdelay $0x4  }
0x422: {  	v14 =	vshll.u32 v3, $0x1  }
0x423: {  	v3 =	vand.u32 $0x7, v3;
	v4 =	vand.u32 $0xFFFFFFF0, v14  }
0x424: {  	v3 =	vor.u32 v3, v4  }
0x425: {  	v4 =	vperm.xlane v3, v0;
	_ =	sdelay $0x1  }
0x426: {  	v3 =	vperm.xlane v3, v2;
	v4 =	vadd.s32 v1, v4;
	_ =	sdelay $0x1  }
0x427: {  	v3 =	vadd.s32 v1, v3;
	_ =	sdelay $0x1  }
0x428: {  	s8 =	simm.s32 $0x13C80  }
0x429: {  	[tilespmem:s8], [sflag:$0x1] =	stream.indirect_vreg.gather [hbm4b:s3+s2], $0x80, v4, vm0, $0xb8;
	[tilespmem:$0x19480] =	vst v63  }
0x42a: {  	s31 =	simm.s32 $0x14480  }
0x42b: {  	[tilespmem:s31], [sflag:$0x1] =	stream.indirect_vreg.gather [hbm4b:s3+s2], $0x80, v3, vm0, $0xb8;
	[tilespmem:$0x19480] =	vst v63  }
0x42c: {  	v3 =	vld [tilespmem:$0x5D8];
	_ =	sdelay $0x4  }
0x42d: {  	v15 =	vshll.u32 v3, $0x1  }
0x42e: {  	v3 =	vand.u32 $0x7, v3;
	v4 =	vand.u32 $0xFFFFFFF0, v15  }
0x42f: {  	v3 =	vor.u32 v3, v4  }
0x430: {  	v4 =	vperm.xlane v3, v0;
	_ =	sdelay $0x1  }
0x431: {  	v3 =	vperm.xlane v3, v2;
	v4 =	vadd.s32 v1, v4;
	_ =	sdelay $0x1  }
0x432: {  	v3 =	vadd.s32 v1, v3;
	_ =	sdelay $0x1  }
0x433: {  	s9 =	simm.s32 $0x14C80  }
0x434: {  	[tilespmem:s9], [sflag:$0x1] =	stream.indirect_vreg.gather [hbm4b:s3+s2], $0x80, v4, vm0, $0xb8;
	[tilespmem:$0x19480] =	vst v63  }
0x435: {  	s31 =	simm.s32 $0x15480  }
0x436: {  	[tilespmem:s31], [sflag:$0x1] =	stream.indirect_vreg.gather [hbm4b:s3+s2], $0x80, v3, vm0, $0xb8;
	[tilespmem:$0x19480] =	vst v63  }
0x437: {  	v3 =	vld [tilespmem:$0x5E8];
	_ =	sdelay $0x4  }
0x438: {  	v16 =	vshll.u32 v3, $0x1  }
0x439: {  	v3 =	vand.u32 $0x7, v3;
	v4 =	vand.u32 $0xFFFFFFF0, v16  }
0x43a: {  	v3 =	vor.u32 v3, v4  }
0x43b: {  	v4 =	vperm.xlane v3, v0;
	_ =	sdelay $0x1  }
0x43c: {  	v3 =	vperm.xlane v3, v2;
	v4 =	vadd.s32 v1, v4;
	_ =	sdelay $0x1  }
0x43d: {  	v3 =	vadd.s32 v1, v3;
	_ =	sdelay $0x1  }
0x43e: {  	s10 =	simm.s32 $0x15C80  }
0x43f: {  	[tilespmem:s10], [sflag:$0x1] =	stream.indirect_vreg.gather [hbm4b:s3+s2], $0x80, v4, vm0, $0xb8;
	[tilespmem:$0x19480] =	vst v63  }
0x440: {  	s31 =	simm.s32 $0x16480  }
0x441: {  	[tilespmem:s31], [sflag:$0x1] =	stream.indirect_vreg.gather [hbm4b:s3+s2], $0x80, v3, vm0, $0xb8;
	[tilespmem:$0x19480] =	vst v63  }
0x442: {  	v3 =	vld [tilespmem:$0x5F8];
	_ =	sdelay $0x4  }
0x443: {  	v17 =	vshll.u32 v3, $0x1  }
0x444: {  	v3 =	vand.u32 $0x7, v3;
	v4 =	vand.u32 $0xFFFFFFF0, v17  }
0x445: {  	v3 =	vor.u32 v3, v4  }
0x446: {  	v4 =	vperm.xlane v3, v0;
	_ =	sdelay $0x1  }
0x447: {  	v3 =	vperm.xlane v3, v2;
	v4 =	vadd.s32 v1, v4;
	_ =	sdelay $0x1  }
0x448: {  	v3 =	vadd.s32 v1, v3;
	_ =	sdelay $0x1  }
0x449: {  	s11 =	simm.s32 $0x16C80  }
0x44a: {  	[tilespmem:s11], [sflag:$0x1] =	stream.indirect_vreg.gather [hbm4b:s3+s2], $0x80, v4, vm0, $0xb8;
	[tilespmem:$0x19480] =	vst v63  }
0x44b: {  	s31 =	simm.s32 $0x17480  }
0x44c: {  	[tilespmem:s31], [sflag:$0x1] =	stream.indirect_vreg.gather [hbm4b:s3+s2], $0x80, v3, vm0, $0xb8;
	[tilespmem:$0x19480] =	vst v63  }
0x44d: {  	v3 =	vld [tilespmem:$0x608];
	_ =	sdelay $0x4  }
0x44e: {  	v18 =	vshll.u32 v3, $0x1  }
0x44f: {  	v3 =	vand.u32 $0x7, v3;
	v4 =	vand.u32 $0xFFFFFFF0, v18  }
0x450: {  	v3 =	vor.u32 v3, v4  }
0x451: {  	v4 =	vperm.xlane v3, v0;
	_ =	sdelay $0x1  }
0x452: {  	v3 =	vperm.xlane v3, v2;
	v4 =	vadd.s32 v1, v4;
	_ =	sdelay $0x1  }
0x453: {  	v3 =	vadd.s32 v1, v3;
	_ =	sdelay $0x1  }
0x454: {  	s12 =	simm.s32 $0x17C80  }
0x455: {  	[tilespmem:s12], [sflag:$0x1] =	stream.indirect_vreg.gather [hbm4b:s3+s2], $0x80, v4, vm0, $0xb8;
	[tilespmem:$0x19480] =	vst v63  }
0x456: {  	s13 =	simm.s32 $0x18480  }
0x457: {  	[tilespmem:s13], [sflag:$0x1] =	stream.indirect_vreg.gather [hbm4b:s3+s2], $0x80, v3, vm0, $0xb8;
	[tilespmem:$0x19480] =	vst v63  }
0x458: {  	v3 =	vld.msk [tilespmem:$0x618], $0xff;
	_ =	sdelay $0x4  }
0x459: {  	v19 =	vshll.u32 v3, $0x1  }
0x45a: {  	v3 =	vand.u32 $0x7, v3;
	v4 =	vand.u32 $0xFFFFFFF0, v19  }
0x45b: {  	v3 =	vor.u32 v3, v4  }
0x45c: {  	v3 =	vperm.xlane v3, v0;
	_ =	sdelay $0x1  }
0x45d: {  	v3 =	vadd.s32 v1, v3;
	_ =	sdelay $0x3  }
0x45e: {  	s14 =	simm.s32 $0x18C80  }
0x45f: {  	[tilespmem:s14], [sflag:$0x1] =	stream.indirect_vreg.gather [hbm4b:s3+s2], $0x80, v3, vm0, $0xb8;
	[tilespmem:$0x19480] =	vst v63  }
0x460: {  	_ =	swait.ge [sflag:s30], $0x18800  }
0x461: {  	[sflag:s30] =	ssyncset.done $0x0  }
0x462: {  	s31 =	rddreg [dreg:$0x6];
	[sflag:s30] =	ssyncadd.s32 $0xFFFE7800  }
0x463: {  	[hbm4b:s31+s2] =	stream.linear.scatter [tilespmem:s29], [sflag:$0x2], $0x18800, $0x38;
	[tilespmem:$0x19480] =	vst v63  }
0x464: {  	_ =	swait.ge [sflag:s5], $0x18800  }
0x465: {  	[sflag:s5] =	ssyncset.done $0x0  }
0x466: {  	[sflag:s5] =	ssyncadd.s32 $0xFFFE7800  }
0x467: {  	v3 =	vld [tilespmem:$0x620];
	_ =	sdelay $0x4  }
0x468: {  	v20 =	vshll.u32 v3, $0x1  }
0x469: {  	v3 =	vand.u32 $0x7, v3;
	v4 =	vand.u32 $0xFFFFFFF0, v20  }
0x46a: {  	v3 =	vor.u32 v3, v4  }
0x46b: {  	v4 =	vperm.xlane v3, v0;
	_ =	sdelay $0x1  }
0x46c: {  	v3 =	vperm.xlane v3, v2;
	v4 =	vadd.s32 v1, v4;
	_ =	sdelay $0x1  }
0x46d: {  	v3 =	vadd.s32 v1, v3;
	_ =	sdelay $0x2  }
0x46e: {  	[tilespmem:s29], [sflag:$0x1] =	stream.indirect_vreg.gather [hbm4b:s3+s2], $0x80, v4, vm0, $0xb8;
	[tilespmem:$0x19480] =	vst v63  }
0x46f: {  	s31 =	simm.s32 $0x1480  }
0x470: {  	[tilespmem:s31], [sflag:$0x1] =	stream.indirect_vreg.gather [hbm4b:s3+s2], $0x80, v3, vm0, $0xb8;
	[tilespmem:$0x19480] =	vst v63  }
0x471: {  	v3 =	vld [tilespmem:$0x630];
	_ =	sdelay $0x4  }
0x472: {  	v21 =	vshll.u32 v3, $0x1  }
0x473: {  	v3 =	vand.u32 $0x7, v3;
	v4 =	vand.u32 $0xFFFFFFF0, v21  }
0x474: {  	v3 =	vor.u32 v3, v4  }
0x475: {  	v4 =	vperm.xlane v3, v0;
	_ =	sdelay $0x1  }
0x476: {  	v3 =	vperm.xlane v3, v2;
	v4 =	vadd.s32 v1, v4;
	_ =	sdelay $0x1  }
0x477: {  	v3 =	vadd.s32 v1, v3;
	_ =	sdelay $0x1  }
0x478: {  	s15 =	simm.s32 $0x1C80  }
0x479: {  	[tilespmem:s15], [sflag:$0x1] =	stream.indirect_vreg.gather [hbm4b:s3+s2], $0x80, v4, vm0, $0xb8;
	[tilespmem:$0x19480] =	vst v63  }
0x47a: {  	s31 =	simm.s32 $0x2480  }
0x47b: {  	[tilespmem:s31], [sflag:$0x1] =	stream.indirect_vreg.gather [hbm4b:s3+s2], $0x80, v3, vm0, $0xb8;
	[tilespmem:$0x19480] =	vst v63  }
0x47c: {  	v3 =	vld [tilespmem:$0x640];
	_ =	sdelay $0x4  }
0x47d: {  	v22 =	vshll.u32 v3, $0x1  }
0x47e: {  	v3 =	vand.u32 $0x7, v3;
	v4 =	vand.u32 $0xFFFFFFF0, v22  }
0x47f: {  	v3 =	vor.u32 v3, v4  }
0x480: {  	v4 =	vperm.xlane v3, v0;
	_ =	sdelay $0x1  }
0x481: {  	v3 =	vperm.xlane v3, v2;
	v4 =	vadd.s32 v1, v4;
	_ =	sdelay $0x1  }
0x482: {  	v3 =	vadd.s32 v1, v3;
	_ =	sdelay $0x1  }
0x483: {  	s16 =	simm.s32 $0x2C80  }
0x484: {  	[tilespmem:s16], [sflag:$0x1] =	stream.indirect_vreg.gather [hbm4b:s3+s2], $0x80, v4, vm0, $0xb8;
	[tilespmem:$0x19480] =	vst v63  }
0x485: {  	s31 =	simm.s32 $0x3480  }
0x486: {  	[tilespmem:s31], [sflag:$0x1] =	stream.indirect_vreg.gather [hbm4b:s3+s2], $0x80, v3, vm0, $0xb8;
	[tilespmem:$0x19480] =	vst v63  }
0x487: {  	v3 =	vld [tilespmem:$0x650];
	_ =	sdelay $0x4  }
0x488: {  	v23 =	vshll.u32 v3, $0x1  }
0x489: {  	v3 =	vand.u32 $0x7, v3;
	v4 =	vand.u32 $0xFFFFFFF0, v23  }
0x48a: {  	v3 =	vor.u32 v3, v4  }
0x48b: {  	v4 =	vperm.xlane v3, v0;
	_ =	sdelay $0x1  }
0x48c: {  	v3 =	vperm.xlane v3, v2;
	v4 =	vadd.s32 v1, v4;
	_ =	sdelay $0x1  }
0x48d: {  	v3 =	vadd.s32 v1, v3;
	_ =	sdelay $0x1  }
0x48e: {  	s17 =	simm.s32 $0x3C80  }
0x48f: {  	[tilespmem:s17], [sflag:$0x1] =	stream.indirect_vreg.gather [hbm4b:s3+s2], $0x80, v4, vm0, $0xb8;
	[tilespmem:$0x19480] =	vst v63  }
0x490: {  	s31 =	simm.s32 $0x4480  }
0x491: {  	[tilespmem:s31], [sflag:$0x1] =	stream.indirect_vreg.gather [hbm4b:s3+s2], $0x80, v3, vm0, $0xb8;
	[tilespmem:$0x19480] =	vst v63  }
0x492: {  	v3 =	vld [tilespmem:$0x660];
	_ =	sdelay $0x4  }
0x493: {  	v24 =	vshll.u32 v3, $0x1  }
0x494: {  	v3 =	vand.u32 $0x7, v3;
	v4 =	vand.u32 $0xFFFFFFF0, v24  }
0x495: {  	v3 =	vor.u32 v3, v4  }
0x496: {  	v4 =	vperm.xlane v3, v0;
	_ =	sdelay $0x1  }
0x497: {  	v3 =	vperm.xlane v3, v2;
	v4 =	vadd.s32 v1, v4;
	_ =	sdelay $0x1  }
0x498: {  	v3 =	vadd.s32 v1, v3;
	_ =	sdelay $0x1  }
0x499: {  	s18 =	simm.s32 $0x4C80  }
0x49a: {  	[tilespmem:s18], [sflag:$0x1] =	stream.indirect_vreg.gather [hbm4b:s3+s2], $0x80, v4, vm0, $0xb8;
	[tilespmem:$0x19480] =	vst v63  }
0x49b: {  	s31 =	simm.s32 $0x5480  }
0x49c: {  	[tilespmem:s31], [sflag:$0x1] =	stream.indirect_vreg.gather [hbm4b:s3+s2], $0x80, v3, vm0, $0xb8;
	[tilespmem:$0x19480] =	vst v63  }
0x49d: {  	v3 =	vld [tilespmem:$0x670];
	_ =	sdelay $0x4  }
0x49e: {  	v25 =	vshll.u32 v3, $0x1  }
0x49f: {  	v3 =	vand.u32 $0x7, v3;
	v4 =	vand.u32 $0xFFFFFFF0, v25  }
0x4a0: {  	v3 =	vor.u32 v3, v4  }
0x4a1: {  	v4 =	vperm.xlane v3, v0;
	_ =	sdelay $0x1  }
0x4a2: {  	v3 =	vperm.xlane v3, v2;
	v4 =	vadd.s32 v1, v4;
	_ =	sdelay $0x1  }
0x4a3: {  	v3 =	vadd.s32 v1, v3;
	_ =	sdelay $0x1  }
0x4a4: {  	s19 =	simm.s32 $0x5C80  }
0x4a5: {  	[tilespmem:s19], [sflag:$0x1] =	stream.indirect_vreg.gather [hbm4b:s3+s2], $0x80, v4, vm0, $0xb8;
	[tilespmem:$0x19480] =	vst v63  }
0x4a6: {  	s31 =	simm.s32 $0x6480  }
0x4a7: {  	[tilespmem:s31], [sflag:$0x1] =	stream.indirect_vreg.gather [hbm4b:s3+s2], $0x80, v3, vm0, $0xb8;
	[tilespmem:$0x19480] =	vst v63  }
0x4a8: {  	v3 =	vld [tilespmem:$0x680];
	_ =	sdelay $0x4  }
0x4a9: {  	v26 =	vshll.u32 v3, $0x1  }
0x4aa: {  	v3 =	vand.u32 $0x7, v3;
	v4 =	vand.u32 $0xFFFFFFF0, v26  }
0x4ab: {  	v3 =	vor.u32 v3, v4  }
0x4ac: {  	v4 =	vperm.xlane v3, v0;
	_ =	sdelay $0x1  }
0x4ad: {  	v3 =	vperm.xlane v3, v2;
	v4 =	vadd.s32 v1, v4;
	_ =	sdelay $0x1  }
0x4ae: {  	v3 =	vadd.s32 v1, v3;
	_ =	sdelay $0x1  }
0x4af: {  	s20 =	simm.s32 $0x6C80  }
0x4b0: {  	[tilespmem:s20], [sflag:$0x1] =	stream.indirect_vreg.gather [hbm4b:s3+s2], $0x80, v4, vm0, $0xb8;
	[tilespmem:$0x19480] =	vst v63  }
0x4b1: {  	s31 =	simm.s32 $0x7480  }
0x4b2: {  	[tilespmem:s31], [sflag:$0x1] =	stream.indirect_vreg.gather [hbm4b:s3+s2], $0x80, v3, vm0, $0xb8;
	[tilespmem:$0x19480] =	vst v63  }
0x4b3: {  	v3 =	vld [tilespmem:$0x690];
	_ =	sdelay $0x4  }
0x4b4: {  	v27 =	vshll.u32 v3, $0x1  }
0x4b5: {  	v3 =	vand.u32 $0x7, v3;
	v4 =	vand.u32 $0xFFFFFFF0, v27  }
0x4b6: {  	v3 =	vor.u32 v3, v4  }
0x4b7: {  	v4 =	vperm.xlane v3, v0;
	_ =	sdelay $0x1  }
0x4b8: {  	v3 =	vperm.xlane v3, v2;
	v4 =	vadd.s32 v1, v4;
	_ =	sdelay $0x1  }
0x4b9: {  	v3 =	vadd.s32 v1, v3;
	_ =	sdelay $0x1  }
0x4ba: {  	s21 =	simm.s32 $0x7C80  }
0x4bb: {  	[tilespmem:s21], [sflag:$0x1] =	stream.indirect_vreg.gather [hbm4b:s3+s2], $0x80, v4, vm0, $0xb8;
	[tilespmem:$0x19480] =	vst v63  }
0x4bc: {  	s31 =	simm.s32 $0x8480  }
0x4bd: {  	[tilespmem:s31], [sflag:$0x1] =	stream.indirect_vreg.gather [hbm4b:s3+s2], $0x80, v3, vm0, $0xb8;
	[tilespmem:$0x19480] =	vst v63  }
0x4be: {  	v3 =	vld [tilespmem:$0x6A0];
	_ =	sdelay $0x4  }
0x4bf: {  	v28 =	vshll.u32 v3, $0x1  }
0x4c0: {  	v3 =	vand.u32 $0x7, v3;
	v4 =	vand.u32 $0xFFFFFFF0, v28  }
0x4c1: {  	v3 =	vor.u32 v3, v4  }
0x4c2: {  	v4 =	vperm.xlane v3, v0;
	_ =	sdelay $0x1  }
0x4c3: {  	v3 =	vperm.xlane v3, v2;
	v4 =	vadd.s32 v1, v4;
	_ =	sdelay $0x1  }
0x4c4: {  	v3 =	vadd.s32 v1, v3;
	_ =	sdelay $0x1  }
0x4c5: {  	s22 =	simm.s32 $0x8C80  }
0x4c6: {  	[tilespmem:s22], [sflag:$0x1] =	stream.indirect_vreg.gather [hbm4b:s3+s2], $0x80, v4, vm0, $0xb8;
	[tilespmem:$0x19480] =	vst v63  }
0x4c7: {  	s31 =	simm.s32 $0x9480  }
0x4c8: {  	[tilespmem:s31], [sflag:$0x1] =	stream.indirect_vreg.gather [hbm4b:s3+s2], $0x80, v3, vm0, $0xb8;
	[tilespmem:$0x19480] =	vst v63  }
0x4c9: {  	v3 =	vld [tilespmem:$0x6B0];
	_ =	sdelay $0x4  }
0x4ca: {  	v29 =	vshll.u32 v3, $0x1  }
0x4cb: {  	v3 =	vand.u32 $0x7, v3;
	v4 =	vand.u32 $0xFFFFFFF0, v29  }
0x4cc: {  	v3 =	vor.u32 v3, v4  }
0x4cd: {  	v4 =	vperm.xlane v3, v0;
	_ =	sdelay $0x1  }
0x4ce: {  	v3 =	vperm.xlane v3, v2;
	v4 =	vadd.s32 v1, v4;
	_ =	sdelay $0x1  }
0x4cf: {  	v3 =	vadd.s32 v1, v3;
	_ =	sdelay $0x1  }
0x4d0: {  	s23 =	simm.s32 $0x9C80  }
0x4d1: {  	[tilespmem:s23], [sflag:$0x1] =	stream.indirect_vreg.gather [hbm4b:s3+s2], $0x80, v4, vm0, $0xb8;
	[tilespmem:$0x19480] =	vst v63  }
0x4d2: {  	s31 =	simm.s32 $0xA480  }
0x4d3: {  	[tilespmem:s31], [sflag:$0x1] =	stream.indirect_vreg.gather [hbm4b:s3+s2], $0x80, v3, vm0, $0xb8;
	[tilespmem:$0x19480] =	vst v63  }
0x4d4: {  	v3 =	vld [tilespmem:$0x6C0];
	_ =	sdelay $0x4  }
0x4d5: {  	v30 =	vshll.u32 v3, $0x1  }
0x4d6: {  	v3 =	vand.u32 $0x7, v3;
	v4 =	vand.u32 $0xFFFFFFF0, v30  }
0x4d7: {  	v3 =	vor.u32 v3, v4  }
0x4d8: {  	v4 =	vperm.xlane v3, v0;
	_ =	sdelay $0x1  }
0x4d9: {  	v3 =	vperm.xlane v3, v2;
	v4 =	vadd.s32 v1, v4;
	_ =	sdelay $0x1  }
0x4da: {  	v3 =	vadd.s32 v1, v3;
	_ =	sdelay $0x1  }
0x4db: {  	s31 =	simm.s32 $0xAC80  }
0x4dc: {  	[tilespmem:s31], [sflag:$0x1] =	stream.indirect_vreg.gather [hbm4b:s3+s2], $0x80, v4, vm0, $0xb8;
	[tilespmem:$0x19480] =	vst v63  }
0x4dd: {  	s0 =	simm.s32 $0xB480  }
0x4de: {  	[tilespmem:s0], [sflag:$0x1] =	stream.indirect_vreg.gather [hbm4b:s3+s2], $0x80, v3, vm0, $0xb8;
	[tilespmem:$0x19480] =	vst v63  }
0x4df: {  	v3 =	vld [tilespmem:$0x6D0];
	_ =	sdelay $0x4  }
0x4e0: {  	v31 =	vshll.u32 v3, $0x1  }
0x4e1: {  	v3 =	vand.u32 $0x7, v3;
	v4 =	vand.u32 $0xFFFFFFF0, v31  }
0x4e2: {  	v3 =	vor.u32 v3, v4  }
0x4e3: {  	v4 =	vperm.xlane v3, v0;
	_ =	sdelay $0x1  }
0x4e4: {  	v3 =	vperm.xlane v3, v2;
	v4 =	vadd.s32 v1, v4;
	_ =	sdelay $0x1  }
0x4e5: {  	v3 =	vadd.s32 v1, v3;
	_ =	sdelay $0x1  }
0x4e6: {  	s31 =	simm.s32 $0xBC80  }
0x4e7: {  	[tilespmem:s31], [sflag:$0x1] =	stream.indirect_vreg.gather [hbm4b:s3+s2], $0x80, v4, vm0, $0xb8;
	[tilespmem:$0x19480] =	vst v63  }
0x4e8: {  	s31 =	simm.s32 $0xC480  }
0x4e9: {  	[tilespmem:s31], [sflag:$0x1] =	stream.indirect_vreg.gather [hbm4b:s3+s2], $0x80, v3, vm0, $0xb8;
	[tilespmem:$0x19480] =	vst v63  }
0x4ea: {  	v3 =	vld [tilespmem:$0x6E0];
	_ =	sdelay $0x4  }
0x4eb: {  	v32 =	vshll.u32 v3, $0x1  }
0x4ec: {  	v3 =	vand.u32 $0x7, v3;
	v4 =	vand.u32 $0xFFFFFFF0, v32  }
0x4ed: {  	v3 =	vor.u32 v3, v4  }
0x4ee: {  	v4 =	vperm.xlane v3, v0;
	_ =	sdelay $0x1  }
0x4ef: {  	v3 =	vperm.xlane v3, v2;
	v4 =	vadd.s32 v1, v4;
	_ =	sdelay $0x1  }
0x4f0: {  	v3 =	vadd.s32 v1, v3;
	_ =	sdelay $0x1  }
0x4f1: {  	s31 =	simm.s32 $0xCC80  }
0x4f2: {  	[tilespmem:s31], [sflag:$0x1] =	stream.indirect_vreg.gather [hbm4b:s3+s2], $0x80, v4, vm0, $0xb8;
	[tilespmem:$0x19480] =	vst v63  }
0x4f3: {  	s26 =	simm.s32 $0xD480  }
0x4f4: {  	[tilespmem:s26], [sflag:$0x1] =	stream.indirect_vreg.gather [hbm4b:s3+s2], $0x80, v3, vm0, $0xb8;
	[tilespmem:$0x19480] =	vst v63  }
0x4f5: {  	v3 =	vld [tilespmem:$0x6F0];
	_ =	sdelay $0x4  }
0x4f6: {  	v33 =	vshll.u32 v3, $0x1  }
0x4f7: {  	v3 =	vand.u32 $0x7, v3;
	v4 =	vand.u32 $0xFFFFFFF0, v33  }
0x4f8: {  	v3 =	vor.u32 v3, v4  }
0x4f9: {  	v4 =	vperm.xlane v3, v0;
	_ =	sdelay $0x1  }
0x4fa: {  	v3 =	vperm.xlane v3, v2;
	v4 =	vadd.s32 v1, v4;
	_ =	sdelay $0x1  }
0x4fb: {  	v3 =	vadd.s32 v1, v3;
	_ =	sdelay $0x1  }
0x4fc: {  	s6 =	simm.s32 $0xDC80  }
0x4fd: {  	[tilespmem:s6], [sflag:$0x1] =	stream.indirect_vreg.gather [hbm4b:s3+s2], $0x80, v4, vm0, $0xb8;
	[tilespmem:$0x19480] =	vst v63  }
0x4fe: {  	s31 =	simm.s32 $0xE480  }
0x4ff: {  	[tilespmem:s31], [sflag:$0x1] =	stream.indirect_vreg.gather [hbm4b:s3+s2], $0x80, v3, vm0, $0xb8;
	[tilespmem:$0x19480] =	vst v63  }
0x500: {  	v3 =	vld [tilespmem:$0x700];
	_ =	sdelay $0x4  }
0x501: {  	v34 =	vshll.u32 v3, $0x1  }
0x502: {  	v3 =	vand.u32 $0x7, v3;
	v4 =	vand.u32 $0xFFFFFFF0, v34  }
0x503: {  	v3 =	vor.u32 v3, v4  }
0x504: {  	v4 =	vperm.xlane v3, v0;
	_ =	sdelay $0x1  }
0x505: {  	v3 =	vperm.xlane v3, v2;
	v4 =	vadd.s32 v1, v4;
	_ =	sdelay $0x1  }
0x506: {  	v3 =	vadd.s32 v1, v3;
	_ =	sdelay $0x1  }
0x507: {  	s25 =	simm.s32 $0xEC80  }
0x508: {  	[tilespmem:s25], [sflag:$0x1] =	stream.indirect_vreg.gather [hbm4b:s3+s2], $0x80, v4, vm0, $0xb8;
	[tilespmem:$0x19480] =	vst v63  }
0x509: {  	s28 =	simm.s32 $0xF480  }
0x50a: {  	[tilespmem:s28], [sflag:$0x1] =	stream.indirect_vreg.gather [hbm4b:s3+s2], $0x80, v3, vm0, $0xb8;
	[tilespmem:$0x19480] =	vst v63  }
0x50b: {  	v3 =	vld [tilespmem:$0x710];
	_ =	sdelay $0x4  }
0x50c: {  	v35 =	vshll.u32 v3, $0x1  }
0x50d: {  	v3 =	vand.u32 $0x7, v3;
	v4 =	vand.u32 $0xFFFFFFF0, v35  }
0x50e: {  	v3 =	vor.u32 v3, v4  }
0x50f: {  	v4 =	vperm.xlane v3, v0;
	_ =	sdelay $0x1  }
0x510: {  	v3 =	vperm.xlane v3, v2;
	v4 =	vadd.s32 v1, v4;
	_ =	sdelay $0x1  }
0x511: {  	v3 =	vadd.s32 v1, v3;
	_ =	sdelay $0x1  }
0x512: {  	s24 =	simm.s32 $0xFC80  }
0x513: {  	[tilespmem:s24], [sflag:$0x1] =	stream.indirect_vreg.gather [hbm4b:s3+s2], $0x80, v4, vm0, $0xb8;
	[tilespmem:$0x19480] =	vst v63  }
0x514: {  	s31 =	simm.s32 $0x10480  }
0x515: {  	[tilespmem:s31], [sflag:$0x1] =	stream.indirect_vreg.gather [hbm4b:s3+s2], $0x80, v3, vm0, $0xb8;
	[tilespmem:$0x19480] =	vst v63  }
0x516: {  	v3 =	vld [tilespmem:$0x720];
	_ =	sdelay $0x4  }
0x517: {  	v36 =	vshll.u32 v3, $0x1  }
0x518: {  	v3 =	vand.u32 $0x7, v3;
	v4 =	vand.u32 $0xFFFFFFF0, v36  }
0x519: {  	v3 =	vor.u32 v3, v4  }
0x51a: {  	v4 =	vperm.xlane v3, v0;
	_ =	sdelay $0x1  }
0x51b: {  	v3 =	vperm.xlane v3, v2;
	v4 =	vadd.s32 v1, v4;
	_ =	sdelay $0x1  }
0x51c: {  	v3 =	vadd.s32 v1, v3;
	_ =	sdelay $0x1  }
0x51d: {  	s1 =	simm.s32 $0x10C80  }
0x51e: {  	[tilespmem:s1], [sflag:$0x1] =	stream.indirect_vreg.gather [hbm4b:s3+s2], $0x80, v4, vm0, $0xb8;
	[tilespmem:$0x19480] =	vst v63  }
0x51f: {  	s31 =	simm.s32 $0x11480  }
0x520: {  	[tilespmem:s31], [sflag:$0x1] =	stream.indirect_vreg.gather [hbm4b:s3+s2], $0x80, v3, vm0, $0xb8;
	[tilespmem:$0x19480] =	vst v63  }
0x521: {  	v3 =	vld [tilespmem:$0x730];
	_ =	sdelay $0x4  }
0x522: {  	v37 =	vshll.u32 v3, $0x1  }
0x523: {  	v3 =	vand.u32 $0x7, v3;
	v4 =	vand.u32 $0xFFFFFFF0, v37  }
0x524: {  	v3 =	vor.u32 v3, v4  }
0x525: {  	v4 =	vperm.xlane v3, v0;
	_ =	sdelay $0x1  }
0x526: {  	v3 =	vperm.xlane v3, v2;
	v4 =	vadd.s32 v1, v4;
	_ =	sdelay $0x1  }
0x527: {  	v3 =	vadd.s32 v1, v3;
	_ =	sdelay $0x1  }
0x528: {  	s4 =	simm.s32 $0x11C80  }
0x529: {  	[tilespmem:s4], [sflag:$0x1] =	stream.indirect_vreg.gather [hbm4b:s3+s2], $0x80, v4, vm0, $0xb8;
	[tilespmem:$0x19480] =	vst v63  }
0x52a: {  	s31 =	simm.s32 $0x12480  }
0x52b: {  	[tilespmem:s31], [sflag:$0x1] =	stream.indirect_vreg.gather [hbm4b:s3+s2], $0x80, v3, vm0, $0xb8;
	[tilespmem:$0x19480] =	vst v63  }
0x52c: {  	v3 =	vld [tilespmem:$0x740];
	_ =	sdelay $0x4  }
0x52d: {  	v38 =	vshll.u32 v3, $0x1  }
0x52e: {  	v3 =	vand.u32 $0x7, v3;
	v4 =	vand.u32 $0xFFFFFFF0, v38  }
0x52f: {  	v3 =	vor.u32 v3, v4  }
0x530: {  	v4 =	vperm.xlane v3, v0;
	_ =	sdelay $0x1  }
0x531: {  	v3 =	vperm.xlane v3, v2;
	v4 =	vadd.s32 v1, v4;
	_ =	sdelay $0x1  }
0x532: {  	v3 =	vadd.s32 v1, v3;
	_ =	sdelay $0x1  }
0x533: {  	s7 =	simm.s32 $0x12C80  }
0x534: {  	[tilespmem:s7], [sflag:$0x1] =	stream.indirect_vreg.gather [hbm4b:s3+s2], $0x80, v4, vm0, $0xb8;
	[tilespmem:$0x19480] =	vst v63  }
0x535: {  	s31 =	simm.s32 $0x13480  }
0x536: {  	[tilespmem:s31], [sflag:$0x1] =	stream.indirect_vreg.gather [hbm4b:s3+s2], $0x80, v3, vm0, $0xb8;
	[tilespmem:$0x19480] =	vst v63  }
0x537: {  	v3 =	vld [tilespmem:$0x750];
	_ =	sdelay $0x4  }
0x538: {  	v39 =	vshll.u32 v3, $0x1  }
0x539: {  	v3 =	vand.u32 $0x7, v3;
	v4 =	vand.u32 $0xFFFFFFF0, v39  }
0x53a: {  	v3 =	vor.u32 v3, v4  }
0x53b: {  	v4 =	vperm.xlane v3, v0;
	_ =	sdelay $0x1  }
0x53c: {  	v3 =	vperm.xlane v3, v2;
	v4 =	vadd.s32 v1, v4;
	_ =	sdelay $0x1  }
0x53d: {  	v3 =	vadd.s32 v1, v3;
	_ =	sdelay $0x1  }
0x53e: {  	s8 =	simm.s32 $0x13C80  }
0x53f: {  	[tilespmem:s8], [sflag:$0x1] =	stream.indirect_vreg.gather [hbm4b:s3+s2], $0x80, v4, vm0, $0xb8;
	[tilespmem:$0x19480] =	vst v63  }
0x540: {  	s31 =	simm.s32 $0x14480  }
0x541: {  	[tilespmem:s31], [sflag:$0x1] =	stream.indirect_vreg.gather [hbm4b:s3+s2], $0x80, v3, vm0, $0xb8;
	[tilespmem:$0x19480] =	vst v63  }
0x542: {  	v3 =	vld [tilespmem:$0x760];
	_ =	sdelay $0x4  }
0x543: {  	v40 =	vshll.u32 v3, $0x1  }
0x544: {  	v3 =	vand.u32 $0x7, v3;
	v4 =	vand.u32 $0xFFFFFFF0, v40  }
0x545: {  	v3 =	vor.u32 v3, v4  }
0x546: {  	v4 =	vperm.xlane v3, v0;
	_ =	sdelay $0x1  }
0x547: {  	v3 =	vperm.xlane v3, v2;
	v4 =	vadd.s32 v1, v4;
	_ =	sdelay $0x1  }
0x548: {  	v3 =	vadd.s32 v1, v3;
	_ =	sdelay $0x1  }
0x549: {  	s9 =	simm.s32 $0x14C80  }
0x54a: {  	[tilespmem:s9], [sflag:$0x1] =	stream.indirect_vreg.gather [hbm4b:s3+s2], $0x80, v4, vm0, $0xb8;
	[tilespmem:$0x19480] =	vst v63  }
0x54b: {  	s31 =	simm.s32 $0x15480  }
0x54c: {  	[tilespmem:s31], [sflag:$0x1] =	stream.indirect_vreg.gather [hbm4b:s3+s2], $0x80, v3, vm0, $0xb8;
	[tilespmem:$0x19480] =	vst v63  }
0x54d: {  	v3 =	vld [tilespmem:$0x770];
	_ =	sdelay $0x4  }
0x54e: {  	v41 =	vshll.u32 v3, $0x1  }
0x54f: {  	v3 =	vand.u32 $0x7, v3;
	v4 =	vand.u32 $0xFFFFFFF0, v41  }
0x550: {  	v3 =	vor.u32 v3, v4  }
0x551: {  	v4 =	vperm.xlane v3, v0;
	_ =	sdelay $0x1  }
0x552: {  	v3 =	vperm.xlane v3, v2;
	v4 =	vadd.s32 v1, v4;
	_ =	sdelay $0x1  }
0x553: {  	v3 =	vadd.s32 v1, v3;
	_ =	sdelay $0x1  }
0x554: {  	s10 =	simm.s32 $0x15C80  }
0x555: {  	[tilespmem:s10], [sflag:$0x1] =	stream.indirect_vreg.gather [hbm4b:s3+s2], $0x80, v4, vm0, $0xb8;
	[tilespmem:$0x19480] =	vst v63  }
0x556: {  	s31 =	simm.s32 $0x16480  }
0x557: {  	[tilespmem:s31], [sflag:$0x1] =	stream.indirect_vreg.gather [hbm4b:s3+s2], $0x80, v3, vm0, $0xb8;
	[tilespmem:$0x19480] =	vst v63  }
0x558: {  	v3 =	vld [tilespmem:$0x780];
	_ =	sdelay $0x4  }
0x559: {  	v42 =	vshll.u32 v3, $0x1  }
0x55a: {  	v3 =	vand.u32 $0x7, v3;
	v4 =	vand.u32 $0xFFFFFFF0, v42  }
0x55b: {  	v3 =	vor.u32 v3, v4  }
0x55c: {  	v4 =	vperm.xlane v3, v0;
	_ =	sdelay $0x1  }
0x55d: {  	v3 =	vperm.xlane v3, v2;
	v4 =	vadd.s32 v1, v4;
	_ =	sdelay $0x1  }
0x55e: {  	v3 =	vadd.s32 v1, v3;
	_ =	sdelay $0x1  }
0x55f: {  	s11 =	simm.s32 $0x16C80  }
0x560: {  	[tilespmem:s11], [sflag:$0x1] =	stream.indirect_vreg.gather [hbm4b:s3+s2], $0x80, v4, vm0, $0xb8;
	[tilespmem:$0x19480] =	vst v63  }
0x561: {  	s31 =	simm.s32 $0x17480  }
0x562: {  	[tilespmem:s31], [sflag:$0x1] =	stream.indirect_vreg.gather [hbm4b:s3+s2], $0x80, v3, vm0, $0xb8;
	[tilespmem:$0x19480] =	vst v63  }
0x563: {  	v3 =	vld [tilespmem:$0x790];
	_ =	sdelay $0x4  }
0x564: {  	v43 =	vshll.u32 v3, $0x1  }
0x565: {  	v3 =	vand.u32 $0x7, v3;
	v4 =	vand.u32 $0xFFFFFFF0, v43  }
0x566: {  	v3 =	vor.u32 v3, v4  }
0x567: {  	v4 =	vperm.xlane v3, v0;
	_ =	sdelay $0x1  }
0x568: {  	v3 =	vperm.xlane v3, v2;
	v4 =	vadd.s32 v1, v4;
	_ =	sdelay $0x1  }
0x569: {  	v3 =	vadd.s32 v1, v3;
	_ =	sdelay $0x1  }
0x56a: {  	s12 =	simm.s32 $0x17C80  }
0x56b: {  	[tilespmem:s12], [sflag:$0x1] =	stream.indirect_vreg.gather [hbm4b:s3+s2], $0x80, v4, vm0, $0xb8;
	[tilespmem:$0x19480] =	vst v63  }
0x56c: {  	s13 =	simm.s32 $0x18480  }
0x56d: {  	[tilespmem:s13], [sflag:$0x1] =	stream.indirect_vreg.gather [hbm4b:s3+s2], $0x80, v3, vm0, $0xb8;
	[tilespmem:$0x19480] =	vst v63  }
0x56e: {  	v3 =	vld.msk [tilespmem:$0x7A0], $0xff;
	_ =	sdelay $0x4  }
0x56f: {  	v44 =	vshll.u32 v3, $0x1  }
0x570: {  	v3 =	vand.u32 $0x7, v3;
	v4 =	vand.u32 $0xFFFFFFF0, v44  }
0x571: {  	v3 =	vor.u32 v3, v4  }
0x572: {  	v3 =	vperm.xlane v3, v0;
	_ =	sdelay $0x1  }
0x573: {  	v3 =	vadd.s32 v1, v3;
	_ =	sdelay $0x3  }
0x574: {  	s14 =	simm.s32 $0x18C80  }
0x575: {  	[tilespmem:s14], [sflag:$0x1] =	stream.indirect_vreg.gather [hbm4b:s3+s2], $0x80, v3, vm0, $0xb8;
	[tilespmem:$0x19480] =	vst v63  }
0x576: {  	_ =	swait.ge [sflag:s30], $0x18800  }
0x577: {  	[sflag:s30] =	ssyncset.done $0x0  }
0x578: {  	s31 =	rddreg [dreg:$0x7];
	[sflag:s30] =	ssyncadd.s32 $0xFFFE7800  }
0x579: {  	[hbm4b:s31+s2] =	stream.linear.scatter [tilespmem:s29], [sflag:$0x2], $0x18800, $0x38;
	[tilespmem:$0x19480] =	vst v63  }
0x57a: {  	_ =	swait.ge [sflag:s5], $0x18800  }
0x57b: {  	[sflag:s5] =	ssyncset.done $0x0  }
0x57c: {  	[sflag:s5] =	ssyncadd.s32 $0xFFFE7800  }
0x57d: {  	v3 =	vld [tilespmem:$0x7A8];
	_ =	sdelay $0x4  }
0x57e: {  	v45 =	vshll.u32 v3, $0x1  }
0x57f: {  	v3 =	vand.u32 $0x7, v3;
	v4 =	vand.u32 $0xFFFFFFF0, v45  }
0x580: {  	v3 =	vor.u32 v3, v4  }
0x581: {  	v4 =	vperm.xlane v3, v0;
	_ =	sdelay $0x1  }
0x582: {  	v3 =	vperm.xlane v3, v2;
	v4 =	vadd.s32 v1, v4;
	_ =	sdelay $0x1  }
0x583: {  	v3 =	vadd.s32 v1, v3;
	_ =	sdelay $0x2  }
0x584: {  	[tilespmem:s29], [sflag:$0x1] =	stream.indirect_vreg.gather [hbm4b:s3+s2], $0x80, v4, vm0, $0xb8;
	[tilespmem:$0x19480] =	vst v63  }
0x585: {  	s31 =	simm.s32 $0x1480  }
0x586: {  	[tilespmem:s31], [sflag:$0x1] =	stream.indirect_vreg.gather [hbm4b:s3+s2], $0x80, v3, vm0, $0xb8;
	[tilespmem:$0x19480] =	vst v63  }
0x587: {  	v3 =	vld [tilespmem:$0x7B8];
	_ =	sdelay $0x4  }
0x588: {  	v46 =	vshll.u32 v3, $0x1  }
0x589: {  	v3 =	vand.u32 $0x7, v3;
	v4 =	vand.u32 $0xFFFFFFF0, v46  }
0x58a: {  	v3 =	vor.u32 v3, v4  }
0x58b: {  	v4 =	vperm.xlane v3, v0;
	_ =	sdelay $0x1  }
0x58c: {  	v3 =	vperm.xlane v3, v2;
	v4 =	vadd.s32 v1, v4;
	_ =	sdelay $0x1  }
0x58d: {  	v3 =	vadd.s32 v1, v3;
	_ =	sdelay $0x1  }
0x58e: {  	s15 =	simm.s32 $0x1C80  }
0x58f: {  	[tilespmem:s15], [sflag:$0x1] =	stream.indirect_vreg.gather [hbm4b:s3+s2], $0x80, v4, vm0, $0xb8;
	[tilespmem:$0x19480] =	vst v63  }
0x590: {  	s31 =	simm.s32 $0x2480  }
0x591: {  	[tilespmem:s31], [sflag:$0x1] =	stream.indirect_vreg.gather [hbm4b:s3+s2], $0x80, v3, vm0, $0xb8;
	[tilespmem:$0x19480] =	vst v63  }
0x592: {  	v3 =	vld [tilespmem:$0x7C8];
	_ =	sdelay $0x4  }
0x593: {  	v47 =	vshll.u32 v3, $0x1  }
0x594: {  	v3 =	vand.u32 $0x7, v3;
	v4 =	vand.u32 $0xFFFFFFF0, v47  }
0x595: {  	v3 =	vor.u32 v3, v4  }
0x596: {  	v4 =	vperm.xlane v3, v0;
	_ =	sdelay $0x1  }
0x597: {  	v3 =	vperm.xlane v3, v2;
	v4 =	vadd.s32 v1, v4;
	_ =	sdelay $0x1  }
0x598: {  	v3 =	vadd.s32 v1, v3;
	_ =	sdelay $0x1  }
0x599: {  	s16 =	simm.s32 $0x2C80  }
0x59a: {  	[tilespmem:s16], [sflag:$0x1] =	stream.indirect_vreg.gather [hbm4b:s3+s2], $0x80, v4, vm0, $0xb8;
	[tilespmem:$0x19480] =	vst v63  }
0x59b: {  	s31 =	simm.s32 $0x3480  }
0x59c: {  	[tilespmem:s31], [sflag:$0x1] =	stream.indirect_vreg.gather [hbm4b:s3+s2], $0x80, v3, vm0, $0xb8;
	[tilespmem:$0x19480] =	vst v63  }
0x59d: {  	v3 =	vld [tilespmem:$0x7D8];
	_ =	sdelay $0x4  }
0x59e: {  	v48 =	vshll.u32 v3, $0x1  }
0x59f: {  	v3 =	vand.u32 $0x7, v3;
	v4 =	vand.u32 $0xFFFFFFF0, v48  }
0x5a0: {  	v3 =	vor.u32 v3, v4  }
0x5a1: {  	v4 =	vperm.xlane v3, v0;
	_ =	sdelay $0x1  }
0x5a2: {  	v3 =	vperm.xlane v3, v2;
	v4 =	vadd.s32 v1, v4;
	_ =	sdelay $0x1  }
0x5a3: {  	v3 =	vadd.s32 v1, v3;
	_ =	sdelay $0x1  }
0x5a4: {  	s17 =	simm.s32 $0x3C80  }
0x5a5: {  	[tilespmem:s17], [sflag:$0x1] =	stream.indirect_vreg.gather [hbm4b:s3+s2], $0x80, v4, vm0, $0xb8;
	[tilespmem:$0x19480] =	vst v63  }
0x5a6: {  	s31 =	simm.s32 $0x4480  }
0x5a7: {  	[tilespmem:s31], [sflag:$0x1] =	stream.indirect_vreg.gather [hbm4b:s3+s2], $0x80, v3, vm0, $0xb8;
	[tilespmem:$0x19480] =	vst v63  }
0x5a8: {  	v3 =	vld [tilespmem:$0x7E8];
	_ =	sdelay $0x4  }
0x5a9: {  	v49 =	vshll.u32 v3, $0x1  }
0x5aa: {  	v3 =	vand.u32 $0x7, v3;
	v4 =	vand.u32 $0xFFFFFFF0, v49  }
0x5ab: {  	v3 =	vor.u32 v3, v4  }
0x5ac: {  	v4 =	vperm.xlane v3, v0;
	_ =	sdelay $0x1  }
0x5ad: {  	v3 =	vperm.xlane v3, v2;
	v4 =	vadd.s32 v1, v4;
	_ =	sdelay $0x1  }
0x5ae: {  	v3 =	vadd.s32 v1, v3;
	_ =	sdelay $0x1  }
0x5af: {  	s18 =	simm.s32 $0x4C80  }
0x5b0: {  	[tilespmem:s18], [sflag:$0x1] =	stream.indirect_vreg.gather [hbm4b:s3+s2], $0x80, v4, vm0, $0xb8;
	[tilespmem:$0x19480] =	vst v63  }
0x5b1: {  	s31 =	simm.s32 $0x5480  }
0x5b2: {  	[tilespmem:s31], [sflag:$0x1] =	stream.indirect_vreg.gather [hbm4b:s3+s2], $0x80, v3, vm0, $0xb8;
	[tilespmem:$0x19480] =	vst v63  }
0x5b3: {  	v3 =	vld [tilespmem:$0x7F8];
	_ =	sdelay $0x4  }
0x5b4: {  	v50 =	vshll.u32 v3, $0x1  }
0x5b5: {  	v3 =	vand.u32 $0x7, v3;
	v4 =	vand.u32 $0xFFFFFFF0, v50  }
0x5b6: {  	v3 =	vor.u32 v3, v4  }
0x5b7: {  	v4 =	vperm.xlane v3, v0;
	_ =	sdelay $0x1  }
0x5b8: {  	v3 =	vperm.xlane v3, v2;
	v4 =	vadd.s32 v1, v4;
	_ =	sdelay $0x1  }
0x5b9: {  	v3 =	vadd.s32 v1, v3;
	_ =	sdelay $0x1  }
0x5ba: {  	s19 =	simm.s32 $0x5C80  }
0x5bb: {  	[tilespmem:s19], [sflag:$0x1] =	stream.indirect_vreg.gather [hbm4b:s3+s2], $0x80, v4, vm0, $0xb8;
	[tilespmem:$0x19480] =	vst v63  }
0x5bc: {  	s31 =	simm.s32 $0x6480  }
0x5bd: {  	[tilespmem:s31], [sflag:$0x1] =	stream.indirect_vreg.gather [hbm4b:s3+s2], $0x80, v3, vm0, $0xb8;
	[tilespmem:$0x19480] =	vst v63  }
0x5be: {  	v3 =	vld [tilespmem:$0x808];
	_ =	sdelay $0x4  }
0x5bf: {  	v51 =	vshll.u32 v3, $0x1  }
0x5c0: {  	v3 =	vand.u32 $0x7, v3;
	v4 =	vand.u32 $0xFFFFFFF0, v51  }
0x5c1: {  	v3 =	vor.u32 v3, v4  }
0x5c2: {  	v4 =	vperm.xlane v3, v0;
	_ =	sdelay $0x1  }
0x5c3: {  	v3 =	vperm.xlane v3, v2;
	v4 =	vadd.s32 v1, v4;
	_ =	sdelay $0x1  }
0x5c4: {  	v3 =	vadd.s32 v1, v3;
	_ =	sdelay $0x1  }
0x5c5: {  	s20 =	simm.s32 $0x6C80  }
0x5c6: {  	[tilespmem:s20], [sflag:$0x1] =	stream.indirect_vreg.gather [hbm4b:s3+s2], $0x80, v4, vm0, $0xb8;
	[tilespmem:$0x19480] =	vst v63  }
0x5c7: {  	s31 =	simm.s32 $0x7480  }
0x5c8: {  	[tilespmem:s31], [sflag:$0x1] =	stream.indirect_vreg.gather [hbm4b:s3+s2], $0x80, v3, vm0, $0xb8;
	[tilespmem:$0x19480] =	vst v63  }
0x5c9: {  	v3 =	vld [tilespmem:$0x818];
	_ =	sdelay $0x4  }
0x5ca: {  	v52 =	vshll.u32 v3, $0x1  }
0x5cb: {  	v3 =	vand.u32 $0x7, v3;
	v4 =	vand.u32 $0xFFFFFFF0, v52  }
0x5cc: {  	v3 =	vor.u32 v3, v4  }
0x5cd: {  	v4 =	vperm.xlane v3, v0;
	_ =	sdelay $0x1  }
0x5ce: {  	v3 =	vperm.xlane v3, v2;
	v4 =	vadd.s32 v1, v4;
	_ =	sdelay $0x1  }
0x5cf: {  	v3 =	vadd.s32 v1, v3;
	_ =	sdelay $0x1  }
0x5d0: {  	s21 =	simm.s32 $0x7C80  }
0x5d1: {  	[tilespmem:s21], [sflag:$0x1] =	stream.indirect_vreg.gather [hbm4b:s3+s2], $0x80, v4, vm0, $0xb8;
	[tilespmem:$0x19480] =	vst v63  }
0x5d2: {  	s31 =	simm.s32 $0x8480  }
0x5d3: {  	[tilespmem:s31], [sflag:$0x1] =	stream.indirect_vreg.gather [hbm4b:s3+s2], $0x80, v3, vm0, $0xb8;
	[tilespmem:$0x19480] =	vst v63  }
0x5d4: {  	v3 =	vld [tilespmem:$0x828];
	_ =	sdelay $0x4  }
0x5d5: {  	v53 =	vshll.u32 v3, $0x1  }
0x5d6: {  	v3 =	vand.u32 $0x7, v3;
	v4 =	vand.u32 $0xFFFFFFF0, v53  }
0x5d7: {  	v3 =	vor.u32 v3, v4  }
0x5d8: {  	v4 =	vperm.xlane v3, v0;
	_ =	sdelay $0x1  }
0x5d9: {  	v3 =	vperm.xlane v3, v2;
	v4 =	vadd.s32 v1, v4;
	_ =	sdelay $0x1  }
0x5da: {  	v3 =	vadd.s32 v1, v3;
	_ =	sdelay $0x1  }
0x5db: {  	s22 =	simm.s32 $0x8C80  }
0x5dc: {  	[tilespmem:s22], [sflag:$0x1] =	stream.indirect_vreg.gather [hbm4b:s3+s2], $0x80, v4, vm0, $0xb8;
	[tilespmem:$0x19480] =	vst v63  }
0x5dd: {  	s31 =	simm.s32 $0x9480  }
0x5de: {  	[tilespmem:s31], [sflag:$0x1] =	stream.indirect_vreg.gather [hbm4b:s3+s2], $0x80, v3, vm0, $0xb8;
	[tilespmem:$0x19480] =	vst v63  }
0x5df: {  	v3 =	vld [tilespmem:$0x838];
	_ =	sdelay $0x4  }
0x5e0: {  	v54 =	vshll.u32 v3, $0x1  }
0x5e1: {  	v3 =	vand.u32 $0x7, v3;
	v4 =	vand.u32 $0xFFFFFFF0, v54  }
0x5e2: {  	v3 =	vor.u32 v3, v4  }
0x5e3: {  	v4 =	vperm.xlane v3, v0;
	_ =	sdelay $0x1  }
0x5e4: {  	v3 =	vperm.xlane v3, v2;
	v4 =	vadd.s32 v1, v4;
	_ =	sdelay $0x1  }
0x5e5: {  	v3 =	vadd.s32 v1, v3;
	_ =	sdelay $0x1  }
0x5e6: {  	s23 =	simm.s32 $0x9C80  }
0x5e7: {  	[tilespmem:s23], [sflag:$0x1] =	stream.indirect_vreg.gather [hbm4b:s3+s2], $0x80, v4, vm0, $0xb8;
	[tilespmem:$0x19480] =	vst v63  }
0x5e8: {  	s31 =	simm.s32 $0xA480  }
0x5e9: {  	[tilespmem:s31], [sflag:$0x1] =	stream.indirect_vreg.gather [hbm4b:s3+s2], $0x80, v3, vm0, $0xb8;
	[tilespmem:$0x19480] =	vst v63  }
0x5ea: {  	v3 =	vld [tilespmem:$0x848];
	_ =	sdelay $0x4  }
0x5eb: {  	v55 =	vshll.u32 v3, $0x1  }
0x5ec: {  	v3 =	vand.u32 $0x7, v3;
	v4 =	vand.u32 $0xFFFFFFF0, v55  }
0x5ed: {  	v3 =	vor.u32 v3, v4  }
0x5ee: {  	v4 =	vperm.xlane v3, v0;
	_ =	sdelay $0x1  }
0x5ef: {  	v3 =	vperm.xlane v3, v2;
	v4 =	vadd.s32 v1, v4;
	_ =	sdelay $0x1  }
0x5f0: {  	v3 =	vadd.s32 v1, v3;
	_ =	sdelay $0x1  }
0x5f1: {  	s31 =	simm.s32 $0xAC80  }
0x5f2: {  	[tilespmem:s31], [sflag:$0x1] =	stream.indirect_vreg.gather [hbm4b:s3+s2], $0x80, v4, vm0, $0xb8;
	[tilespmem:$0x19480] =	vst v63  }
0x5f3: {  	s0 =	simm.s32 $0xB480  }
0x5f4: {  	[tilespmem:s0], [sflag:$0x1] =	stream.indirect_vreg.gather [hbm4b:s3+s2], $0x80, v3, vm0, $0xb8;
	[tilespmem:$0x19480] =	vst v63  }
0x5f5: {  	v3 =	vld [tilespmem:$0x858];
	_ =	sdelay $0x4  }
0x5f6: {  	v56 =	vshll.u32 v3, $0x1  }
0x5f7: {  	v3 =	vand.u32 $0x7, v3;
	v4 =	vand.u32 $0xFFFFFFF0, v56  }
0x5f8: {  	v3 =	vor.u32 v3, v4  }
0x5f9: {  	v4 =	vperm.xlane v3, v0;
	_ =	sdelay $0x1  }
0x5fa: {  	v3 =	vperm.xlane v3, v2;
	v4 =	vadd.s32 v1, v4;
	_ =	sdelay $0x1  }
0x5fb: {  	v3 =	vadd.s32 v1, v3;
	_ =	sdelay $0x1  }
0x5fc: {  	s31 =	simm.s32 $0xBC80  }
0x5fd: {  	[tilespmem:s31], [sflag:$0x1] =	stream.indirect_vreg.gather [hbm4b:s3+s2], $0x80, v4, vm0, $0xb8;
	[tilespmem:$0x19480] =	vst v63  }
0x5fe: {  	s31 =	simm.s32 $0xC480  }
0x5ff: {  	[tilespmem:s31], [sflag:$0x1] =	stream.indirect_vreg.gather [hbm4b:s3+s2], $0x80, v3, vm0, $0xb8;
	[tilespmem:$0x19480] =	vst v63  }
0x600: {  	v3 =	vld [tilespmem:$0x868];
	_ =	sdelay $0x4  }
0x601: {  	v57 =	vshll.u32 v3, $0x1  }
0x602: {  	v3 =	vand.u32 $0x7, v3;
	v4 =	vand.u32 $0xFFFFFFF0, v57  }
0x603: {  	v3 =	vor.u32 v3, v4  }
0x604: {  	v4 =	vperm.xlane v3, v0;
	_ =	sdelay $0x1  }
0x605: {  	v3 =	vperm.xlane v3, v2;
	v4 =	vadd.s32 v1, v4;
	_ =	sdelay $0x1  }
0x606: {  	v3 =	vadd.s32 v1, v3;
	_ =	sdelay $0x1  }
0x607: {  	s31 =	simm.s32 $0xCC80  }
0x608: {  	[tilespmem:s31], [sflag:$0x1] =	stream.indirect_vreg.gather [hbm4b:s3+s2], $0x80, v4, vm0, $0xb8;
	[tilespmem:$0x19480] =	vst v63  }
0x609: {  	s26 =	simm.s32 $0xD480  }
0x60a: {  	[tilespmem:s26], [sflag:$0x1] =	stream.indirect_vreg.gather [hbm4b:s3+s2], $0x80, v3, vm0, $0xb8;
	[tilespmem:$0x19480] =	vst v63  }
0x60b: {  	v3 =	vld [tilespmem:$0x878];
	_ =	sdelay $0x4  }
0x60c: {  	v58 =	vshll.u32 v3, $0x1  }
0x60d: {  	v3 =	vand.u32 $0x7, v3;
	v4 =	vand.u32 $0xFFFFFFF0, v58  }
0x60e: {  	v3 =	vor.u32 v3, v4  }
0x60f: {  	v4 =	vperm.xlane v3, v0;
	_ =	sdelay $0x1  }
0x610: {  	v3 =	vperm.xlane v3, v2;
	v4 =	vadd.s32 v1, v4;
	_ =	sdelay $0x1  }
0x611: {  	v3 =	vadd.s32 v1, v3;
	_ =	sdelay $0x1  }
0x612: {  	s6 =	simm.s32 $0xDC80  }
0x613: {  	[tilespmem:s6], [sflag:$0x1] =	stream.indirect_vreg.gather [hbm4b:s3+s2], $0x80, v4, vm0, $0xb8;
	[tilespmem:$0x19480] =	vst v63  }
0x614: {  	s31 =	simm.s32 $0xE480  }
0x615: {  	[tilespmem:s31], [sflag:$0x1] =	stream.indirect_vreg.gather [hbm4b:s3+s2], $0x80, v3, vm0, $0xb8;
	[tilespmem:$0x19480] =	vst v63  }
0x616: {  	v3 =	vld [tilespmem:$0x888];
	_ =	sdelay $0x4  }
0x617: {  	v59 =	vshll.u32 v3, $0x1  }
0x618: {  	v3 =	vand.u32 $0x7, v3;
	v4 =	vand.u32 $0xFFFFFFF0, v59  }
0x619: {  	v3 =	vor.u32 v3, v4  }
0x61a: {  	v4 =	vperm.xlane v3, v0;
	_ =	sdelay $0x1  }
0x61b: {  	v3 =	vperm.xlane v3, v2;
	v4 =	vadd.s32 v1, v4;
	_ =	sdelay $0x1  }
0x61c: {  	v3 =	vadd.s32 v1, v3;
	_ =	sdelay $0x1  }
0x61d: {  	s25 =	simm.s32 $0xEC80  }
0x61e: {  	[tilespmem:s25], [sflag:$0x1] =	stream.indirect_vreg.gather [hbm4b:s3+s2], $0x80, v4, vm0, $0xb8;
	[tilespmem:$0x19480] =	vst v63  }
0x61f: {  	s28 =	simm.s32 $0xF480  }
0x620: {  	[tilespmem:s28], [sflag:$0x1] =	stream.indirect_vreg.gather [hbm4b:s3+s2], $0x80, v3, vm0, $0xb8;
	[tilespmem:$0x19480] =	vst v63  }
0x621: {  	v3 =	vld [tilespmem:$0x898];
	_ =	sdelay $0x4  }
0x622: {  	v60 =	vshll.u32 v3, $0x1  }
0x623: {  	v3 =	vand.u32 $0x7, v3;
	v4 =	vand.u32 $0xFFFFFFF0, v60  }
0x624: {  	v3 =	vor.u32 v3, v4  }
0x625: {  	v4 =	vperm.xlane v3, v0;
	_ =	sdelay $0x1  }
0x626: {  	v3 =	vperm.xlane v3, v2;
	v4 =	vadd.s32 v1, v4;
	_ =	sdelay $0x1  }
0x627: {  	v3 =	vadd.s32 v1, v3;
	_ =	sdelay $0x1  }
0x628: {  	s24 =	simm.s32 $0xFC80  }
0x629: {  	[tilespmem:s24], [sflag:$0x1] =	stream.indirect_vreg.gather [hbm4b:s3+s2], $0x80, v4, vm0, $0xb8;
	[tilespmem:$0x19480] =	vst v63  }
0x62a: {  	s28 =	simm.s32 $0x10480  }
0x62b: {  	[tilespmem:s28], [sflag:$0x1] =	stream.indirect_vreg.gather [hbm4b:s3+s2], $0x80, v3, vm0, $0xb8;
	[tilespmem:$0x19480] =	vst v63  }
0x62c: {  	v3 =	vld [tilespmem:$0x8A8];
	_ =	sdelay $0x4  }
0x62d: {  	v61 =	vshll.u32 v3, $0x1  }
0x62e: {  	v3 =	vand.u32 $0x7, v3;
	v4 =	vand.u32 $0xFFFFFFF0, v61  }
0x62f: {  	v3 =	vor.u32 v3, v4  }
0x630: {  	v4 =	vperm.xlane v3, v0;
	_ =	sdelay $0x1  }
0x631: {  	v3 =	vperm.xlane v3, v2;
	v4 =	vadd.s32 v1, v4;
	_ =	sdelay $0x1  }
0x632: {  	v3 =	vadd.s32 v1, v3;
	_ =	sdelay $0x1  }
0x633: {  	s1 =	simm.s32 $0x10C80  }
0x634: {  	[tilespmem:s1], [sflag:$0x1] =	stream.indirect_vreg.gather [hbm4b:s3+s2], $0x80, v4, vm0, $0xb8;
	[tilespmem:$0x19480] =	vst v63  }
0x635: {  	s31 =	simm.s32 $0x11480  }
0x636: {  	[tilespmem:s31], [sflag:$0x1] =	stream.indirect_vreg.gather [hbm4b:s3+s2], $0x80, v3, vm0, $0xb8;
	[tilespmem:$0x19480] =	vst v63  }
0x637: {  	v3 =	vld [tilespmem:$0x8B8];
	_ =	sdelay $0x4  }
0x638: {  	v62 =	vshll.u32 v3, $0x1  }
0x639: {  	v3 =	vand.u32 $0x7, v3;
	v4 =	vand.u32 $0xFFFFFFF0, v62  }
0x63a: {  	v3 =	vor.u32 v3, v4  }
0x63b: {  	v4 =	vperm.xlane v3, v0;
	_ =	sdelay $0x1  }
0x63c: {  	v3 =	vperm.xlane v3, v2;
	v4 =	vadd.s32 v1, v4;
	_ =	sdelay $0x1  }
0x63d: {  	v3 =	vadd.s32 v1, v3;
	_ =	sdelay $0x1  }
0x63e: {  	s4 =	simm.s32 $0x11C80  }
0x63f: {  	[tilespmem:s4], [sflag:$0x1] =	stream.indirect_vreg.gather [hbm4b:s3+s2], $0x80, v4, vm0, $0xb8;
	[tilespmem:$0x19480] =	vst v63  }
0x640: {  	s26 =	simm.s32 $0x12480  }
0x641: {  	[tilespmem:s26], [sflag:$0x1] =	stream.indirect_vreg.gather [hbm4b:s3+s2], $0x80, v3, vm0, $0xb8;
	[tilespmem:$0x19480] =	vst v63  }
0x642: {  	v3 =	vld [tilespmem:$0x8C8];
	_ =	sdelay $0x4  }
0x643: {  	v63 =	vshll.u32 v3, $0x1  }
0x644: {  	v3 =	vand.u32 $0x7, v3;
	v4 =	vand.u32 $0xFFFFFFF0, v63  }
0x645: {  	v3 =	vor.u32 v3, v4  }
0x646: {  	v4 =	vperm.xlane v3, v0;
	_ =	sdelay $0x1  }
0x647: {  	v3 =	vperm.xlane v3, v2;
	v4 =	vadd.s32 v1, v4;
	_ =	sdelay $0x1  }
0x648: {  	v3 =	vadd.s32 v1, v3;
	_ =	sdelay $0x1  }
0x649: {  	s7 =	simm.s32 $0x12C80  }
0x64a: {  	[tilespmem:s7], [sflag:$0x1] =	stream.indirect_vreg.gather [hbm4b:s3+s2], $0x80, v4, vm0, $0xb8;
	[tilespmem:$0x19480] =	vst v63  }
0x64b: {  	s28 =	simm.s32 $0x13480  }
0x64c: {  	[tilespmem:s28], [sflag:$0x1] =	stream.indirect_vreg.gather [hbm4b:s3+s2], $0x80, v3, vm0, $0xb8;
	[tilespmem:$0x19480] =	vst v63  }
0x64d: {  	v3 =	vld [tilespmem:$0x8D8];
	_ =	sdelay $0x4  }
0x64e: {  	v8 =	vshll.u32 v3, $0x1  }
0x64f: {  	v3 =	vand.u32 $0x7, v3;
	v4 =	vand.u32 $0xFFFFFFF0, v8  }
0x650: {  	v3 =	vor.u32 v3, v4  }
0x651: {  	v4 =	vperm.xlane v3, v0;
	_ =	sdelay $0x1  }
0x652: {  	v3 =	vperm.xlane v3, v2;
	v4 =	vadd.s32 v1, v4;
	_ =	sdelay $0x1  }
0x653: {  	v3 =	vadd.s32 v1, v3;
	_ =	sdelay $0x1  }
0x654: {  	s8 =	simm.s32 $0x13C80  }
0x655: {  	[tilespmem:s8], [sflag:$0x1] =	stream.indirect_vreg.gather [hbm4b:s3+s2], $0x80, v4, vm0, $0xb8;
	[tilespmem:$0x19480] =	vst v63  }
0x656: {  	s31 =	simm.s32 $0x14480  }
0x657: {  	[tilespmem:s31], [sflag:$0x1] =	stream.indirect_vreg.gather [hbm4b:s3+s2], $0x80, v3, vm0, $0xb8;
	[tilespmem:$0x19480] =	vst v63  }
0x658: {  	v3 =	vld [tilespmem:$0x8E8];
	_ =	sdelay $0x4  }
0x659: {  	v9 =	vshll.u32 v3, $0x1  }
0x65a: {  	v3 =	vand.u32 $0x7, v3;
	v4 =	vand.u32 $0xFFFFFFF0, v9  }
0x65b: {  	v3 =	vor.u32 v3, v4  }
0x65c: {  	v4 =	vperm.xlane v3, v0;
	_ =	sdelay $0x1  }
0x65d: {  	v3 =	vperm.xlane v3, v2;
	v4 =	vadd.s32 v1, v4;
	_ =	sdelay $0x1  }
0x65e: {  	v3 =	vadd.s32 v1, v3;
	_ =	sdelay $0x1  }
0x65f: {  	s9 =	simm.s32 $0x14C80  }
0x660: {  	[tilespmem:s9], [sflag:$0x1] =	stream.indirect_vreg.gather [hbm4b:s3+s2], $0x80, v4, vm0, $0xb8;
	[tilespmem:$0x19480] =	vst v63  }
0x661: {  	s26 =	simm.s32 $0x15480  }
0x662: {  	[tilespmem:s26], [sflag:$0x1] =	stream.indirect_vreg.gather [hbm4b:s3+s2], $0x80, v3, vm0, $0xb8;
	[tilespmem:$0x19480] =	vst v63  }
0x663: {  	v3 =	vld [tilespmem:$0x8F8];
	_ =	sdelay $0x4  }
0x664: {  	v10 =	vshll.u32 v3, $0x1  }
0x665: {  	v3 =	vand.u32 $0x7, v3;
	v4 =	vand.u32 $0xFFFFFFF0, v10  }
0x666: {  	v3 =	vor.u32 v3, v4  }
0x667: {  	v4 =	vperm.xlane v3, v0;
	_ =	sdelay $0x1  }
0x668: {  	v3 =	vperm.xlane v3, v2;
	v4 =	vadd.s32 v1, v4;
	_ =	sdelay $0x1  }
0x669: {  	v3 =	vadd.s32 v1, v3;
	_ =	sdelay $0x1  }
0x66a: {  	s10 =	simm.s32 $0x15C80  }
0x66b: {  	[tilespmem:s10], [sflag:$0x1] =	stream.indirect_vreg.gather [hbm4b:s3+s2], $0x80, v4, vm0, $0xb8;
	[tilespmem:$0x19480] =	vst v63  }
0x66c: {  	s28 =	simm.s32 $0x16480  }
0x66d: {  	[tilespmem:s28], [sflag:$0x1] =	stream.indirect_vreg.gather [hbm4b:s3+s2], $0x80, v3, vm0, $0xb8;
	[tilespmem:$0x19480] =	vst v63  }
0x66e: {  	v3 =	vld [tilespmem:$0x908];
	_ =	sdelay $0x4  }
0x66f: {  	v11 =	vshll.u32 v3, $0x1  }
0x670: {  	v3 =	vand.u32 $0x7, v3;
	v4 =	vand.u32 $0xFFFFFFF0, v11  }
0x671: {  	v3 =	vor.u32 v3, v4  }
0x672: {  	v4 =	vperm.xlane v3, v0;
	_ =	sdelay $0x1  }
0x673: {  	v3 =	vperm.xlane v3, v2;
	v4 =	vadd.s32 v1, v4;
	_ =	sdelay $0x1  }
0x674: {  	v3 =	vadd.s32 v1, v3;
	_ =	sdelay $0x1  }
0x675: {  	s11 =	simm.s32 $0x16C80  }
0x676: {  	[tilespmem:s11], [sflag:$0x1] =	stream.indirect_vreg.gather [hbm4b:s3+s2], $0x80, v4, vm0, $0xb8;
	[tilespmem:$0x19480] =	vst v63  }
0x677: {  	s31 =	simm.s32 $0x17480  }
0x678: {  	[tilespmem:s31], [sflag:$0x1] =	stream.indirect_vreg.gather [hbm4b:s3+s2], $0x80, v3, vm0, $0xb8;
	[tilespmem:$0x19480] =	vst v63  }
0x679: {  	v3 =	vld [tilespmem:$0x918];
	_ =	sdelay $0x4  }
0x67a: {  	v12 =	vshll.u32 v3, $0x1  }
0x67b: {  	v3 =	vand.u32 $0x7, v3;
	v4 =	vand.u32 $0xFFFFFFF0, v12  }
0x67c: {  	v3 =	vor.u32 v3, v4  }
0x67d: {  	v4 =	vperm.xlane v3, v0;
	_ =	sdelay $0x1  }
0x67e: {  	v3 =	vperm.xlane v3, v2;
	v4 =	vadd.s32 v1, v4;
	_ =	sdelay $0x1  }
0x67f: {  	v3 =	vadd.s32 v1, v3;
	_ =	sdelay $0x1  }
0x680: {  	s12 =	simm.s32 $0x17C80  }
0x681: {  	[tilespmem:s12], [sflag:$0x1] =	stream.indirect_vreg.gather [hbm4b:s3+s2], $0x80, v4, vm0, $0xb8;
	[tilespmem:$0x19480] =	vst v63  }
0x682: {  	s13 =	simm.s32 $0x18480  }
0x683: {  	[tilespmem:s13], [sflag:$0x1] =	stream.indirect_vreg.gather [hbm4b:s3+s2], $0x80, v3, vm0, $0xb8;
	[tilespmem:$0x19480] =	vst v63  }
0x684: {  	v3 =	vld.msk [tilespmem:$0x928], $0xff;
	_ =	sdelay $0x4  }
0x685: {  	v13 =	vshll.u32 v3, $0x1  }
0x686: {  	v3 =	vand.u32 $0x7, v3;
	v4 =	vand.u32 $0xFFFFFFF0, v13  }
0x687: {  	v3 =	vor.u32 v3, v4  }
0x688: {  	v3 =	vperm.xlane v3, v0;
	_ =	sdelay $0x1  }
0x689: {  	v3 =	vadd.s32 v1, v3;
	_ =	sdelay $0x3  }
0x68a: {  	s14 =	simm.s32 $0x18C80  }
0x68b: {  	[tilespmem:s14], [sflag:$0x1] =	stream.indirect_vreg.gather [hbm4b:s3+s2], $0x80, v3, vm0, $0xb8;
	[tilespmem:$0x19480] =	vst v63  }
0x68c: {  	_ =	swait.ge [sflag:s30], $0x18800  }
0x68d: {  	[sflag:s30] =	ssyncset.done $0x0  }
0x68e: {  	s13 =	rddreg [dreg:$0x8];
	[sflag:s30] =	ssyncadd.s32 $0xFFFE7800  }
0x68f: {  	[hbm4b:s13+s2] =	stream.linear.scatter [tilespmem:s29], [sflag:$0x2], $0x18800, $0x38;
	[tilespmem:$0x19480] =	vst v63  }
0x690: {  	_ =	swait.ge [sflag:s5], $0x18800  }
0x691: {  	[sflag:s5] =	ssyncset.done $0x0  }
0x692: {  	[sflag:s5] =	ssyncadd.s32 $0xFFFE7800  }
0x693: {  	v3 =	vld [tilespmem:$0x930];
	_ =	sdelay $0x4  }
0x694: {  	v14 =	vshll.u32 v3, $0x1  }
0x695: {  	v3 =	vand.u32 $0x7, v3;
	v4 =	vand.u32 $0xFFFFFFF0, v14  }
0x696: {  	v3 =	vor.u32 v3, v4  }
0x697: {  	v4 =	vperm.xlane v3, v0;
	_ =	sdelay $0x1  }
0x698: {  	v3 =	vperm.xlane v3, v2;
	v4 =	vadd.s32 v1, v4;
	_ =	sdelay $0x1  }
0x699: {  	v3 =	vadd.s32 v1, v3;
	_ =	sdelay $0x2  }
0x69a: {  	[tilespmem:s29], [sflag:$0x1] =	stream.indirect_vreg.gather [hbm4b:s3+s2], $0x80, v4, vm0, $0xb8;
	[tilespmem:$0x19480] =	vst v63  }
0x69b: {  	s14 =	simm.s32 $0x1480  }
0x69c: {  	[tilespmem:s14], [sflag:$0x1] =	stream.indirect_vreg.gather [hbm4b:s3+s2], $0x80, v3, vm0, $0xb8;
	[tilespmem:$0x19480] =	vst v63  }
0x69d: {  	v3 =	vld [tilespmem:$0x940];
	_ =	sdelay $0x4  }
0x69e: {  	v15 =	vshll.u32 v3, $0x1  }
0x69f: {  	v3 =	vand.u32 $0x7, v3;
	v4 =	vand.u32 $0xFFFFFFF0, v15  }
0x6a0: {  	v3 =	vor.u32 v3, v4  }
0x6a1: {  	v4 =	vperm.xlane v3, v0;
	_ =	sdelay $0x1  }
0x6a2: {  	v3 =	vperm.xlane v3, v2;
	v4 =	vadd.s32 v1, v4;
	_ =	sdelay $0x1  }
0x6a3: {  	v3 =	vadd.s32 v1, v3;
	_ =	sdelay $0x1  }
0x6a4: {  	s15 =	simm.s32 $0x1C80  }
0x6a5: {  	[tilespmem:s15], [sflag:$0x1] =	stream.indirect_vreg.gather [hbm4b:s3+s2], $0x80, v4, vm0, $0xb8;
	[tilespmem:$0x19480] =	vst v63  }
0x6a6: {  	s15 =	simm.s32 $0x2480  }
0x6a7: {  	[tilespmem:s15], [sflag:$0x1] =	stream.indirect_vreg.gather [hbm4b:s3+s2], $0x80, v3, vm0, $0xb8;
	[tilespmem:$0x19480] =	vst v63  }
0x6a8: {  	v3 =	vld [tilespmem:$0x950];
	_ =	sdelay $0x4  }
0x6a9: {  	v16 =	vshll.u32 v3, $0x1  }
0x6aa: {  	v3 =	vand.u32 $0x7, v3;
	v4 =	vand.u32 $0xFFFFFFF0, v16  }
0x6ab: {  	v3 =	vor.u32 v3, v4  }
0x6ac: {  	v4 =	vperm.xlane v3, v0;
	_ =	sdelay $0x1  }
0x6ad: {  	v3 =	vperm.xlane v3, v2;
	v4 =	vadd.s32 v1, v4;
	_ =	sdelay $0x1  }
0x6ae: {  	v3 =	vadd.s32 v1, v3;
	_ =	sdelay $0x1  }
0x6af: {  	s16 =	simm.s32 $0x2C80  }
0x6b0: {  	[tilespmem:s16], [sflag:$0x1] =	stream.indirect_vreg.gather [hbm4b:s3+s2], $0x80, v4, vm0, $0xb8;
	[tilespmem:$0x19480] =	vst v63  }
0x6b1: {  	s16 =	simm.s32 $0x3480  }
0x6b2: {  	[tilespmem:s16], [sflag:$0x1] =	stream.indirect_vreg.gather [hbm4b:s3+s2], $0x80, v3, vm0, $0xb8;
	[tilespmem:$0x19480] =	vst v63  }
0x6b3: {  	v3 =	vld [tilespmem:$0x960];
	_ =	sdelay $0x4  }
0x6b4: {  	v17 =	vshll.u32 v3, $0x1  }
0x6b5: {  	v3 =	vand.u32 $0x7, v3;
	v4 =	vand.u32 $0xFFFFFFF0, v17  }
0x6b6: {  	v3 =	vor.u32 v3, v4  }
0x6b7: {  	v4 =	vperm.xlane v3, v0;
	_ =	sdelay $0x1  }
0x6b8: {  	v3 =	vperm.xlane v3, v2;
	v4 =	vadd.s32 v1, v4;
	_ =	sdelay $0x1  }
0x6b9: {  	v3 =	vadd.s32 v1, v3;
	_ =	sdelay $0x1  }
0x6ba: {  	s17 =	simm.s32 $0x3C80  }
0x6bb: {  	[tilespmem:s17], [sflag:$0x1] =	stream.indirect_vreg.gather [hbm4b:s3+s2], $0x80, v4, vm0, $0xb8;
	[tilespmem:$0x19480] =	vst v63  }
0x6bc: {  	s17 =	simm.s32 $0x4480  }
0x6bd: {  	[tilespmem:s17], [sflag:$0x1] =	stream.indirect_vreg.gather [hbm4b:s3+s2], $0x80, v3, vm0, $0xb8;
	[tilespmem:$0x19480] =	vst v63  }
0x6be: {  	v3 =	vld [tilespmem:$0x970];
	_ =	sdelay $0x4  }
0x6bf: {  	v18 =	vshll.u32 v3, $0x1  }
0x6c0: {  	v3 =	vand.u32 $0x7, v3;
	v4 =	vand.u32 $0xFFFFFFF0, v18  }
0x6c1: {  	v3 =	vor.u32 v3, v4  }
0x6c2: {  	v4 =	vperm.xlane v3, v0;
	_ =	sdelay $0x1  }
0x6c3: {  	v3 =	vperm.xlane v3, v2;
	v4 =	vadd.s32 v1, v4;
	_ =	sdelay $0x1  }
0x6c4: {  	v3 =	vadd.s32 v1, v3;
	_ =	sdelay $0x1  }
0x6c5: {  	s18 =	simm.s32 $0x4C80  }
0x6c6: {  	[tilespmem:s18], [sflag:$0x1] =	stream.indirect_vreg.gather [hbm4b:s3+s2], $0x80, v4, vm0, $0xb8;
	[tilespmem:$0x19480] =	vst v63  }
0x6c7: {  	s18 =	simm.s32 $0x5480  }
0x6c8: {  	[tilespmem:s18], [sflag:$0x1] =	stream.indirect_vreg.gather [hbm4b:s3+s2], $0x80, v3, vm0, $0xb8;
	[tilespmem:$0x19480] =	vst v63  }
0x6c9: {  	v3 =	vld [tilespmem:$0x980];
	_ =	sdelay $0x4  }
0x6ca: {  	v19 =	vshll.u32 v3, $0x1  }
0x6cb: {  	v3 =	vand.u32 $0x7, v3;
	v4 =	vand.u32 $0xFFFFFFF0, v19  }
0x6cc: {  	v3 =	vor.u32 v3, v4  }
0x6cd: {  	v4 =	vperm.xlane v3, v0;
	_ =	sdelay $0x1  }
0x6ce: {  	v3 =	vperm.xlane v3, v2;
	v4 =	vadd.s32 v1, v4;
	_ =	sdelay $0x1  }
0x6cf: {  	v3 =	vadd.s32 v1, v3;
	_ =	sdelay $0x1  }
0x6d0: {  	s19 =	simm.s32 $0x5C80  }
0x6d1: {  	[tilespmem:s19], [sflag:$0x1] =	stream.indirect_vreg.gather [hbm4b:s3+s2], $0x80, v4, vm0, $0xb8;
	[tilespmem:$0x19480] =	vst v63  }
0x6d2: {  	s19 =	simm.s32 $0x6480  }
0x6d3: {  	[tilespmem:s19], [sflag:$0x1] =	stream.indirect_vreg.gather [hbm4b:s3+s2], $0x80, v3, vm0, $0xb8;
	[tilespmem:$0x19480] =	vst v63  }
0x6d4: {  	v3 =	vld [tilespmem:$0x990];
	_ =	sdelay $0x4  }
0x6d5: {  	v20 =	vshll.u32 v3, $0x1  }
0x6d6: {  	v3 =	vand.u32 $0x7, v3;
	v4 =	vand.u32 $0xFFFFFFF0, v20  }
0x6d7: {  	v3 =	vor.u32 v3, v4  }
0x6d8: {  	v4 =	vperm.xlane v3, v0;
	_ =	sdelay $0x1  }
0x6d9: {  	v3 =	vperm.xlane v3, v2;
	v4 =	vadd.s32 v1, v4;
	_ =	sdelay $0x1  }
0x6da: {  	v3 =	vadd.s32 v1, v3;
	_ =	sdelay $0x1  }
0x6db: {  	s20 =	simm.s32 $0x6C80  }
0x6dc: {  	[tilespmem:s20], [sflag:$0x1] =	stream.indirect_vreg.gather [hbm4b:s3+s2], $0x80, v4, vm0, $0xb8;
	[tilespmem:$0x19480] =	vst v63  }
0x6dd: {  	s26 =	simm.s32 $0x7480  }
0x6de: {  	[tilespmem:s26], [sflag:$0x1] =	stream.indirect_vreg.gather [hbm4b:s3+s2], $0x80, v3, vm0, $0xb8;
	[tilespmem:$0x19480] =	vst v63  }
0x6df: {  	v3 =	vld [tilespmem:$0x9A0];
	_ =	sdelay $0x4  }
0x6e0: {  	v21 =	vshll.u32 v3, $0x1  }
0x6e1: {  	v3 =	vand.u32 $0x7, v3;
	v4 =	vand.u32 $0xFFFFFFF0, v21  }
0x6e2: {  	v3 =	vor.u32 v3, v4  }
0x6e3: {  	v4 =	vperm.xlane v3, v0;
	_ =	sdelay $0x1  }
0x6e4: {  	v3 =	vperm.xlane v3, v2;
	v4 =	vadd.s32 v1, v4;
	_ =	sdelay $0x1  }
0x6e5: {  	v3 =	vadd.s32 v1, v3;
	_ =	sdelay $0x1  }
0x6e6: {  	s21 =	simm.s32 $0x7C80  }
0x6e7: {  	[tilespmem:s21], [sflag:$0x1] =	stream.indirect_vreg.gather [hbm4b:s3+s2], $0x80, v4, vm0, $0xb8;
	[tilespmem:$0x19480] =	vst v63  }
0x6e8: {  	s28 =	simm.s32 $0x8480  }
0x6e9: {  	[tilespmem:s28], [sflag:$0x1] =	stream.indirect_vreg.gather [hbm4b:s3+s2], $0x80, v3, vm0, $0xb8;
	[tilespmem:$0x19480] =	vst v63  }
0x6ea: {  	v3 =	vld [tilespmem:$0x9B0];
	_ =	sdelay $0x4  }
0x6eb: {  	v22 =	vshll.u32 v3, $0x1  }
0x6ec: {  	v3 =	vand.u32 $0x7, v3;
	v4 =	vand.u32 $0xFFFFFFF0, v22  }
0x6ed: {  	v3 =	vor.u32 v3, v4  }
0x6ee: {  	v4 =	vperm.xlane v3, v0;
	_ =	sdelay $0x1  }
0x6ef: {  	v3 =	vperm.xlane v3, v2;
	v4 =	vadd.s32 v1, v4;
	_ =	sdelay $0x1  }
0x6f0: {  	v3 =	vadd.s32 v1, v3;
	_ =	sdelay $0x1  }
0x6f1: {  	s22 =	simm.s32 $0x8C80  }
0x6f2: {  	[tilespmem:s22], [sflag:$0x1] =	stream.indirect_vreg.gather [hbm4b:s3+s2], $0x80, v4, vm0, $0xb8;
	[tilespmem:$0x19480] =	vst v63  }
0x6f3: {  	s31 =	simm.s32 $0x9480  }
0x6f4: {  	[tilespmem:s31], [sflag:$0x1] =	stream.indirect_vreg.gather [hbm4b:s3+s2], $0x80, v3, vm0, $0xb8;
	[tilespmem:$0x19480] =	vst v63  }
0x6f5: {  	v3 =	vld [tilespmem:$0x9C0];
	_ =	sdelay $0x4  }
0x6f6: {  	v23 =	vshll.u32 v3, $0x1  }
0x6f7: {  	v3 =	vand.u32 $0x7, v3;
	v4 =	vand.u32 $0xFFFFFFF0, v23  }
0x6f8: {  	v3 =	vor.u32 v3, v4  }
0x6f9: {  	v4 =	vperm.xlane v3, v0;
	_ =	sdelay $0x1  }
0x6fa: {  	v3 =	vperm.xlane v3, v2;
	v4 =	vadd.s32 v1, v4;
	_ =	sdelay $0x1  }
0x6fb: {  	v3 =	vadd.s32 v1, v3;
	_ =	sdelay $0x1  }
0x6fc: {  	s23 =	simm.s32 $0x9C80  }
0x6fd: {  	[tilespmem:s23], [sflag:$0x1] =	stream.indirect_vreg.gather [hbm4b:s3+s2], $0x80, v4, vm0, $0xb8;
	[tilespmem:$0x19480] =	vst v63  }
0x6fe: {  	s13 =	simm.s32 $0xA480  }
0x6ff: {  	[tilespmem:s13], [sflag:$0x1] =	stream.indirect_vreg.gather [hbm4b:s3+s2], $0x80, v3, vm0, $0xb8;
	[tilespmem:$0x19480] =	vst v63  }
0x700: {  	v3 =	vld [tilespmem:$0x9D0];
	_ =	sdelay $0x4  }
0x701: {  	v24 =	vshll.u32 v3, $0x1  }
0x702: {  	v3 =	vand.u32 $0x7, v3;
	v4 =	vand.u32 $0xFFFFFFF0, v24  }
0x703: {  	v3 =	vor.u32 v3, v4  }
0x704: {  	v4 =	vperm.xlane v3, v0;
	_ =	sdelay $0x1  }
0x705: {  	v3 =	vperm.xlane v3, v2;
	v4 =	vadd.s32 v1, v4;
	_ =	sdelay $0x1  }
0x706: {  	v3 =	vadd.s32 v1, v3;
	_ =	sdelay $0x1  }
0x707: {  	s23 =	simm.s32 $0xAC80  }
0x708: {  	[tilespmem:s23], [sflag:$0x1] =	stream.indirect_vreg.gather [hbm4b:s3+s2], $0x80, v4, vm0, $0xb8;
	[tilespmem:$0x19480] =	vst v63  }
0x709: {  	s0 =	simm.s32 $0xB480  }
0x70a: {  	[tilespmem:s0], [sflag:$0x1] =	stream.indirect_vreg.gather [hbm4b:s3+s2], $0x80, v3, vm0, $0xb8;
	[tilespmem:$0x19480] =	vst v63  }
0x70b: {  	v3 =	vld [tilespmem:$0x9E0];
	_ =	sdelay $0x4  }
0x70c: {  	v25 =	vshll.u32 v3, $0x1  }
0x70d: {  	v3 =	vand.u32 $0x7, v3;
	v4 =	vand.u32 $0xFFFFFFF0, v25  }
0x70e: {  	v3 =	vor.u32 v3, v4  }
0x70f: {  	v4 =	vperm.xlane v3, v0;
	_ =	sdelay $0x1  }
0x710: {  	v3 =	vperm.xlane v3, v2;
	v4 =	vadd.s32 v1, v4;
	_ =	sdelay $0x1  }
0x711: {  	v3 =	vadd.s32 v1, v3;
	_ =	sdelay $0x1  }
0x712: {  	s26 =	simm.s32 $0xBC80  }
0x713: {  	[tilespmem:s26], [sflag:$0x1] =	stream.indirect_vreg.gather [hbm4b:s3+s2], $0x80, v4, vm0, $0xb8;
	[tilespmem:$0x19480] =	vst v63  }
0x714: {  	s28 =	simm.s32 $0xC480  }
0x715: {  	[tilespmem:s28], [sflag:$0x1] =	stream.indirect_vreg.gather [hbm4b:s3+s2], $0x80, v3, vm0, $0xb8;
	[tilespmem:$0x19480] =	vst v63  }
0x716: {  	v3 =	vld [tilespmem:$0x9F0];
	_ =	sdelay $0x4  }
0x717: {  	v26 =	vshll.u32 v3, $0x1  }
0x718: {  	v3 =	vand.u32 $0x7, v3;
	v4 =	vand.u32 $0xFFFFFFF0, v26  }
0x719: {  	v3 =	vor.u32 v3, v4  }
0x71a: {  	v4 =	vperm.xlane v3, v0;
	_ =	sdelay $0x1  }
0x71b: {  	v3 =	vperm.xlane v3, v2;
	v4 =	vadd.s32 v1, v4;
	_ =	sdelay $0x1  }
0x71c: {  	v3 =	vadd.s32 v1, v3;
	_ =	sdelay $0x1  }
0x71d: {  	s31 =	simm.s32 $0xCC80  }
0x71e: {  	[tilespmem:s31], [sflag:$0x1] =	stream.indirect_vreg.gather [hbm4b:s3+s2], $0x80, v4, vm0, $0xb8;
	[tilespmem:$0x19480] =	vst v63  }
0x71f: {  	s28 =	simm.s32 $0xD480  }
0x720: {  	[tilespmem:s28], [sflag:$0x1] =	stream.indirect_vreg.gather [hbm4b:s3+s2], $0x80, v3, vm0, $0xb8;
	[tilespmem:$0x19480] =	vst v63  }
0x721: {  	v3 =	vld [tilespmem:$0xA00];
	_ =	sdelay $0x4  }
0x722: {  	v27 =	vshll.u32 v3, $0x1  }
0x723: {  	v3 =	vand.u32 $0x7, v3;
	v4 =	vand.u32 $0xFFFFFFF0, v27  }
0x724: {  	v3 =	vor.u32 v3, v4  }
0x725: {  	v4 =	vperm.xlane v3, v0;
	_ =	sdelay $0x1  }
0x726: {  	v3 =	vperm.xlane v3, v2;
	v4 =	vadd.s32 v1, v4;
	_ =	sdelay $0x1  }
0x727: {  	v3 =	vadd.s32 v1, v3;
	_ =	sdelay $0x1  }
0x728: {  	s6 =	simm.s32 $0xDC80  }
0x729: {  	[tilespmem:s6], [sflag:$0x1] =	stream.indirect_vreg.gather [hbm4b:s3+s2], $0x80, v4, vm0, $0xb8;
	[tilespmem:$0x19480] =	vst v63  }
0x72a: {  	s31 =	simm.s32 $0xE480  }
0x72b: {  	[tilespmem:s31], [sflag:$0x1] =	stream.indirect_vreg.gather [hbm4b:s3+s2], $0x80, v3, vm0, $0xb8;
	[tilespmem:$0x19480] =	vst v63  }
0x72c: {  	v3 =	vld [tilespmem:$0xA10];
	_ =	sdelay $0x4  }
0x72d: {  	v28 =	vshll.u32 v3, $0x1  }
0x72e: {  	v3 =	vand.u32 $0x7, v3;
	v4 =	vand.u32 $0xFFFFFFF0, v28  }
0x72f: {  	v3 =	vor.u32 v3, v4  }
0x730: {  	v4 =	vperm.xlane v3, v0;
	_ =	sdelay $0x1  }
0x731: {  	v3 =	vperm.xlane v3, v2;
	v4 =	vadd.s32 v1, v4;
	_ =	sdelay $0x1  }
0x732: {  	v3 =	vadd.s32 v1, v3;
	_ =	sdelay $0x1  }
0x733: {  	s31 =	simm.s32 $0xEC80  }
0x734: {  	[tilespmem:s31], [sflag:$0x1] =	stream.indirect_vreg.gather [hbm4b:s3+s2], $0x80, v4, vm0, $0xb8;
	[tilespmem:$0x19480] =	vst v63  }
0x735: {  	s31 =	simm.s32 $0xF480  }
0x736: {  	[tilespmem:s31], [sflag:$0x1] =	stream.indirect_vreg.gather [hbm4b:s3+s2], $0x80, v3, vm0, $0xb8;
	[tilespmem:$0x19480] =	vst v63  }
0x737: {  	v3 =	vld [tilespmem:$0xA20];
	_ =	sdelay $0x4  }
0x738: {  	v29 =	vshll.u32 v3, $0x1  }
0x739: {  	v3 =	vand.u32 $0x7, v3;
	v4 =	vand.u32 $0xFFFFFFF0, v29  }
0x73a: {  	v3 =	vor.u32 v3, v4  }
0x73b: {  	v4 =	vperm.xlane v3, v0;
	_ =	sdelay $0x1  }
0x73c: {  	v3 =	vperm.xlane v3, v2;
	v4 =	vadd.s32 v1, v4;
	_ =	sdelay $0x1  }
0x73d: {  	v3 =	vadd.s32 v1, v3;
	_ =	sdelay $0x1  }
0x73e: {  	s24 =	simm.s32 $0xFC80  }
0x73f: {  	[tilespmem:s24], [sflag:$0x1] =	stream.indirect_vreg.gather [hbm4b:s3+s2], $0x80, v4, vm0, $0xb8;
	[tilespmem:$0x19480] =	vst v63  }
0x740: {  	s31 =	simm.s32 $0x10480  }
0x741: {  	[tilespmem:s31], [sflag:$0x1] =	stream.indirect_vreg.gather [hbm4b:s3+s2], $0x80, v3, vm0, $0xb8;
	[tilespmem:$0x19480] =	vst v63  }
0x742: {  	v3 =	vld [tilespmem:$0xA30];
	_ =	sdelay $0x4  }
0x743: {  	v30 =	vshll.u32 v3, $0x1  }
0x744: {  	v3 =	vand.u32 $0x7, v3;
	v4 =	vand.u32 $0xFFFFFFF0, v30  }
0x745: {  	v3 =	vor.u32 v3, v4  }
0x746: {  	v4 =	vperm.xlane v3, v0;
	_ =	sdelay $0x1  }
0x747: {  	v3 =	vperm.xlane v3, v2;
	v4 =	vadd.s32 v1, v4;
	_ =	sdelay $0x1  }
0x748: {  	v3 =	vadd.s32 v1, v3;
	_ =	sdelay $0x1  }
0x749: {  	s25 =	simm.s32 $0x10C80  }
0x74a: {  	[tilespmem:s25], [sflag:$0x1] =	stream.indirect_vreg.gather [hbm4b:s3+s2], $0x80, v4, vm0, $0xb8;
	[tilespmem:$0x19480] =	vst v63  }
0x74b: {  	s31 =	simm.s32 $0x11480  }
0x74c: {  	[tilespmem:s31], [sflag:$0x1] =	stream.indirect_vreg.gather [hbm4b:s3+s2], $0x80, v3, vm0, $0xb8;
	[tilespmem:$0x19480] =	vst v63  }
0x74d: {  	v3 =	vld [tilespmem:$0xA40];
	_ =	sdelay $0x4  }
0x74e: {  	v31 =	vshll.u32 v3, $0x1  }
0x74f: {  	v3 =	vand.u32 $0x7, v3;
	v4 =	vand.u32 $0xFFFFFFF0, v31  }
0x750: {  	v3 =	vor.u32 v3, v4  }
0x751: {  	v4 =	vperm.xlane v3, v0;
	_ =	sdelay $0x1  }
0x752: {  	v3 =	vperm.xlane v3, v2;
	v4 =	vadd.s32 v1, v4;
	_ =	sdelay $0x1  }
0x753: {  	v3 =	vadd.s32 v1, v3;
	_ =	sdelay $0x1  }
0x754: {  	s4 =	simm.s32 $0x11C80  }
0x755: {  	[tilespmem:s4], [sflag:$0x1] =	stream.indirect_vreg.gather [hbm4b:s3+s2], $0x80, v4, vm0, $0xb8;
	[tilespmem:$0x19480] =	vst v63  }
0x756: {  	s31 =	simm.s32 $0x12480  }
0x757: {  	[tilespmem:s31], [sflag:$0x1] =	stream.indirect_vreg.gather [hbm4b:s3+s2], $0x80, v3, vm0, $0xb8;
	[tilespmem:$0x19480] =	vst v63  }
0x758: {  	v3 =	vld [tilespmem:$0xA50];
	_ =	sdelay $0x4  }
0x759: {  	v32 =	vshll.u32 v3, $0x1  }
0x75a: {  	v3 =	vand.u32 $0x7, v3;
	v4 =	vand.u32 $0xFFFFFFF0, v32  }
0x75b: {  	v3 =	vor.u32 v3, v4  }
0x75c: {  	v4 =	vperm.xlane v3, v0;
	_ =	sdelay $0x1  }
0x75d: {  	v3 =	vperm.xlane v3, v2;
	v4 =	vadd.s32 v1, v4;
	_ =	sdelay $0x1  }
0x75e: {  	v3 =	vadd.s32 v1, v3;
	_ =	sdelay $0x1  }
0x75f: {  	s7 =	simm.s32 $0x12C80  }
0x760: {  	[tilespmem:s7], [sflag:$0x1] =	stream.indirect_vreg.gather [hbm4b:s3+s2], $0x80, v4, vm0, $0xb8;
	[tilespmem:$0x19480] =	vst v63  }
0x761: {  	s31 =	simm.s32 $0x13480  }
0x762: {  	[tilespmem:s31], [sflag:$0x1] =	stream.indirect_vreg.gather [hbm4b:s3+s2], $0x80, v3, vm0, $0xb8;
	[tilespmem:$0x19480] =	vst v63  }
0x763: {  	v3 =	vld [tilespmem:$0xA60];
	_ =	sdelay $0x4  }
0x764: {  	v33 =	vshll.u32 v3, $0x1  }
0x765: {  	v3 =	vand.u32 $0x7, v3;
	v4 =	vand.u32 $0xFFFFFFF0, v33  }
0x766: {  	v3 =	vor.u32 v3, v4  }
0x767: {  	v4 =	vperm.xlane v3, v0;
	_ =	sdelay $0x1  }
0x768: {  	v3 =	vperm.xlane v3, v2;
	v4 =	vadd.s32 v1, v4;
	_ =	sdelay $0x1  }
0x769: {  	v3 =	vadd.s32 v1, v3;
	_ =	sdelay $0x1  }
0x76a: {  	s8 =	simm.s32 $0x13C80  }
0x76b: {  	[tilespmem:s8], [sflag:$0x1] =	stream.indirect_vreg.gather [hbm4b:s3+s2], $0x80, v4, vm0, $0xb8;
	[tilespmem:$0x19480] =	vst v63  }
0x76c: {  	s31 =	simm.s32 $0x14480  }
0x76d: {  	[tilespmem:s31], [sflag:$0x1] =	stream.indirect_vreg.gather [hbm4b:s3+s2], $0x80, v3, vm0, $0xb8;
	[tilespmem:$0x19480] =	vst v63  }
0x76e: {  	v3 =	vld [tilespmem:$0xA70];
	_ =	sdelay $0x4  }
0x76f: {  	v34 =	vshll.u32 v3, $0x1  }
0x770: {  	v3 =	vand.u32 $0x7, v3;
	v4 =	vand.u32 $0xFFFFFFF0, v34  }
0x771: {  	v3 =	vor.u32 v3, v4  }
0x772: {  	v4 =	vperm.xlane v3, v0;
	_ =	sdelay $0x1  }
0x773: {  	v3 =	vperm.xlane v3, v2;
	v4 =	vadd.s32 v1, v4;
	_ =	sdelay $0x1  }
0x774: {  	v3 =	vadd.s32 v1, v3;
	_ =	sdelay $0x1  }
0x775: {  	s9 =	simm.s32 $0x14C80  }
0x776: {  	[tilespmem:s9], [sflag:$0x1] =	stream.indirect_vreg.gather [hbm4b:s3+s2], $0x80, v4, vm0, $0xb8;
	[tilespmem:$0x19480] =	vst v63  }
0x777: {  	s31 =	simm.s32 $0x15480  }
0x778: {  	[tilespmem:s31], [sflag:$0x1] =	stream.indirect_vreg.gather [hbm4b:s3+s2], $0x80, v3, vm0, $0xb8;
	[tilespmem:$0x19480] =	vst v63  }
0x779: {  	v3 =	vld [tilespmem:$0xA80];
	_ =	sdelay $0x4  }
0x77a: {  	v35 =	vshll.u32 v3, $0x1  }
0x77b: {  	v3 =	vand.u32 $0x7, v3;
	v4 =	vand.u32 $0xFFFFFFF0, v35  }
0x77c: {  	v3 =	vor.u32 v3, v4  }
0x77d: {  	v4 =	vperm.xlane v3, v0;
	_ =	sdelay $0x1  }
0x77e: {  	v3 =	vperm.xlane v3, v2;
	v4 =	vadd.s32 v1, v4;
	_ =	sdelay $0x1  }
0x77f: {  	v3 =	vadd.s32 v1, v3;
	_ =	sdelay $0x1  }
0x780: {  	s10 =	simm.s32 $0x15C80  }
0x781: {  	[tilespmem:s10], [sflag:$0x1] =	stream.indirect_vreg.gather [hbm4b:s3+s2], $0x80, v4, vm0, $0xb8;
	[tilespmem:$0x19480] =	vst v63  }
0x782: {  	s31 =	simm.s32 $0x16480  }
0x783: {  	[tilespmem:s31], [sflag:$0x1] =	stream.indirect_vreg.gather [hbm4b:s3+s2], $0x80, v3, vm0, $0xb8;
	[tilespmem:$0x19480] =	vst v63  }
0x784: {  	v3 =	vld [tilespmem:$0xA90];
	_ =	sdelay $0x4  }
0x785: {  	v36 =	vshll.u32 v3, $0x1  }
0x786: {  	v3 =	vand.u32 $0x7, v3;
	v4 =	vand.u32 $0xFFFFFFF0, v36  }
0x787: {  	v3 =	vor.u32 v3, v4  }
0x788: {  	v4 =	vperm.xlane v3, v0;
	_ =	sdelay $0x1  }
0x789: {  	v3 =	vperm.xlane v3, v2;
	v4 =	vadd.s32 v1, v4;
	_ =	sdelay $0x1  }
0x78a: {  	v3 =	vadd.s32 v1, v3;
	_ =	sdelay $0x1  }
0x78b: {  	s11 =	simm.s32 $0x16C80  }
0x78c: {  	[tilespmem:s11], [sflag:$0x1] =	stream.indirect_vreg.gather [hbm4b:s3+s2], $0x80, v4, vm0, $0xb8;
	[tilespmem:$0x19480] =	vst v63  }
0x78d: {  	s31 =	simm.s32 $0x17480  }
0x78e: {  	[tilespmem:s31], [sflag:$0x1] =	stream.indirect_vreg.gather [hbm4b:s3+s2], $0x80, v3, vm0, $0xb8;
	[tilespmem:$0x19480] =	vst v63  }
0x78f: {  	v3 =	vld [tilespmem:$0xAA0];
	_ =	sdelay $0x4  }
0x790: {  	v37 =	vshll.u32 v3, $0x1  }
0x791: {  	v3 =	vand.u32 $0x7, v3;
	v4 =	vand.u32 $0xFFFFFFF0, v37  }
0x792: {  	v3 =	vor.u32 v3, v4  }
0x793: {  	v4 =	vperm.xlane v3, v0;
	_ =	sdelay $0x1  }
0x794: {  	v3 =	vperm.xlane v3, v2;
	v4 =	vadd.s32 v1, v4;
	_ =	sdelay $0x1  }
0x795: {  	v3 =	vadd.s32 v1, v3;
	_ =	sdelay $0x1  }
0x796: {  	s12 =	simm.s32 $0x17C80  }
0x797: {  	[tilespmem:s12], [sflag:$0x1] =	stream.indirect_vreg.gather [hbm4b:s3+s2], $0x80, v4, vm0, $0xb8;
	[tilespmem:$0x19480] =	vst v63  }
0x798: {  	s31 =	simm.s32 $0x18480  }
0x799: {  	[tilespmem:s31], [sflag:$0x1] =	stream.indirect_vreg.gather [hbm4b:s3+s2], $0x80, v3, vm0, $0xb8;
	[tilespmem:$0x19480] =	vst v63  }
0x79a: {  	v3 =	vld.msk [tilespmem:$0xAB0], $0xff;
	_ =	sdelay $0x4  }
0x79b: {  	v38 =	vshll.u32 v3, $0x1  }
0x79c: {  	v3 =	vand.u32 $0x7, v3;
	v4 =	vand.u32 $0xFFFFFFF0, v38  }
0x79d: {  	v3 =	vor.u32 v3, v4  }
0x79e: {  	v3 =	vperm.xlane v3, v0;
	_ =	sdelay $0x1  }
0x79f: {  	v3 =	vadd.s32 v1, v3;
	_ =	sdelay $0x3  }
0x7a0: {  	s31 =	simm.s32 $0x18C80  }
0x7a1: {  	[tilespmem:s31], [sflag:$0x1] =	stream.indirect_vreg.gather [hbm4b:s3+s2], $0x80, v3, vm0, $0xb8;
	[tilespmem:$0x19480] =	vst v63  }
0x7a2: {  	_ =	swait.ge [sflag:s30], $0x18800  }
0x7a3: {  	[sflag:s30] =	ssyncset.done $0x0  }
0x7a4: {  	s31 =	rddreg [dreg:$0x9];
	[sflag:s30] =	ssyncadd.s32 $0xFFFE7800  }
0x7a5: {  	[hbm4b:s31+s2] =	stream.linear.scatter [tilespmem:s29], [sflag:$0x2], $0x18800, $0x38;
	[tilespmem:$0x19480] =	vst v63  }
0x7a6: {  	_ =	swait.ge [sflag:s5], $0x18800  }
0x7a7: {  	[sflag:s5] =	ssyncset.done $0x0  }
0x7a8: {  	[sflag:s5] =	ssyncadd.s32 $0xFFFE7800  }
0x7a9: {  	v3 =	vld [tilespmem:$0xAB8];
	_ =	sdelay $0x4  }
0x7aa: {  	v39 =	vshll.u32 v3, $0x1  }
0x7ab: {  	v3 =	vand.u32 $0x7, v3;
	v4 =	vand.u32 $0xFFFFFFF0, v39  }
0x7ac: {  	v3 =	vor.u32 v3, v4  }
0x7ad: {  	v4 =	vperm.xlane v3, v0;
	_ =	sdelay $0x1  }
0x7ae: {  	v3 =	vperm.xlane v3, v2;
	v4 =	vadd.s32 v1, v4;
	_ =	sdelay $0x1  }
0x7af: {  	v3 =	vadd.s32 v1, v3;
	_ =	sdelay $0x2  }
0x7b0: {  	[tilespmem:s29], [sflag:$0x1] =	stream.indirect_vreg.gather [hbm4b:s3+s2], $0x80, v4, vm0, $0xb8;
	[tilespmem:$0x19480] =	vst v63  }
0x7b1: {  	s31 =	simm.s32 $0x1480  }
0x7b2: {  	[tilespmem:s31], [sflag:$0x1] =	stream.indirect_vreg.gather [hbm4b:s3+s2], $0x80, v3, vm0, $0xb8;
	[tilespmem:$0x19480] =	vst v63  }
0x7b3: {  	v3 =	vld [tilespmem:$0xAC8];
	_ =	sdelay $0x4  }
0x7b4: {  	v40 =	vshll.u32 v3, $0x1  }
0x7b5: {  	v3 =	vand.u32 $0x7, v3;
	v4 =	vand.u32 $0xFFFFFFF0, v40  }
0x7b6: {  	v3 =	vor.u32 v3, v4  }
0x7b7: {  	v4 =	vperm.xlane v3, v0;
	_ =	sdelay $0x1  }
0x7b8: {  	v3 =	vperm.xlane v3, v2;
	v4 =	vadd.s32 v1, v4;
	_ =	sdelay $0x1  }
0x7b9: {  	v3 =	vadd.s32 v1, v3;
	_ =	sdelay $0x1  }
0x7ba: {  	s14 =	simm.s32 $0x1C80  }
0x7bb: {  	[tilespmem:s14], [sflag:$0x1] =	stream.indirect_vreg.gather [hbm4b:s3+s2], $0x80, v4, vm0, $0xb8;
	[tilespmem:$0x19480] =	vst v63  }
0x7bc: {  	s31 =	simm.s32 $0x2480  }
0x7bd: {  	[tilespmem:s31], [sflag:$0x1] =	stream.indirect_vreg.gather [hbm4b:s3+s2], $0x80, v3, vm0, $0xb8;
	[tilespmem:$0x19480] =	vst v63  }
0x7be: {  	v3 =	vld [tilespmem:$0xAD8];
	_ =	sdelay $0x4  }
0x7bf: {  	v41 =	vshll.u32 v3, $0x1  }
0x7c0: {  	v3 =	vand.u32 $0x7, v3;
	v4 =	vand.u32 $0xFFFFFFF0, v41  }
0x7c1: {  	v3 =	vor.u32 v3, v4  }
0x7c2: {  	v4 =	vperm.xlane v3, v0;
	_ =	sdelay $0x1  }
0x7c3: {  	v3 =	vperm.xlane v3, v2;
	v4 =	vadd.s32 v1, v4;
	_ =	sdelay $0x1  }
0x7c4: {  	v3 =	vadd.s32 v1, v3;
	_ =	sdelay $0x1  }
0x7c5: {  	s15 =	simm.s32 $0x2C80  }
0x7c6: {  	[tilespmem:s15], [sflag:$0x1] =	stream.indirect_vreg.gather [hbm4b:s3+s2], $0x80, v4, vm0, $0xb8;
	[tilespmem:$0x19480] =	vst v63  }
0x7c7: {  	s15 =	simm.s32 $0x3480  }
0x7c8: {  	[tilespmem:s15], [sflag:$0x1] =	stream.indirect_vreg.gather [hbm4b:s3+s2], $0x80, v3, vm0, $0xb8;
	[tilespmem:$0x19480] =	vst v63  }
0x7c9: {  	v3 =	vld [tilespmem:$0xAE8];
	_ =	sdelay $0x4  }
0x7ca: {  	v42 =	vshll.u32 v3, $0x1  }
0x7cb: {  	v3 =	vand.u32 $0x7, v3;
	v4 =	vand.u32 $0xFFFFFFF0, v42  }
0x7cc: {  	v3 =	vor.u32 v3, v4  }
0x7cd: {  	v4 =	vperm.xlane v3, v0;
	_ =	sdelay $0x1  }
0x7ce: {  	v3 =	vperm.xlane v3, v2;
	v4 =	vadd.s32 v1, v4;
	_ =	sdelay $0x1  }
0x7cf: {  	v3 =	vadd.s32 v1, v3;
	_ =	sdelay $0x1  }
0x7d0: {  	s16 =	simm.s32 $0x3C80  }
0x7d1: {  	[tilespmem:s16], [sflag:$0x1] =	stream.indirect_vreg.gather [hbm4b:s3+s2], $0x80, v4, vm0, $0xb8;
	[tilespmem:$0x19480] =	vst v63  }
0x7d2: {  	s16 =	simm.s32 $0x4480  }
0x7d3: {  	[tilespmem:s16], [sflag:$0x1] =	stream.indirect_vreg.gather [hbm4b:s3+s2], $0x80, v3, vm0, $0xb8;
	[tilespmem:$0x19480] =	vst v63  }
0x7d4: {  	v3 =	vld [tilespmem:$0xAF8];
	_ =	sdelay $0x4  }
0x7d5: {  	v43 =	vshll.u32 v3, $0x1  }
0x7d6: {  	v3 =	vand.u32 $0x7, v3;
	v4 =	vand.u32 $0xFFFFFFF0, v43  }
0x7d7: {  	v3 =	vor.u32 v3, v4  }
0x7d8: {  	v4 =	vperm.xlane v3, v0;
	_ =	sdelay $0x1  }
0x7d9: {  	v3 =	vperm.xlane v3, v2;
	v4 =	vadd.s32 v1, v4;
	_ =	sdelay $0x1  }
0x7da: {  	v3 =	vadd.s32 v1, v3;
	_ =	sdelay $0x1  }
0x7db: {  	s17 =	simm.s32 $0x4C80  }
0x7dc: {  	[tilespmem:s17], [sflag:$0x1] =	stream.indirect_vreg.gather [hbm4b:s3+s2], $0x80, v4, vm0, $0xb8;
	[tilespmem:$0x19480] =	vst v63  }
0x7dd: {  	s17 =	simm.s32 $0x5480  }
0x7de: {  	[tilespmem:s17], [sflag:$0x1] =	stream.indirect_vreg.gather [hbm4b:s3+s2], $0x80, v3, vm0, $0xb8;
	[tilespmem:$0x19480] =	vst v63  }
0x7df: {  	v3 =	vld [tilespmem:$0xB08];
	_ =	sdelay $0x4  }
0x7e0: {  	v44 =	vshll.u32 v3, $0x1  }
0x7e1: {  	v3 =	vand.u32 $0x7, v3;
	v4 =	vand.u32 $0xFFFFFFF0, v44  }
0x7e2: {  	v3 =	vor.u32 v3, v4  }
0x7e3: {  	v4 =	vperm.xlane v3, v0;
	_ =	sdelay $0x1  }
0x7e4: {  	v3 =	vperm.xlane v3, v2;
	v4 =	vadd.s32 v1, v4;
	_ =	sdelay $0x1  }
0x7e5: {  	v3 =	vadd.s32 v1, v3;
	_ =	sdelay $0x1  }
0x7e6: {  	s18 =	simm.s32 $0x5C80  }
0x7e7: {  	[tilespmem:s18], [sflag:$0x1] =	stream.indirect_vreg.gather [hbm4b:s3+s2], $0x80, v4, vm0, $0xb8;
	[tilespmem:$0x19480] =	vst v63  }
0x7e8: {  	s18 =	simm.s32 $0x6480  }
0x7e9: {  	[tilespmem:s18], [sflag:$0x1] =	stream.indirect_vreg.gather [hbm4b:s3+s2], $0x80, v3, vm0, $0xb8;
	[tilespmem:$0x19480] =	vst v63  }
0x7ea: {  	v3 =	vld [tilespmem:$0xB18];
	_ =	sdelay $0x4  }
0x7eb: {  	v45 =	vshll.u32 v3, $0x1  }
0x7ec: {  	v3 =	vand.u32 $0x7, v3;
	v4 =	vand.u32 $0xFFFFFFF0, v45  }
0x7ed: {  	v3 =	vor.u32 v3, v4  }
0x7ee: {  	v4 =	vperm.xlane v3, v0;
	_ =	sdelay $0x1  }
0x7ef: {  	v3 =	vperm.xlane v3, v2;
	v4 =	vadd.s32 v1, v4;
	_ =	sdelay $0x1  }
0x7f0: {  	v3 =	vadd.s32 v1, v3;
	_ =	sdelay $0x1  }
0x7f1: {  	s19 =	simm.s32 $0x6C80  }
0x7f2: {  	[tilespmem:s19], [sflag:$0x1] =	stream.indirect_vreg.gather [hbm4b:s3+s2], $0x80, v4, vm0, $0xb8;
	[tilespmem:$0x19480] =	vst v63  }
0x7f3: {  	s19 =	simm.s32 $0x7480  }
0x7f4: {  	[tilespmem:s19], [sflag:$0x1] =	stream.indirect_vreg.gather [hbm4b:s3+s2], $0x80, v3, vm0, $0xb8;
	[tilespmem:$0x19480] =	vst v63  }
0x7f5: {  	v3 =	vld [tilespmem:$0xB28];
	_ =	sdelay $0x4  }
0x7f6: {  	v46 =	vshll.u32 v3, $0x1  }
0x7f7: {  	v3 =	vand.u32 $0x7, v3;
	v4 =	vand.u32 $0xFFFFFFF0, v46  }
0x7f8: {  	v3 =	vor.u32 v3, v4  }
0x7f9: {  	v4 =	vperm.xlane v3, v0;
	_ =	sdelay $0x1  }
0x7fa: {  	v3 =	vperm.xlane v3, v2;
	v4 =	vadd.s32 v1, v4;
	_ =	sdelay $0x1  }
0x7fb: {  	v3 =	vadd.s32 v1, v3;
	_ =	sdelay $0x1  }
0x7fc: {  	s20 =	simm.s32 $0x7C80  }
0x7fd: {  	[tilespmem:s20], [sflag:$0x1] =	stream.indirect_vreg.gather [hbm4b:s3+s2], $0x80, v4, vm0, $0xb8;
	[tilespmem:$0x19480] =	vst v63  }
0x7fe: {  	s20 =	simm.s32 $0x8480  }
0x7ff: {  	[tilespmem:s20], [sflag:$0x1] =	stream.indirect_vreg.gather [hbm4b:s3+s2], $0x80, v3, vm0, $0xb8;
	[tilespmem:$0x19480] =	vst v63  }
0x800: {  	v3 =	vld [tilespmem:$0xB38];
	_ =	sdelay $0x4  }
0x801: {  	v47 =	vshll.u32 v3, $0x1  }
0x802: {  	v3 =	vand.u32 $0x7, v3;
	v4 =	vand.u32 $0xFFFFFFF0, v47  }
0x803: {  	v3 =	vor.u32 v3, v4  }
0x804: {  	v4 =	vperm.xlane v3, v0;
	_ =	sdelay $0x1  }
0x805: {  	v3 =	vperm.xlane v3, v2;
	v4 =	vadd.s32 v1, v4;
	_ =	sdelay $0x1  }
0x806: {  	v3 =	vadd.s32 v1, v3;
	_ =	sdelay $0x1  }
0x807: {  	s21 =	simm.s32 $0x8C80  }
0x808: {  	[tilespmem:s21], [sflag:$0x1] =	stream.indirect_vreg.gather [hbm4b:s3+s2], $0x80, v4, vm0, $0xb8;
	[tilespmem:$0x19480] =	vst v63  }
0x809: {  	s21 =	simm.s32 $0x9480  }
0x80a: {  	[tilespmem:s21], [sflag:$0x1] =	stream.indirect_vreg.gather [hbm4b:s3+s2], $0x80, v3, vm0, $0xb8;
	[tilespmem:$0x19480] =	vst v63  }
0x80b: {  	v3 =	vld [tilespmem:$0xB48];
	_ =	sdelay $0x4  }
0x80c: {  	v48 =	vshll.u32 v3, $0x1  }
0x80d: {  	v3 =	vand.u32 $0x7, v3;
	v4 =	vand.u32 $0xFFFFFFF0, v48  }
0x80e: {  	v3 =	vor.u32 v3, v4  }
0x80f: {  	v4 =	vperm.xlane v3, v0;
	_ =	sdelay $0x1  }
0x810: {  	v3 =	vperm.xlane v3, v2;
	v4 =	vadd.s32 v1, v4;
	_ =	sdelay $0x1  }
0x811: {  	v3 =	vadd.s32 v1, v3;
	_ =	sdelay $0x1  }
0x812: {  	s22 =	simm.s32 $0x9C80  }
0x813: {  	[tilespmem:s22], [sflag:$0x1] =	stream.indirect_vreg.gather [hbm4b:s3+s2], $0x80, v4, vm0, $0xb8;
	[tilespmem:$0x19480] =	vst v63  }
0x814: {  	s1 =	simm.s32 $0xA480  }
0x815: {  	[tilespmem:s1], [sflag:$0x1] =	stream.indirect_vreg.gather [hbm4b:s3+s2], $0x80, v3, vm0, $0xb8;
	[tilespmem:$0x19480] =	vst v63  }
0x816: {  	v3 =	vld [tilespmem:$0xB58];
	_ =	sdelay $0x4  }
0x817: {  	v49 =	vshll.u32 v3, $0x1  }
0x818: {  	v3 =	vand.u32 $0x7, v3;
	v4 =	vand.u32 $0xFFFFFFF0, v49  }
0x819: {  	v3 =	vor.u32 v3, v4  }
0x81a: {  	v4 =	vperm.xlane v3, v0;
	_ =	sdelay $0x1  }
0x81b: {  	v3 =	vperm.xlane v3, v2;
	v4 =	vadd.s32 v1, v4;
	_ =	sdelay $0x1  }
0x81c: {  	v3 =	vadd.s32 v1, v3;
	_ =	sdelay $0x1  }
0x81d: {  	s13 =	simm.s32 $0xAC80  }
0x81e: {  	[tilespmem:s13], [sflag:$0x1] =	stream.indirect_vreg.gather [hbm4b:s3+s2], $0x80, v4, vm0, $0xb8;
	[tilespmem:$0x19480] =	vst v63  }
0x81f: {  	s23 =	simm.s32 $0xB480  }
0x820: {  	[tilespmem:s23], [sflag:$0x1] =	stream.indirect_vreg.gather [hbm4b:s3+s2], $0x80, v3, vm0, $0xb8;
	[tilespmem:$0x19480] =	vst v63  }
0x821: {  	v3 =	vld [tilespmem:$0xB68];
	_ =	sdelay $0x4  }
0x822: {  	v50 =	vshll.u32 v3, $0x1  }
0x823: {  	v3 =	vand.u32 $0x7, v3;
	v4 =	vand.u32 $0xFFFFFFF0, v50  }
0x824: {  	v3 =	vor.u32 v3, v4  }
0x825: {  	v4 =	vperm.xlane v3, v0;
	_ =	sdelay $0x1  }
0x826: {  	v3 =	vperm.xlane v3, v2;
	v4 =	vadd.s32 v1, v4;
	_ =	sdelay $0x1  }
0x827: {  	v3 =	vadd.s32 v1, v3;
	_ =	sdelay $0x1  }
0x828: {  	s31 =	simm.s32 $0xBC80  }
0x829: {  	[tilespmem:s31], [sflag:$0x1] =	stream.indirect_vreg.gather [hbm4b:s3+s2], $0x80, v4, vm0, $0xb8;
	[tilespmem:$0x19480] =	vst v63  }
0x82a: {  	s26 =	simm.s32 $0xC480  }
0x82b: {  	[tilespmem:s26], [sflag:$0x1] =	stream.indirect_vreg.gather [hbm4b:s3+s2], $0x80, v3, vm0, $0xb8;
	[tilespmem:$0x19480] =	vst v63  }
0x82c: {  	v3 =	vld [tilespmem:$0xB78];
	_ =	sdelay $0x4  }
0x82d: {  	v51 =	vshll.u32 v3, $0x1  }
0x82e: {  	v3 =	vand.u32 $0x7, v3;
	v4 =	vand.u32 $0xFFFFFFF0, v51  }
0x82f: {  	v3 =	vor.u32 v3, v4  }
0x830: {  	v4 =	vperm.xlane v3, v0;
	_ =	sdelay $0x1  }
0x831: {  	v3 =	vperm.xlane v3, v2;
	v4 =	vadd.s32 v1, v4;
	_ =	sdelay $0x1  }
0x832: {  	v3 =	vadd.s32 v1, v3;
	_ =	sdelay $0x1  }
0x833: {  	s13 =	simm.s32 $0xCC80  }
0x834: {  	[tilespmem:s13], [sflag:$0x1] =	stream.indirect_vreg.gather [hbm4b:s3+s2], $0x80, v4, vm0, $0xb8;
	[tilespmem:$0x19480] =	vst v63  }
0x835: {  	s28 =	simm.s32 $0xD480  }
0x836: {  	[tilespmem:s28], [sflag:$0x1] =	stream.indirect_vreg.gather [hbm4b:s3+s2], $0x80, v3, vm0, $0xb8;
	[tilespmem:$0x19480] =	vst v63  }
0x837: {  	v3 =	vld [tilespmem:$0xB88];
	_ =	sdelay $0x4  }
0x838: {  	v52 =	vshll.u32 v3, $0x1  }
0x839: {  	v3 =	vand.u32 $0x7, v3;
	v4 =	vand.u32 $0xFFFFFFF0, v52  }
0x83a: {  	v3 =	vor.u32 v3, v4  }
0x83b: {  	v4 =	vperm.xlane v3, v0;
	_ =	sdelay $0x1  }
0x83c: {  	v3 =	vperm.xlane v3, v2;
	v4 =	vadd.s32 v1, v4;
	_ =	sdelay $0x1  }
0x83d: {  	v3 =	vadd.s32 v1, v3;
	_ =	sdelay $0x1  }
0x83e: {  	s0 =	simm.s32 $0xDC80  }
0x83f: {  	[tilespmem:s0], [sflag:$0x1] =	stream.indirect_vreg.gather [hbm4b:s3+s2], $0x80, v4, vm0, $0xb8;
	[tilespmem:$0x19480] =	vst v63  }
0x840: {  	s14 =	simm.s32 $0xE480  }
0x841: {  	[tilespmem:s14], [sflag:$0x1] =	stream.indirect_vreg.gather [hbm4b:s3+s2], $0x80, v3, vm0, $0xb8;
	[tilespmem:$0x19480] =	vst v63  }
0x842: {  	v3 =	vld [tilespmem:$0xB98];
	_ =	sdelay $0x4  }
0x843: {  	v53 =	vshll.u32 v3, $0x1  }
0x844: {  	v3 =	vand.u32 $0x7, v3;
	v4 =	vand.u32 $0xFFFFFFF0, v53  }
0x845: {  	v3 =	vor.u32 v3, v4  }
0x846: {  	v4 =	vperm.xlane v3, v0;
	_ =	sdelay $0x1  }
0x847: {  	v3 =	vperm.xlane v3, v2;
	v4 =	vadd.s32 v1, v4;
	_ =	sdelay $0x1  }
0x848: {  	v3 =	vadd.s32 v1, v3;
	_ =	sdelay $0x1  }
0x849: {  	s15 =	simm.s32 $0xEC80  }
0x84a: {  	[tilespmem:s15], [sflag:$0x1] =	stream.indirect_vreg.gather [hbm4b:s3+s2], $0x80, v4, vm0, $0xb8;
	[tilespmem:$0x19480] =	vst v63  }
0x84b: {  	s17 =	simm.s32 $0xF480  }
0x84c: {  	[tilespmem:s17], [sflag:$0x1] =	stream.indirect_vreg.gather [hbm4b:s3+s2], $0x80, v3, vm0, $0xb8;
	[tilespmem:$0x19480] =	vst v63  }
0x84d: {  	v3 =	vld [tilespmem:$0xBA8];
	_ =	sdelay $0x4  }
0x84e: {  	v54 =	vshll.u32 v3, $0x1  }
0x84f: {  	v3 =	vand.u32 $0x7, v3;
	v4 =	vand.u32 $0xFFFFFFF0, v54  }
0x850: {  	v3 =	vor.u32 v3, v4  }
0x851: {  	v4 =	vperm.xlane v3, v0;
	_ =	sdelay $0x1  }
0x852: {  	v3 =	vperm.xlane v3, v2;
	v4 =	vadd.s32 v1, v4;
	_ =	sdelay $0x1  }
0x853: {  	v3 =	vadd.s32 v1, v3;
	_ =	sdelay $0x1  }
0x854: {  	s6 =	simm.s32 $0xFC80  }
0x855: {  	[tilespmem:s6], [sflag:$0x1] =	stream.indirect_vreg.gather [hbm4b:s3+s2], $0x80, v4, vm0, $0xb8;
	[tilespmem:$0x19480] =	vst v63  }
0x856: {  	s18 =	simm.s32 $0x10480  }
0x857: {  	[tilespmem:s18], [sflag:$0x1] =	stream.indirect_vreg.gather [hbm4b:s3+s2], $0x80, v3, vm0, $0xb8;
	[tilespmem:$0x19480] =	vst v63  }
0x858: {  	v3 =	vld [tilespmem:$0xBB8];
	_ =	sdelay $0x4  }
0x859: {  	v55 =	vshll.u32 v3, $0x1  }
0x85a: {  	v3 =	vand.u32 $0x7, v3;
	v4 =	vand.u32 $0xFFFFFFF0, v55  }
0x85b: {  	v3 =	vor.u32 v3, v4  }
0x85c: {  	v4 =	vperm.xlane v3, v0;
	_ =	sdelay $0x1  }
0x85d: {  	v3 =	vperm.xlane v3, v2;
	v4 =	vadd.s32 v1, v4;
	_ =	sdelay $0x1  }
0x85e: {  	v3 =	vadd.s32 v1, v3;
	_ =	sdelay $0x1  }
0x85f: {  	s24 =	simm.s32 $0x10C80  }
0x860: {  	[tilespmem:s24], [sflag:$0x1] =	stream.indirect_vreg.gather [hbm4b:s3+s2], $0x80, v4, vm0, $0xb8;
	[tilespmem:$0x19480] =	vst v63  }
0x861: {  	s19 =	simm.s32 $0x11480  }
0x862: {  	[tilespmem:s19], [sflag:$0x1] =	stream.indirect_vreg.gather [hbm4b:s3+s2], $0x80, v3, vm0, $0xb8;
	[tilespmem:$0x19480] =	vst v63  }
0x863: {  	v3 =	vld [tilespmem:$0xBC8];
	_ =	sdelay $0x4  }
0x864: {  	v56 =	vshll.u32 v3, $0x1  }
0x865: {  	v3 =	vand.u32 $0x7, v3;
	v4 =	vand.u32 $0xFFFFFFF0, v56  }
0x866: {  	v3 =	vor.u32 v3, v4  }
0x867: {  	v4 =	vperm.xlane v3, v0;
	_ =	sdelay $0x1  }
0x868: {  	v3 =	vperm.xlane v3, v2;
	v4 =	vadd.s32 v1, v4;
	_ =	sdelay $0x1  }
0x869: {  	v3 =	vadd.s32 v1, v3;
	_ =	sdelay $0x1  }
0x86a: {  	s25 =	simm.s32 $0x11C80  }
0x86b: {  	[tilespmem:s25], [sflag:$0x1] =	stream.indirect_vreg.gather [hbm4b:s3+s2], $0x80, v4, vm0, $0xb8;
	[tilespmem:$0x19480] =	vst v63  }
0x86c: {  	s20 =	simm.s32 $0x12480  }
0x86d: {  	[tilespmem:s20], [sflag:$0x1] =	stream.indirect_vreg.gather [hbm4b:s3+s2], $0x80, v3, vm0, $0xb8;
	[tilespmem:$0x19480] =	vst v63  }
0x86e: {  	v3 =	vld [tilespmem:$0xBD8];
	_ =	sdelay $0x4  }
0x86f: {  	v57 =	vshll.u32 v3, $0x1  }
0x870: {  	v3 =	vand.u32 $0x7, v3;
	v4 =	vand.u32 $0xFFFFFFF0, v57  }
0x871: {  	v3 =	vor.u32 v3, v4  }
0x872: {  	v4 =	vperm.xlane v3, v0;
	_ =	sdelay $0x1  }
0x873: {  	v3 =	vperm.xlane v3, v2;
	v4 =	vadd.s32 v1, v4;
	_ =	sdelay $0x1  }
0x874: {  	v3 =	vadd.s32 v1, v3;
	_ =	sdelay $0x1  }
0x875: {  	s4 =	simm.s32 $0x12C80  }
0x876: {  	[tilespmem:s4], [sflag:$0x1] =	stream.indirect_vreg.gather [hbm4b:s3+s2], $0x80, v4, vm0, $0xb8;
	[tilespmem:$0x19480] =	vst v63  }
0x877: {  	s21 =	simm.s32 $0x13480  }
0x878: {  	[tilespmem:s21], [sflag:$0x1] =	stream.indirect_vreg.gather [hbm4b:s3+s2], $0x80, v3, vm0, $0xb8;
	[tilespmem:$0x19480] =	vst v63  }
0x879: {  	v3 =	vld [tilespmem:$0xBE8];
	_ =	sdelay $0x4  }
0x87a: {  	v58 =	vshll.u32 v3, $0x1  }
0x87b: {  	v3 =	vand.u32 $0x7, v3;
	v4 =	vand.u32 $0xFFFFFFF0, v58  }
0x87c: {  	v3 =	vor.u32 v3, v4  }
0x87d: {  	v4 =	vperm.xlane v3, v0;
	_ =	sdelay $0x1  }
0x87e: {  	v3 =	vperm.xlane v3, v2;
	v4 =	vadd.s32 v1, v4;
	_ =	sdelay $0x1  }
0x87f: {  	v3 =	vadd.s32 v1, v3;
	_ =	sdelay $0x1  }
0x880: {  	s7 =	simm.s32 $0x13C80  }
0x881: {  	[tilespmem:s7], [sflag:$0x1] =	stream.indirect_vreg.gather [hbm4b:s3+s2], $0x80, v4, vm0, $0xb8;
	[tilespmem:$0x19480] =	vst v63  }
0x882: {  	s22 =	simm.s32 $0x14480  }
0x883: {  	[tilespmem:s22], [sflag:$0x1] =	stream.indirect_vreg.gather [hbm4b:s3+s2], $0x80, v3, vm0, $0xb8;
	[tilespmem:$0x19480] =	vst v63  }
0x884: {  	v3 =	vld [tilespmem:$0xBF8];
	_ =	sdelay $0x4  }
0x885: {  	v59 =	vshll.u32 v3, $0x1  }
0x886: {  	v3 =	vand.u32 $0x7, v3;
	v4 =	vand.u32 $0xFFFFFFF0, v59  }
0x887: {  	v3 =	vor.u32 v3, v4  }
0x888: {  	v4 =	vperm.xlane v3, v0;
	_ =	sdelay $0x1  }
0x889: {  	v3 =	vperm.xlane v3, v2;
	v4 =	vadd.s32 v1, v4;
	_ =	sdelay $0x1  }
0x88a: {  	v3 =	vadd.s32 v1, v3;
	_ =	sdelay $0x1  }
0x88b: {  	s8 =	simm.s32 $0x14C80  }
0x88c: {  	[tilespmem:s8], [sflag:$0x1] =	stream.indirect_vreg.gather [hbm4b:s3+s2], $0x80, v4, vm0, $0xb8;
	[tilespmem:$0x19480] =	vst v63  }
0x88d: {  	s23 =	simm.s32 $0x15480  }
0x88e: {  	[tilespmem:s23], [sflag:$0x1] =	stream.indirect_vreg.gather [hbm4b:s3+s2], $0x80, v3, vm0, $0xb8;
	[tilespmem:$0x19480] =	vst v63  }
0x88f: {  	v3 =	vld [tilespmem:$0xC08];
	_ =	sdelay $0x4  }
0x890: {  	v60 =	vshll.u32 v3, $0x1  }
0x891: {  	v3 =	vand.u32 $0x7, v3;
	v4 =	vand.u32 $0xFFFFFFF0, v60  }
0x892: {  	v3 =	vor.u32 v3, v4  }
0x893: {  	v4 =	vperm.xlane v3, v0;
	_ =	sdelay $0x1  }
0x894: {  	v3 =	vperm.xlane v3, v2;
	v4 =	vadd.s32 v1, v4;
	_ =	sdelay $0x1  }
0x895: {  	v3 =	vadd.s32 v1, v3;
	_ =	sdelay $0x1  }
0x896: {  	s9 =	simm.s32 $0x15C80  }
0x897: {  	[tilespmem:s9], [sflag:$0x1] =	stream.indirect_vreg.gather [hbm4b:s3+s2], $0x80, v4, vm0, $0xb8;
	[tilespmem:$0x19480] =	vst v63  }
0x898: {  	s24 =	simm.s32 $0x16480  }
0x899: {  	[tilespmem:s24], [sflag:$0x1] =	stream.indirect_vreg.gather [hbm4b:s3+s2], $0x80, v3, vm0, $0xb8;
	[tilespmem:$0x19480] =	vst v63  }
0x89a: {  	v3 =	vld [tilespmem:$0xC18];
	_ =	sdelay $0x4  }
0x89b: {  	v61 =	vshll.u32 v3, $0x1  }
0x89c: {  	v3 =	vand.u32 $0x7, v3;
	v4 =	vand.u32 $0xFFFFFFF0, v61  }
0x89d: {  	v3 =	vor.u32 v3, v4  }
0x89e: {  	v4 =	vperm.xlane v3, v0;
	_ =	sdelay $0x1  }
0x89f: {  	v3 =	vperm.xlane v3, v2;
	v4 =	vadd.s32 v1, v4;
	_ =	sdelay $0x1  }
0x8a0: {  	v3 =	vadd.s32 v1, v3;
	_ =	sdelay $0x1  }
0x8a1: {  	s10 =	simm.s32 $0x16C80  }
0x8a2: {  	[tilespmem:s10], [sflag:$0x1] =	stream.indirect_vreg.gather [hbm4b:s3+s2], $0x80, v4, vm0, $0xb8;
	[tilespmem:$0x19480] =	vst v63  }
0x8a3: {  	s25 =	simm.s32 $0x17480  }
0x8a4: {  	[tilespmem:s25], [sflag:$0x1] =	stream.indirect_vreg.gather [hbm4b:s3+s2], $0x80, v3, vm0, $0xb8;
	[tilespmem:$0x19480] =	vst v63  }
0x8a5: {  	v3 =	vld [tilespmem:$0xC28];
	_ =	sdelay $0x4  }
0x8a6: {  	v62 =	vshll.u32 v3, $0x1  }
0x8a7: {  	v3 =	vand.u32 $0x7, v3;
	v4 =	vand.u32 $0xFFFFFFF0, v62  }
0x8a8: {  	v3 =	vor.u32 v3, v4  }
0x8a9: {  	v4 =	vperm.xlane v3, v0;
	_ =	sdelay $0x1  }
0x8aa: {  	v3 =	vperm.xlane v3, v2;
	v4 =	vadd.s32 v1, v4;
	_ =	sdelay $0x1  }
0x8ab: {  	v3 =	vadd.s32 v1, v3;
	_ =	sdelay $0x1  }
0x8ac: {  	s11 =	simm.s32 $0x17C80  }
0x8ad: {  	[tilespmem:s11], [sflag:$0x1] =	stream.indirect_vreg.gather [hbm4b:s3+s2], $0x80, v4, vm0, $0xb8;
	[tilespmem:$0x19480] =	vst v63  }
0x8ae: {  	s12 =	simm.s32 $0x18480  }
0x8af: {  	[tilespmem:s12], [sflag:$0x1] =	stream.indirect_vreg.gather [hbm4b:s3+s2], $0x80, v3, vm0, $0xb8;
	[tilespmem:$0x19480] =	vst v63  }
0x8b0: {  	v3 =	vld.msk [tilespmem:$0xC38], $0xff;
	_ =	sdelay $0x4  }
0x8b1: {  	v63 =	vshll.u32 v3, $0x1  }
0x8b2: {  	v3 =	vand.u32 $0x7, v3;
	v4 =	vand.u32 $0xFFFFFFF0, v63  }
0x8b3: {  	v3 =	vor.u32 v3, v4  }
0x8b4: {  	v3 =	vperm.xlane v3, v0;
	_ =	sdelay $0x1  }
0x8b5: {  	v3 =	vadd.s32 v1, v3;
	_ =	sdelay $0x3  }
0x8b6: {  	s26 =	simm.s32 $0x18C80  }
0x8b7: {  	[tilespmem:s26], [sflag:$0x1] =	stream.indirect_vreg.gather [hbm4b:s3+s2], $0x80, v3, vm0, $0xb8;
	[tilespmem:$0x19480] =	vst v63  }
0x8b8: {  	s16 =	rddreg [dreg:$0xb];
	_ =	swait.ge [sflag:s30], $0x18800  }
0x8b9: {  	p0 =	sne.s32 s16, $0x1;
	[sflag:s30] =	ssyncset.done $0x0  }
.Ltmp0:
0x8ba: {  	s28 =	rddreg [dreg:$0xa];
	[sflag:s30] =	ssyncadd.s32 $0xFFFE7800;
	(pc) =	sbr.rel @p0 .LBB2_1-.Ltmp0, $4  }
0x8bb: {  	[hbm4b:s28+s2] =	stream.linear.scatter [tilespmem:s29], [sflag:$0x2], $0x18800, $0x38;
	[tilespmem:$0x19480] =	vst v63  }
0x8bc: {  	_ =	swait.ge [sflag:s5], $0x18800  }
0x8bd: {  	[sflag:s5] =	ssyncset.done $0x0  }
0x8be: {  	s0 =	sadd.s32 $0xFFFFFFFF, s16;
	[sflag:s5] =	ssyncadd.s32 $0xFFFE7800  }
0x8bf: {  	_ =	sfence.sel $0x180000  }
0x8c0: {  	[bflag:$0x0] =	sbarrier.arrive $0xFFFF  }
0x8c1: {  	_ =	strace $0x9000004A  }
0x8c2: {  	s0 =	stileid.u32;
	[bflag:$0x2] =	sbarrier.arrive $0xFFFF  }
0x8c3: {  	p0 =	sne.s32 s0, $0x0;
	s0 =	rddreg [dreg:$0x1]  }
0x8c4: {  	s0 =	sadd.s32 @!p0 $0x100000, s0  }
0x8c5: {  	[sflag:s0] =	ssyncadd.tile.s32 @!p0 $0x1;
	_ =	shalt  }
.Lfunc_end2:
_tile_overlayer_lowered:
.L_overlay_start_2:
0x8c6: {  	(tag) =	ssettag $0x2  }
0x8c7: {  	s0 =	rddreg [dreg:$0x0];
	s2 =	stileid.u32  }
0x8c8: {  	s1 =	rddreg [dreg:$0x1];
	p0 =	sne.s32 s2, $0x0  }
0x8c9: {  	s3 =	rddreg [dreg:$0x2];
	[bflag:$0x3] =	sbarrier.arrive $0xFFFF;
	s2 =	simm.s32 @!p0 $0x1C02  }
0x8ca: {  	[timem:s3], [sflag:s2] =	dma.local @!p0 [hbm:s0], s1  }
0x8cb: {  	s0 =	simm.s32 @!p0 $0x2  }
0x8cc: {  	_ =	swait.ge @!p0 [sflag:s0], s1  }
0x8cd: {  	s1 =	ssub.s32 @!p0 $0x0, s1;
	[sflag:s0] =	ssyncset.done @!p0 $0x0  }
0x8ce: {  	[sflag:s0] =	ssyncadd.s32 @!p0 s1  }
0x8cf: {  	[bflag:$0x3] =	sbarrier.arrive $0xFFFF  }
0x8d0: {  	_ =	shalt  }

// kernel: sparse-core-data-format-call.cloned.1.call-start
scs
called_computation_lowered:
.L_overlay_start_0:
0x0: {  	s1 =	sld [smem:$0x3FD9]  }
0x1: {  	s2 =	sld [smem:$0x3FFE];
	_ =	sdelay $0x1  }
0x2: {  	s3 =	srdreg.scid  }
0x3: {  	s0 =	sand.u32 $0x1, s3  }
0x4: {  	s17 =	sshll.u32 s0, $0xA;
	s1 =	sadd.s32 s2, s1  }
0x5: {  	s1 =	sadd.s32 s1, s17  }
0x6: {  	[smem:$0x3FBD] =	sst s1  }
0x7: {  	_ = 	snop  }
0x8: {  	(tm) =	ssettm $0x1  }
0x9: {  	s18 =	sld [smem:$0x3FFB];
	_ =	sdelay $0x3  }
0xa: {  	_ =	strace s18  }
0xb: {  	s1 =	sld [smem:$0x3FFC];
	_ =	sdelay $0x3  }
0xc: {  	_ =	strace s1  }
0xd: {  	s1 =	sld [smem:$0x3FFD];
	_ =	sdelay $0x3  }
0xe: {  	_ =	strace s1  }
0xf: {  	_ =	strace $0x8FFFFFFF  }
0x10: {  	s19 =	sld [smem:$0x3FDB];
	_ =	sdelay $0x1  }
0x11: {  	s20 =	simm.s32 $_scs_section_size  }
0x12: {  	s4 =	simm.s32 $_size__tile_overlayer_lowered;
	s5 =	simm.s32 $_tile_overlayer_lowered  }
0x13: {  	s23 =	simm.s32 $0x1BFF;
	s22 =	sshll.u32 s5, $0x1;
	s1 =	sadd.s32 s20, s19  }
0x14: {  	s6 =	simm.s32 $0x0;
	s21 =	sshll.u32 s4, $0x1;
	s4 =	sadd.s32 s22, s1  }
0x15: {  	[timem:s6], [sflag:s23] =	dma.local [hbm:s4], s21  }
0x16: {  	_ =	swait.ge [sflag:s23], s21  }
0x17: {  	s2 =	ssub.s32 $0x0, s21;
	[sflag:s23] =	ssyncset.done $0x0  }
0x18: {  	[sflag:s23] =	ssyncadd.s32 s2;
	_ =	sdelay $0x1  }
0x19: {  	s24 =	simm.s32 $0x1B8B  }
0x1a: {  	_ =	swait.ge [sflag:s24], $0x1  }
0x1b: {  	[sflag:s24] =	ssyncset.done $0x0  }
0x1c: {  	s26 =	simm.s32 $0x1B8E;
	s25 =	sld [smem:$0x3FFE];
	[sflag:s24] =	ssyncadd.s32 $0xFFFFFFFF  }
0x1d: {  	s27 =	simm.s32 $execute0_lowered;
	[smem:$0x3FD2] =	sst s26  }
0x1e: {  	s4 =	sshll.u32 s27, $0x1;
	_ =	strace $0x80000046;
	[dreg:$0x1] =	wrdreg $0xFFFFFFFF  }
0x1f: {  	s28 =	simm.s32 $_size_execute0_lowered;
	s1 =	sadd.s32 s1, s4;
	[dreg:$0x0] =	wrdreg $0x0  }
0x20: {  	s4 =	sshll.u32 s28, $0x1;
	[dreg:$0x2] =	wrdreg s1  }
0x21: {  	[dreg:$0x3] =	wrdreg s4  }
0x22: {  	[dreg:$0x4] =	wrdreg $0xC0  }
0x23: {  	_ =	task [dreg:s6], $0x5FFFF  }
0x24: {  	[dreg:$0x1] =	wrdreg $0xFFFFFFFF  }
0x25: {  	[dreg:$0x0] =	wrdreg $0x60  }
0x26: {  	[dreg:$0x2] =	wrdreg s25  }
0x27: {  	[dreg:$0x3] =	wrdreg $0x9  }
0x28: {  	_ =	task.clear_ibuf [dreg:s6], $0x4FFFF;
	_ =	strace $0x90000046  }
0x29: {  	s29 =	simm.s32 $0x9;
	_ =	strace $0x80000048  }
0x2a: {  	_ =	swait.ge [sflag:s29], $0x1  }
0x2b: {  	[sflag:s29] =	ssyncadd.s32 $0xFFFFFFFF  }
0x2c: {  	_ =	strace $0x90000048  }
0x2d: {  	_ =	sfence  }
0x2e: {  	s30 =	sld [smem:$0x0];
	_ =	sdelay $0x2  }
0x2f: {  	s31 =	sshll.u32 s3, $0xD;
	s3 =	sshrl.u32 s3, $0x2  }
0x30: {  	s2 =	sand.u32 $0x4000, s31;
	s1 =	sadd.s32 s3, s30  }
0x31: {  	s0 =	sor.u32 s2, s0;
	s1 =	sshll.u32 s1, $0x11  }
0x32: {  	s0 =	sor.u32 s1, s0  }
0x33: {  	s0 =	sadd.s32 $0x8F2B, s0  }
0x34: {  	[sflag:s0] =	ssyncadd.remote.s32 $0x1  }
0x35: {  	_ =	sfence.sel $0xFFFF  }
0x36: {  	[dreg:$0x0] =	wrdreg $0xFFFFFFFF;
	(pc) =	sbr.abs _section_cstart, $3  }
0x37: {  	[dreg:$0x1] =	wrdreg $0xFFFFFFFF  }
0x38: {  	_ =	task.clear_ibuf [dreg:s6], $0x2FFFF;
	_ =	strace $0x9FFFFFFF  }
0x39: {  	(tm) =	ssettm $0x7FFFFFFF  }
tec
execute0_lowered:
.L_overlay_start_1:
0x0: {  	(tag) =	ssettag $0x1  }
0x1: {  	s1 =	srdreg.scid  }
0x2: {  	s0 =	stileid.u32;
	s2 =	rddreg [dreg:$0x0];
	s31 =	simm.s32 $0x2  }
0x3: {  	s17 =	simm.s32 $0x0;
	s11 =	simm.s32 $0x400;
	s12 =	simm.s32 $0x2000  }
0x4: {  	s13 =	simm.s32 $0x0;
	s18 =	simm.s32 $0x0;
	s1 =	sshll.u32 s1, $0x4  }
0x5: {  	s19 =	simm.s32 $0x0;
	s3 =	sshll.u32 s0, $0x7;
	s1 =	sand.u32 $0x10, s1  }
0x6: {  	s16 =	simm.s32 $0x0;
	s3 =	sand.u32 $0x80, s3;
	s9 =	sor.u32 s0, s1  }
0x7: {  	s6 =	sshrl.u32 s0, $0x1;
	s5 =	ssub.s32 $0x100, s3;
	s4 =	sshll.u32 s9, $0x5  }
0x8: {  	s7 =	sshrl.u32 s5, $0x7;
	s8 =	sshrl.u32 s5, $0x8;
	s4 =	sand.u32 $0x380, s4  }
0x9: {  	s5 =	sand.u32 $0x1, s6;
	s7 =	sand.u32 $0x1, s7;
	s10 =	ssub.s32 $0x400, s4  }
0xa: {  	s30 =	sxor.u32 $0x19, s5;
	s28 =	sadd.s32 s8, s7;
	s29 =	sand.u32 $0x380, s10  }
0xb: {  	s7 =	simm.s32 $0x1;
	s8 =	smul.u32 s30, s28;
	p0 =	sne.s32 s29, $0x0  }
.Ltmp0:
0xc: {  	s10 =	sshrl.u32 s10, $0xA;
	s7 =	simm.s32 @!p0 $0x0;
	(pc) =	sbr.rel .LBB1_1-.Ltmp0, $4  }
0xd: {  	s1 =	rddreg [dreg:$0x1];
	_ =	strace $0x80000047;
	s7 =	sadd.s32 s7, s10  }
0xe: {  	s15 =	smov.u32 s3;
	s6 =	simm.s32 $0x1;
	s7 =	smul.u32 s7, s8  }
0xf: {  	s9 =	sshll.u32 s9, $0x8;
	[sflag:s6] =	ssyncpa.u1 $0x0;
	s14 =	smov.u32 s5  }
0x10: {  	[sflag:s31] =	ssyncpa.u1 $0x0;
	s8 =	sadd.s32 $0x188000, s2;
	s10 =	sadd.s32 $0x1, s7  }
.LBB1_4:
0x11: {  	_ =	sdelay $0x3  }
0x12: {  	[tilespmem:v0+s22+$0xFFFFFFD0 ss:$0x1] =	vst.idx.msk $0xffff, v6  }
0x13: {  	v56 =	vld.idx.msk [tilespmem:v1+s21+$0x0 ss:$0x1], $0xffff;
	[tilespmem:v0+s22+$0xFFFFFFE0 ss:$0x1] =	vst.idx.msk $0xffff, v4  }
0x14: {  	v57 =	vld.idx.msk [tilespmem:v1+s21+$0xFFFFFF90 ss:$0x1], $0xffff;
	[tilespmem:v0+s22+$0xFFFFFFF0 ss:$0x1] =	vst.idx.msk $0xffff, v2  }
0x15: {  	v58 =	vld.idx.msk [tilespmem:v1+s21+$0xFFFFFFA0 ss:$0x1], $0xffff;
	[tilespmem:v0+s22+$0x0 ss:$0x1] =	vst.idx.msk $0xffff, v3  }
0x16: {  	v59 =	vld.idx.msk [tilespmem:v1+s21+$0xFFFFFFB0 ss:$0x1], $0xffff;
	[tilespmem:v0+s22+$0x10 ss:$0x1] =	vst.idx.msk $0xffff, v5  }
0x17: {  	v60 =	vld.idx.msk [tilespmem:v1+s21+$0xFFFFFFC0 ss:$0x1], $0xffff;
	[tilespmem:v0+s22+$0x20 ss:$0x1] =	vst.idx.msk $0xffff, v7  }
0x18: {  	v61 =	vld.idx.msk [tilespmem:v1+s21+$0xFFFFFFD0 ss:$0x1], $0xffff;
	[tilespmem:v0+s21+$0x30 ss:$0x1] =	vst.idx.msk $0xffff, v56  }
0x19: {  	v62 =	vld.idx.msk [tilespmem:v1+s21+$0xFFFFFFE0 ss:$0x1], $0xffff;
	[tilespmem:v0+s21+$0xFFFFFFC0 ss:$0x1] =	vst.idx.msk $0xffff, v57  }
0x1a: {  	v63 =	vld.idx.msk [tilespmem:v1+s21+$0xFFFFFFF0 ss:$0x1], $0xffff;
	[tilespmem:v0+s21+$0xFFFFFFD0 ss:$0x1] =	vst.idx.msk $0xffff, v58  }
0x1b: {  	[tilespmem:v0+s21+$0xFFFFFFE0 ss:$0x1] =	vst.idx.msk $0xffff, v59  }
0x1c: {  	s30 =	sshll.u32 s19, $0x7;
	s18 =	sshll.u32 s18, $0xF;
	s31 =	sshll.u32 s19, $0x4;
	[tilespmem:v0+s21+$0xFFFFFFF0 ss:$0x1] =	vst.idx.msk $0xffff, v60  }
0x1d: {  	s22 =	sand.u32 $0x7C00, s30;
	s19 =	sand.u32 $0x70, s31;
	s18 =	sadd.s32 s2, s18;
	[tilespmem:v0+s21+$0x0 ss:$0x1] =	vst.idx.msk $0xffff, v61  }
0x1e: {  	s17 =	sor.u32 s17, s22;
	s18 =	sadd.s32 s19, s18;
	[tilespmem:v0+s21+$0x10 ss:$0x1] =	vst.idx.msk $0xffff, v62  }
0x1f: {  	s17 =	sadd.s32 s17, s18;
	[tilespmem:v0+s21+$0x20 ss:$0x1] =	vst.idx.msk $0xffff, v63  }
0x20: {  	[hbm4b:s17+s11] =	stream.strided.scatter [tilespmem:s20], [sflag:$0x2], $0x4000, s12, s11, $0x38;
	[tilespmem:$0x10000] =	vst v63  }
.LBB1_5:
0x21: {  	s20 =	sadd.s32 $0x2, s14  }
0x22: {  	s18 =	sadd.s32 $0x100, s15;
	s21 =	smov.u32 s15;
	p1 =	sgt.s32 s20, $0x30  }
0x23: {  	s21 =	smov.u32 @p1 s18  }
0x24: {  	s20 =	smov.u32 @p1 s5;
	p1 =	sgt.s32 s21, $0xFF  }
0x25: {  	s21 =	smov.u32 @p1 s3;
	p1 =	sne.s32 s16, s10  }
.Ltmp1:
0x26: {  	p0 =	slt.u32 s16, $0x2;
	(pc) =	sbr.rel @!p1 .LBB1_6-.Ltmp1, $4  }
0x27: {  	s19 =	smov.u32 s15;
	s17 =	simm.s32 @!p0 $0x2  }
0x28: {  	s13 =	sadd.s32 $0x4000, s13;
	_ =	swait.ge @!p0 [sflag:s17], $0x4000;
	s18 =	smov.u32 s14  }
0x29: {  	[sflag:s17] =	ssyncset.done @!p0 $0x0;
	s14 =	smov.u32 s20;
	s16 =	sadd.s32 $0x1, s16  }
0x2a: {  	[sflag:s17] =	ssyncadd.s32 @!p0 $0xFFFFC000;
	s17 =	smov.u32 s4;
	s15 =	smov.u32 s21  }
.LBB1_1:
0x2b: {  	p0 =	sge.u32 s16, s7  }
0x2c: {  	s20 =	sshll.u32 @!p0 s14, $0xA  }
0x2d: {  	s20 =	sand.u32 @!p0 $0xFFFFE000, s20  }
0x2e: {  	s20 =	sor.u32 @!p0 s9, s20  }
0x2f: {  	s20 =	sshrl.u32 @!p0 s20, $0xA  }
0x30: {  	s21 =	smulhi.u32 @!p0 $0x4924925, s20;
	_ =	sdelay $0x1  }
0x31: {  	s21 =	smul.u32 @!p0 $0x38, s21  }
0x32: {  	s31 =	sadd.s32 $0xFFFFFFFF, s16;
	s22 =	smul.u32 @!p0 $0x1C00, s15  }
0x33: {  	s23 =	sxor.u32 @!p0 $0xFFFFFFFF, s16;
	s20 =	ssub.s32 @!p0 s20, s21;
	s21 =	sshll.u32 @!p0 s14, $0x4  }
0x34: {  	s23 =	sshll.u32 @!p0 s23, $0xE;
	s22 =	sadd.s32 @!p0 s8, s22;
	s21 =	sand.u32 @!p0 $0x70, s21  }
0x35: {  	s23 =	sand.u32 @!p0 $0x4000, s23;
	s20 =	sshll.u32 @!p0 s20, $0x7;
	s21 =	sadd.s32 @!p0 s21, s22  }
0x36: {  	s22 =	simm.s32 @!p0 $0xE000;
	s20 =	sadd.s32 @!p0 s20, s21;
	s21 =	simm.s32 @!p0 $0x80  }
0x37: {  	[tilespmem:s23], [sflag:$0x1] =	stream.strided.gather @!p0 [hbm4b:s20+s21], $0x4000, s22, s21, $0x38;
	[tilespmem:$0x10000] =	vst v63  }
0x38: {  	p0 =	sge.u32 s31, s7  }
.Ltmp2:
0x39: {  	_ = 	snop;
	(pc) =	sbr.rel @p0 .LBB1_5-.Ltmp2, $1  }
0x3a: {  	_ =	sdelay $0x3  }
0x3b: {  	s20 =	sand.u32 $0x4000, s13  }
0x3c: {  	s21 =	sor.u32 $0x70, s20  }
0x3d: {  	v1 =	vmov s21;
	_ =	sdelay $0x1  }
0x3e: {  	_ =	swait.ge [sflag:s6], $0x4000  }
0x3f: {  	[sflag:s6] =	ssyncset.done $0x0  }
0x40: {  	s22 =	simm.s32 $0x0;
	[sflag:s6] =	ssyncadd.s32 $0xFFFFC000  }
0x41: {  	s20 =	sor.u32 $0x8040, s20;
	v7 =	vld.idx.msk [tilespmem:v1+s22+$0x0 ss:$0x1], $0xffff  }
0x42: {  	v0 =	vmov s20;
	v8 =	vld.idx.msk [tilespmem:v1+s22+$0xFFFFFF90 ss:$0x1], $0xffff  }
0x43: {  	v6 =	vld.idx.msk [tilespmem:v1+s22+$0xFFFFFFA0 ss:$0x1], $0xffff  }
0x44: {  	v4 =	vld.idx.msk [tilespmem:v1+s22+$0xFFFFFFB0 ss:$0x1], $0xffff  }
0x45: {  	v2 =	vld.idx.msk [tilespmem:v1+s22+$0xFFFFFFC0 ss:$0x1], $0xffff  }
0x46: {  	s31 =	sshll.u32 s16, $0xE;
	v3 =	vld.idx.msk [tilespmem:v1+s22+$0xFFFFFFD0 ss:$0x1], $0xffff  }
0x47: {  	s20 =	sand.u32 $0x4000, s31;
	v5 =	vld.idx.msk [tilespmem:v1+s22+$0xFFFFFFE0 ss:$0x1], $0xffff;
	[tilespmem:v0+s22+$0x30 ss:$0x1] =	vst.idx.msk $0xffff, v7  }
0x48: {  	s23 =	simm.s32 $0x400;
	s21 =	simm.s32 $0x80;
	s20 =	sor.u32 $0x8000, s20;
	[tilespmem:v0+s22+$0xFFFFFFC0 ss:$0x1] =	vst.idx.msk $0xffff, v8;
	v7 =	vld.idx.msk [tilespmem:v1+s22+$0xFFFFFFF0 ss:$0x1], $0xffff  }
.LBB1_3:
0x49: {  	p0 =	sne.s32 s23, $0xFE00;
	v8 =	vld.idx.msk [tilespmem:v1+s21+$0x0 ss:$0x1], $0xffff;
	[tilespmem:v0+s22+$0xFFFFFFD0 ss:$0x1] =	vst.idx.msk $0xffff, v6  }
0x4a: {  	v9 =	vld.idx.msk [tilespmem:v1+s21+$0xFFFFFF90 ss:$0x1], $0xffff;
	[tilespmem:v0+s22+$0xFFFFFFE0 ss:$0x1] =	vst.idx.msk $0xffff, v4  }
0x4b: {  	v6 =	vld.idx.msk [tilespmem:v1+s21+$0xFFFFFFA0 ss:$0x1], $0xffff;
	[tilespmem:v0+s22+$0xFFFFFFF0 ss:$0x1] =	vst.idx.msk $0xffff, v2  }
.Ltmp3:
0x4c: {  	v4 =	vld.idx.msk [tilespmem:v1+s21+$0xFFFFFFB0 ss:$0x1], $0xffff;
	[tilespmem:v0+s22+$0x0 ss:$0x1] =	vst.idx.msk $0xffff, v3;
	(pc) =	sbr.rel @p0 .LBB1_3-.Ltmp3, $4  }
0x4d: {  	v2 =	vld.idx.msk [tilespmem:v1+s21+$0xFFFFFFC0 ss:$0x1], $0xffff;
	[tilespmem:v0+s22+$0x10 ss:$0x1] =	vst.idx.msk $0xffff, v5  }
0x4e: {  	v3 =	vld.idx.msk [tilespmem:v1+s21+$0xFFFFFFD0 ss:$0x1], $0xffff;
	[tilespmem:v0+s22+$0x20 ss:$0x1] =	vst.idx.msk $0xffff, v7;
	s22 =	smov.u32 s21  }
0x4f: {  	v5 =	vld.idx.msk [tilespmem:v1+s22+$0xFFFFFFE0 ss:$0x1], $0xffff;
	[tilespmem:v0+s22+$0x30 ss:$0x1] =	vst.idx.msk $0xffff, v8  }
0x50: {  	s21 =	sshra.s32 s23, $0x2;
	s23 =	sadd.s32 $0x200, s23;
	[tilespmem:v0+s22+$0xFFFFFFC0 ss:$0x1] =	vst.idx.msk $0xffff, v9;
	v7 =	vld.idx.msk [tilespmem:v1+s22+$0xFFFFFFF0 ss:$0x1], $0xffff  }
.Ltmp4:
0x51: {  	_ = 	snop;
	(pc) =	sbr.rel .LBB1_4-.Ltmp4, $1  }
0x52: {  	_ =	sdelay $0x3  }
.LBB1_6:
0x53: {  	_ =	sfence.sel $0x180000  }
0x54: {  	s2 =	simm.s32 $0x1;
	[bflag:$0x0] =	sbarrier.arrive $0xFFFF  }
0x55: {  	s31 =	simm.s32 $0x2;
	[sflag:s2] =	ssyncpa.u1 $0x1  }
0x56: {  	[sflag:s31] =	ssyncpa.u1 $0x1  }
0x57: {  	p0 =	sne.s32 s0, $0x0;
	_ =	strace $0x90000047  }
0x58: {  	s0 =	sadd.s32 @!p0 $0x100000, s1;
	[bflag:$0x2] =	sbarrier.arrive $0xFFFF  }
0x59: {  	[sflag:s0] =	ssyncadd.tile.s32 @!p0 $0x1;
	_ =	shalt  }
.Lfunc_end1:
_tile_overlayer_lowered:
.L_overlay_start_2:
0x5a: {  	(tag) =	ssettag $0x2  }
0x5b: {  	s0 =	rddreg [dreg:$0x0];
	s2 =	stileid.u32  }
0x5c: {  	s1 =	rddreg [dreg:$0x1];
	p0 =	sne.s32 s2, $0x0  }
0x5d: {  	s3 =	rddreg [dreg:$0x2];
	[bflag:$0x3] =	sbarrier.arrive $0xFFFF;
	s2 =	simm.s32 @!p0 $0x1C01  }
0x5e: {  	[timem:s3], [sflag:s2] =	dma.local @!p0 [hbm:s0], s1  }
0x5f: {  	s0 =	simm.s32 @!p0 $0x1  }
0x60: {  	_ =	swait.ge @!p0 [sflag:s0], s1  }
0x61: {  	s1 =	ssub.s32 @!p0 $0x0, s1;
	[sflag:s0] =	ssyncset.done @!p0 $0x0  }
0x62: {  	[sflag:s0] =	ssyncadd.s32 @!p0 s1  }
0x63: {  	[bflag:$0x3] =	sbarrier.arrive $0xFFFF  }
0x64: {  	_ =	shalt  }

</sc_bundles>
